<compile_context>
chip_gen: v7x
topology: tpu7x:2x2x1
jax: 0.10.2.dev20260603
libtpu: 0.0.44.dev20260713+nightly
codegen_flags: <defaults>
</compile_context>

<pallas_src>
import functools

import jax
import jax.numpy as jnp
from jax import lax
from jax.experimental import pallas as pl
from jax.experimental.pallas import tpu as pltpu
from jax.experimental.pallas import tpu_sc as plsc

_N = 10000
_E = 320000
_DIN = 128
_DH = 32
_NP = 10240

_NC = 2
_NS = 16
_NW = _NC * _NS
_CH = 128
_NCHUNK = _E // _CH
_CPW = _NCHUNK // _NW
_XTRA = _NCHUNK - _CPW * _NW
_BK = 3
_NGRP = _CPW // (2 * _BK)
_RPT = _NP // _NS

_BLK = 2048
_GRID = _NP // _BLK



_PB = _BLK // 4
_FB = _BLK * _DH


def _lin_body(x_ref, wl_ref, wr_ref, b_ref, y_ref, z_ref):
    xr = x_ref[...].reshape(_PB, 4, _DIN)
    ys, zs = [], []
    for m in range(4):
        xm = xr[:, m, :]
        ys.append(jnp.dot(xm, wl_ref[...], preferred_element_type=jnp.float32))
        zs.append(jnp.dot(xm, wr_ref[...], preferred_element_type=jnp.float32))
    yp = jnp.concatenate(ys, axis=1)
    zp = jnp.concatenate(zs, axis=1) + b_ref[...]
    y_ref[...] = yp.reshape(_FB)
    z_ref[...] = zp


def _recip_packed(c0, c1, r4):
    cnt = jnp.maximum(c0 + c1, 1.0)
    return jnp.dot(1.0 / cnt, r4, preferred_element_type=jnp.float32)


def _mid_body(p0_ref, p1_ref, c0_ref, c1_ref, z1_ref, w2l_ref, w2r_ref,
              b2_ref, r4_ref, y2_ref, z2_ref):
    aggp = (p0_ref[...] + p1_ref[...]).reshape(_PB, 128)
    rp = _recip_packed(c0_ref[...], c1_ref[...], r4_ref[...])
    hp = jnp.maximum(aggp * rp + z1_ref[...], 0.0)
    y2_ref[...] = jnp.dot(
        hp, w2l_ref[...], preferred_element_type=jnp.float32).reshape(_FB)
    z2_ref[...] = (
        jnp.dot(hp, w2r_ref[...], preferred_element_type=jnp.float32)
        + b2_ref[...])


def _fin_body(q0_ref, q1_ref, c0_ref, c1_ref, z2_ref, r4_ref, o_ref):
    qp = (q0_ref[...] + q1_ref[...]).reshape(_PB, 128)
    rp = _recip_packed(c0_ref[...], c1_ref[...], r4_ref[...])
    o_ref[...] = (qp * rp + z2_ref[...]).reshape(_FB)


def _flat_spec(off=0):
    if off:
        return pl.BlockSpec((_FB,), lambda i: (i + off,))
    return pl.BlockSpec((_FB,), lambda i: (i,))


def _pk_spec():
    return pl.BlockSpec((_PB, 128), lambda i: (i, 0))


def _cnt_spec():
    return pl.BlockSpec((_PB, 4), lambda i: (i, 0))


def _full_spec(shape):
    nd = len(shape)
    return pl.BlockSpec(shape, lambda i: (0,) * nd)



def _edge_pass_body(with_count, *refs):
    refs = list(refs)
    if with_count:
        (y_hbm, ei_hbm, out_hbm, cnt0_hbm, cnt1_hbm,
         acc, cntacc, sidx, didx) = refs[:9]
        bufs = refs[9:9 + 2 * _BK]
        (zbuf, zcnt, ones, psem, ssa, ssb) = refs[9 + 2 * _BK:15 + 2 * _BK]
        gsems = refs[15 + 2 * _BK:]
    else:
        (y_hbm, ei_hbm, out_hbm,
         acc, sidx, didx) = refs[:6]
        bufs = refs[6:6 + 2 * _BK]
        (zbuf, psem, ssa, ssb) = refs[6 + 2 * _BK:10 + 2 * _BK]
        gsems = refs[10 + 2 * _BK:]

    cid = lax.axis_index("c")
    tid = lax.axis_index("s")
    wid = tid * _NC + cid
    r0 = tid * _RPT
    e0 = wid * _CPW * _CH

    sic = pltpu.async_copy(ei_hbm.at[0, pl.ds(e0, _CPW * _CH)],
                           sidx.at[pl.ds(0, _CPW * _CH)], psem)

    def _ldd(i, _):
        pltpu.async_copy(ei_hbm.at[1, pl.ds(e0 + i * _CH, _CH)],
                         didx.at[i], psem)
        return 0
    lax.fori_loop(0, _CPW, _ldd, 0)

    ex0 = (_CPW * _NW + wid) * _CH

    @pl.when(wid < _XTRA)
    def _():
        pltpu.async_copy(ei_hbm.at[0, pl.ds(ex0, _CH)],
                         sidx.at[pl.ds(_CPW * _CH, _CH)], psem)
        pltpu.async_copy(ei_hbm.at[1, pl.ds(ex0, _CH)], didx.at[_CPW], psem)

    zeros16 = jnp.zeros((16,), jnp.float32)

    def _zrow(i, _):
        zbuf[i, pl.ds(0, 16)] = zeros16
        zbuf[i, pl.ds(16, 16)] = zeros16
        return 0
    lax.fori_loop(0, _RPT, _zrow, 0)

    if with_count:
        def _zc(i, _):
            zcnt[pl.ds(i * 16, 16)] = zeros16
            return 0
        lax.fori_loop(0, _RPT // 16, _zc, 0)
        ones16 = jnp.ones((16,), jnp.float32)
        for i in range(_CH // 16):
            ones[pl.ds(i * 16, 16)] = ones16

    pltpu.sync_copy(zbuf, acc.at[pl.ds(r0, _RPT)])
    if with_count:
        pltpu.sync_copy(zcnt, cntacc.at[pl.ds(r0, _RPT)])

    sic.wait()

    def _ldw(i, _):
        pltpu.make_async_copy(ei_hbm.at[1, pl.ds(0, _CH)], didx.at[0],
                              psem).wait()
        return 0
    lax.fori_loop(0, _CPW, _ldw, 0)

    @pl.when(wid < _XTRA)
    def _():
        pltpu.make_async_copy(ei_hbm.at[0, pl.ds(0, _CH)],
                              sidx.at[pl.ds(_CPW * _CH, _CH)], psem).wait()
        pltpu.make_async_copy(ei_hbm.at[1, pl.ds(0, _CH)], didx.at[0],
                              psem).wait()

    plsc.subcore_barrier()

    def _gather(c, buf, sem):
        return pltpu.async_copy(y_hbm.at[sidx.at[pl.ds(c * _CH, _CH)]],
                                buf, sem)

    def _gwait(buf, sem):
        pltpu.make_async_copy(y_hbm.at[sidx.at[pl.ds(0, _CH)]], buf,
                              sem).wait()

    def _scat(c, buf, sem):
        pltpu.async_copy(buf, acc.at[didx.at[c]], sem, add=True)
        if with_count:
            pltpu.async_copy(ones, cntacc.at[didx.at[c]], sem, add=True)

    def _sdrain(buf, sem):
        pltpu.make_async_copy(buf, acc.at[didx.at[0]], sem).wait()
        if with_count:
            pltpu.make_async_copy(ones, cntacc.at[didx.at[0]], sem).wait()

    for b in range(_BK):
        _gather(b, bufs[b], gsems[b])
    for b in range(_BK):
        _gather(_BK + b, bufs[_BK + b], gsems[_BK + b])

    def _group(j, _):
        c = j * 2 * _BK
        for b in range(_BK):
            _gwait(bufs[b], gsems[b])
            _scat(c + b, bufs[b], ssa)
        for b in range(_BK):
            _sdrain(bufs[b], ssa)

        @pl.when(j < _NGRP - 1)
        def _():
            for b in range(_BK):
                _gather(c + 2 * _BK + b, bufs[b], gsems[b])

        for b in range(_BK):
            _gwait(bufs[_BK + b], gsems[_BK + b])
            _scat(c + _BK + b, bufs[_BK + b], ssb)
        for b in range(_BK):
            _sdrain(bufs[_BK + b], ssb)

        @pl.when(j < _NGRP - 1)
        def _():
            for b in range(_BK):
                _gather(c + 3 * _BK + b, bufs[_BK + b], gsems[_BK + b])
        return 0
    lax.fori_loop(0, _NGRP, _group, 0)

    @pl.when(wid < _XTRA)
    def _():
        _gather(_CPW, bufs[0], gsems[0])
        _gwait(bufs[0], gsems[0])
        _scat(_CPW, bufs[0], ssa)
        _sdrain(bufs[0], ssa)

    plsc.subcore_barrier()

    pltpu.sync_copy(acc.at[pl.ds(r0, _RPT)], out_hbm.at[cid, pl.ds(r0, _RPT)])
    if with_count:
        @pl.when(cid == 0)
        def _():
            pltpu.sync_copy(cntacc.at[pl.ds(r0, _RPT)],
                            cnt0_hbm.at[pl.ds(r0, _RPT)])

        @pl.when(cid == 1)
        def _():
            pltpu.sync_copy(cntacc.at[pl.ds(r0, _RPT)],
                            cnt1_hbm.at[pl.ds(r0, _RPT)])


def _make_edge_pass(with_count):
    out_type = [jax.ShapeDtypeStruct((_NC, _NP, _DH), jnp.float32)]
    if with_count:
        out_type.append(jax.ShapeDtypeStruct((_NP,), jnp.float32))
        out_type.append(jax.ShapeDtypeStruct((_NP,), jnp.float32))
    scratch = [
        pltpu.VMEM_SHARED((_NP, _DH), jnp.float32),
    ]
    if with_count:
        scratch.append(pltpu.VMEM_SHARED((_NP,), jnp.float32))
    scratch += [
        pltpu.VMEM(((_CPW + 1) * _CH,), jnp.int32),
        pltpu.VMEM((_CPW + 1, _CH), jnp.int32),
    ]
    scratch += [pltpu.VMEM((_CH, _DH), jnp.float32) for _ in range(2 * _BK)]
    scratch.append(pltpu.VMEM((_RPT, _DH), jnp.float32))
    if with_count:
        scratch.append(pltpu.VMEM((_RPT,), jnp.float32))
        scratch.append(pltpu.VMEM((_CH,), jnp.float32))
    scratch += [pltpu.SemaphoreType.DMA,
                pltpu.SemaphoreType.DMA,
                pltpu.SemaphoreType.DMA]
    scratch += [pltpu.SemaphoreType.DMA for _ in range(2 * _BK)]

    return pl.kernel(
        functools.partial(_edge_pass_body, with_count),
        out_type=out_type,
        mesh=plsc.VectorSubcoreMesh(core_axis_name="c", subcore_axis_name="s"),
        scratch_types=scratch,
        compiler_params=pltpu.CompilerParams(use_tc_tiling_on_sc=False),
    )


_edge_pass_l1 = _make_edge_pass(True)
_edge_pass_l2 = _make_edge_pass(False)



def _impl(x, edge_index, W1l, b1, W1r, W2l, b2, W2r):
    f32 = jnp.float32
    ei = edge_index.astype(jnp.int32)
    eye4 = jnp.eye(4, dtype=f32)
    b1p = jnp.tile(b1, 4).reshape(1, 128)
    b2p = jnp.tile(b2, 4).reshape(1, 128)
    W2lB = jnp.kron(eye4, W2l)
    W2rB = jnp.kron(eye4, W2r)
    R4 = jnp.kron(eye4, jnp.ones((1, _DH), f32))

    y1f, z1 = pl.pallas_call(
        _lin_body,
        grid=(_GRID,),
        in_specs=[pl.BlockSpec((_BLK, _DIN), lambda i: (i, 0)),
                  _full_spec((_DIN, _DH)), _full_spec((_DIN, _DH)),
                  _full_spec((1, 128))],
        out_specs=[_flat_spec(), _pk_spec()],
        out_shape=[jax.ShapeDtypeStruct((_NP * _DH,), f32),
                   jax.ShapeDtypeStruct((_NP // 4, 128), f32)],
    )(x, W1l, W1r, b1p)

    p, cnt0, cnt1 = _edge_pass_l1(y1f.reshape(_NP, _DH), ei)
    pf = p.reshape(_NC * _NP * _DH)
    c02, c12 = cnt0.reshape(_NP // 4, 4), cnt1.reshape(_NP // 4, 4)

    y2f, z2 = pl.pallas_call(
        _mid_body,
        grid=(_GRID,),
        in_specs=[_flat_spec(), _flat_spec(_GRID), _cnt_spec(), _cnt_spec(),
                  _pk_spec(), _full_spec((128, 128)), _full_spec((128, 128)),
                  _full_spec((1, 128)), _full_spec((4, 128))],
        out_specs=[_flat_spec(), _pk_spec()],
        out_shape=[jax.ShapeDtypeStruct((_NP * _DH,), f32),
                   jax.ShapeDtypeStruct((_NP // 4, 128), f32)],
    )(pf, pf, c02, c12, z1, W2lB, W2rB, b2p, R4)

    (q,) = _edge_pass_l2(y2f.reshape(_NP, _DH), ei)
    qf = q.reshape(_NC * _NP * _DH)

    outf = pl.pallas_call(
        _fin_body,
        grid=(_GRID,),
        in_specs=[_flat_spec(), _flat_spec(_GRID), _cnt_spec(), _cnt_spec(),
                  _pk_spec(), _full_spec((4, 128))],
        out_specs=_flat_spec(),
        out_shape=jax.ShapeDtypeStruct((_NP * _DH,), f32),
    )(qf, qf, c02, c12, z2, R4)
    return outf.reshape(_NP, _DH)[:_N]


def kernel(x, edge_index, W1l, b1, W1r, W2l, b2, W2r):
    assert x.shape == (_N, _DIN) and edge_index.shape == (2, _E)
    return _impl(x, edge_index, W1l, b1, W1r, W2l, b2, W2r)

# --- scband reference (transcript-rebuilt; emitter-appended) ---
"""Pipeline reference for scband-graph-sagemodule-41412074668542 (READ-ONLY COPY).

The authoritative reference and input builder live on the scoring server;
editing this copy changes nothing except your own understanding.
"""

import jax, jax.numpy as jnp
import numpy as np

N_NODES = 10000
N_EDGES = 320000
D_IN = 128
D_HID = 32


def setup_inputs(seed: int = 0) -> dict:
    key = jax.random.key(seed)
    ks = jax.random.split(key, 8)
    x = jax.random.normal(ks[0], (N_NODES, D_IN), dtype=jnp.float32)
    edge_index = jax.random.randint(ks[1], (2, N_EDGES), 0, N_NODES, dtype=jnp.int64 if jax.config.jax_enable_x64 else jnp.int32)
    # SAGEConv layer 1: (128 -> 32). lin_l applies to aggregated neighbors (has bias),
    # lin_r applies to root features (no bias), matching torch_geometric SAGEConv.
    s1 = 1.0 / np.sqrt(D_IN)
    W1l = jax.random.uniform(ks[2], (D_IN, D_HID), minval=-s1, maxval=s1, dtype=jnp.float32)
    b1 = jax.random.uniform(ks[3], (D_HID,), minval=-s1, maxval=s1, dtype=jnp.float32)
    W1r = jax.random.uniform(ks[4], (D_IN, D_HID), minval=-s1, maxval=s1, dtype=jnp.float32)
    # SAGEConv layer 2: (32 -> 32)
    s2 = 1.0 / np.sqrt(D_HID)
    W2l = jax.random.uniform(ks[5], (D_HID, D_HID), minval=-s2, maxval=s2, dtype=jnp.float32)
    b2 = jax.random.uniform(ks[6], (D_HID,), minval=-s2, maxval=s2, dtype=jnp.float32)
    W2r = jax.random.uniform(ks[7], (D_HID, D_HID), minval=-s2, maxval=s2, dtype=jnp.float32)
    return {"x": x, "edge_index": edge_index, "W1l": W1l, "b1": b1, "W1r": W1r, "W2l": W2l, "b2": b2, "W2r": W2r}


def _sage_conv(x, edge_index, Wl, b, Wr):
    src = edge_index[0]
    dst = edge_index[1]
    msg = jnp.take(x, src, axis=0)                      # gather neighbor feats [E, d]
    agg = jax.ops.segment_sum(msg, dst, num_segments=N_NODES)
    cnt = jax.ops.segment_sum(jnp.ones((msg.shape[0], 1), dtype=x.dtype), dst, num_segments=N_NODES)
    mean = agg / jnp.maximum(cnt, 1.0)                  # mean aggregation
    return mean @ Wl + b + x @ Wr


def reference(x, edge_index, W1l, b1, W1r, W2l, b2, W2r):
    h = _sage_conv(x, edge_index, W1l, b1, W1r)
    h = jax.nn.relu(h)
    out = _sage_conv(h, edge_index, W2l, b2, W2r)
    return out

if __name__ == "__main__":
    import jax
    _d = setup_inputs()
    print(jax.jit(kernel)(*tuple(_d.values())))

</pallas_src>

<mosaic_0001>
#map = affine_map<(d0, d1) -> (0, 0)>
#map1 = affine_map<(d0, d1) -> (0, 0, 0)>
#map2 = affine_map<(d0, d1) -> (0)>
module attributes {stable_mosaic.version = 14 : i64} {
  func.func @_edge_pass_body(%arg0: i32, %arg1: i32, %arg2: memref<10240x32xf32, #tpu.memory_space<hbm>>, %arg3: memref<2x320000xi32, #tpu.memory_space<hbm>>, %arg4: memref<2x10240x32xf32, #tpu.memory_space<hbm>>, %arg5: memref<10240xf32, #tpu.memory_space<hbm>>, %arg6: memref<10240xf32, #tpu.memory_space<hbm>>, %arg7: memref<10240x32xf32, #tpu.memory_space<vmem_shared>>, %arg8: memref<10240xf32, #tpu.memory_space<vmem_shared>>, %arg9: memref<10112xi32, #tpu.memory_space<vmem>>, %arg10: memref<79x128xi32, #tpu.memory_space<vmem>>, %arg11: memref<128x32xf32, #tpu.memory_space<vmem>>, %arg12: memref<128x32xf32, #tpu.memory_space<vmem>>, %arg13: memref<128x32xf32, #tpu.memory_space<vmem>>, %arg14: memref<128x32xf32, #tpu.memory_space<vmem>>, %arg15: memref<128x32xf32, #tpu.memory_space<vmem>>, %arg16: memref<128x32xf32, #tpu.memory_space<vmem>>, %arg17: memref<640x32xf32, #tpu.memory_space<vmem>>, %arg18: memref<640xf32, #tpu.memory_space<vmem>>, %arg19: memref<128xf32, #tpu.memory_space<vmem>>, %arg20: memref<!tpu.dma_semaphore, #tpu.memory_space<semaphore_mem>>, %arg21: memref<!tpu.dma_semaphore, #tpu.memory_space<semaphore_mem>>, %arg22: memref<!tpu.dma_semaphore, #tpu.memory_space<semaphore_mem>>, %arg23: memref<!tpu.dma_semaphore, #tpu.memory_space<semaphore_mem>>, %arg24: memref<!tpu.dma_semaphore, #tpu.memory_space<semaphore_mem>>, %arg25: memref<!tpu.dma_semaphore, #tpu.memory_space<semaphore_mem>>, %arg26: memref<!tpu.dma_semaphore, #tpu.memory_space<semaphore_mem>>, %arg27: memref<!tpu.dma_semaphore, #tpu.memory_space<semaphore_mem>>, %arg28: memref<!tpu.dma_semaphore, #tpu.memory_space<semaphore_mem>>) attributes {dimension_semantics = [#tpu.dimension_semantics<core_parallel>, #tpu.dimension_semantics<subcore_parallel>], iteration_bounds = array<i64: 2, 16>, scalar_prefetch = 0 : i64, scratch_operands = 22 : i64, tpu.core_type = #tpu.core_type<sc_vector_subcore>, window_params = [{transform_indices = #map}, {transform_indices = #map}, {transform_indices = #map1}, {transform_indices = #map2}, {transform_indices = #map2}]} {
    %mul3A = arith.constant 2 : i32
    %mul3A_0 = arith.muli %arg1, %mul3A : i32
    %add3A = arith.addi %mul3A_0, %arg0 : i32
    %mul3A_1 = arith.constant 640 : i32
    %mul3A_2 = arith.muli %arg1, %mul3A_1 : i32
    %mul3A_3 = arith.constant 78 : i32
    %mul3A_4 = arith.muli %add3A, %mul3A_3 : i32
    %mul3A_5 = arith.constant 128 : i32
    %mul3A_6 = arith.muli %mul3A_4, %mul3A_5 : i32
    %dma_start3A = arith.constant 0 : i32
    %dma_start3A_7 = arith.constant 0 : i32
    %dma_start3A_8 = tpu.memref_slice %arg9[%dma_start3A_7] : memref<10112xi32, #tpu.memory_space<vmem>> -> memref<9984xi32, #tpu.memory_space<vmem>>
    %dma_start3A_9 = tpu.memref_slice %arg3[%dma_start3A, %mul3A_6] : memref<2x320000xi32, #tpu.memory_space<hbm>> -> memref<1x9984xi32, #tpu.memory_space<hbm>>
    %dma_start3A_10 = tpu.memref_squeeze %dma_start3A_9 : memref<1x9984xi32, #tpu.memory_space<hbm>> -> memref<9984xi32, #tpu.memory_space<hbm>>
    %dma_start3A_11 = arith.constant 0 : i32
    %dma_start3A_12 = tpu.memref_slice %arg9[%dma_start3A_11] : memref<10112xi32, #tpu.memory_space<vmem>> -> memref<9984xi32, #tpu.memory_space<vmem>>
    %dma_start3A_13 = tpu.memref_slice %arg3[%dma_start3A, %mul3A_6] : memref<2x320000xi32, #tpu.memory_space<hbm>> -> memref<1x9984xi32, #tpu.memory_space<hbm>>
    %dma_start3A_14 = tpu.memref_squeeze %dma_start3A_13 : memref<1x9984xi32, #tpu.memory_space<hbm>> -> memref<9984xi32, #tpu.memory_space<hbm>>
    tpu.enqueue_dma source(%dma_start3A_14 : memref<9984xi32, #tpu.memory_space<hbm>>) target(%dma_start3A_12 : memref<9984xi32, #tpu.memory_space<vmem>>) target_semaphore(%arg20 : memref<!tpu.dma_semaphore, #tpu.memory_space<semaphore_mem>>)
    %scan3A = arith.constant 0 : i32
    %scan3A_15 = arith.constant 0 : i32
    %scan3A_16 = arith.constant 78 : i32
    %scan3A_17 = arith.addi %scan3A_15, %scan3A_16 : i32
    %scan3A_18 = arith.constant 1 : i32
    %scan3A_19 = scf.for %scan3A_147 = %scan3A_15 to %scan3A_17 step %scan3A_18 iter_args(%scan3A_148 = %scan3A) -> (i32)  : i32 {
      %mul3A_149 = arith.constant 128 : i32
      %mul3A_150 = arith.muli %scan3A_147, %mul3A_149 : i32
      %add3A_151 = arith.addi %mul3A_6, %mul3A_150 : i32
      %dma_start3A_152 = arith.constant 1 : i32
      %dma_start3A_153 = arith.constant 0 : i32
      %dma_start3A_154 = tpu.memref_slice %arg10[%scan3A_147, %dma_start3A_153] : memref<79x128xi32, #tpu.memory_space<vmem>> -> memref<1x128xi32, #tpu.memory_space<vmem>>
      %dma_start3A_155 = tpu.memref_squeeze %dma_start3A_154 : memref<1x128xi32, #tpu.memory_space<vmem>> -> memref<128xi32, #tpu.memory_space<vmem>>
      %dma_start3A_156 = tpu.memref_slice %arg3[%dma_start3A_152, %add3A_151] : memref<2x320000xi32, #tpu.memory_space<hbm>> -> memref<1x128xi32, #tpu.memory_space<hbm>>
      %dma_start3A_157 = tpu.memref_squeeze %dma_start3A_156 : memref<1x128xi32, #tpu.memory_space<hbm>> -> memref<128xi32, #tpu.memory_space<hbm>>
      %dma_start3A_158 = arith.constant 0 : i32
      %dma_start3A_159 = tpu.memref_slice %arg10[%scan3A_147, %dma_start3A_158] : memref<79x128xi32, #tpu.memory_space<vmem>> -> memref<1x128xi32, #tpu.memory_space<vmem>>
      %dma_start3A_160 = tpu.memref_squeeze %dma_start3A_159 : memref<1x128xi32, #tpu.memory_space<vmem>> -> memref<128xi32, #tpu.memory_space<vmem>>
      %dma_start3A_161 = tpu.memref_slice %arg3[%dma_start3A_152, %add3A_151] : memref<2x320000xi32, #tpu.memory_space<hbm>> -> memref<1x128xi32, #tpu.memory_space<hbm>>
      %dma_start3A_162 = tpu.memref_squeeze %dma_start3A_161 : memref<1x128xi32, #tpu.memory_space<hbm>> -> memref<128xi32, #tpu.memory_space<hbm>>
      tpu.enqueue_dma source(%dma_start3A_162 : memref<128xi32, #tpu.memory_space<hbm>>) target(%dma_start3A_160 : memref<128xi32, #tpu.memory_space<vmem>>) target_semaphore(%arg20 : memref<!tpu.dma_semaphore, #tpu.memory_space<semaphore_mem>>)
      %scan3A_163 = arith.constant 0 : i32
      scf.yield %scan3A_163 : i32
    }
    %scan3A_20 = arith.constant 78 : i32
    %add3A_21 = arith.constant 2496 : i32
    %add3A_22 = arith.addi %add3A_21, %add3A : i32
    %mul3A_23 = arith.constant 128 : i32
    %mul3A_24 = arith.muli %add3A_22, %mul3A_23 : i32
    %lt3A = arith.constant 4 : i32
    %lt3A_25 = arith.cmpi slt, %add3A, %lt3A : i32
    %convert_element_type3A = arith.extui %lt3A_25 : i1 to i32
    %cond3A = arith.constant 0 : i32
    %cond3A_26 = arith.cmpi ne, %convert_element_type3A, %cond3A : i32
    scf.if %cond3A_26 {
      %dma_start3A_147 = arith.constant 0 : i32
      %dma_start3A_148 = arith.constant 9984 : i32
      %dma_start3A_149 = tpu.memref_slice %arg9[%dma_start3A_148] : memref<10112xi32, #tpu.memory_space<vmem>> -> memref<128xi32, #tpu.memory_space<vmem>>
      %dma_start3A_150 = tpu.memref_slice %arg3[%dma_start3A_147, %mul3A_24] : memref<2x320000xi32, #tpu.memory_space<hbm>> -> memref<1x128xi32, #tpu.memory_space<hbm>>
      %dma_start3A_151 = tpu.memref_squeeze %dma_start3A_150 : memref<1x128xi32, #tpu.memory_space<hbm>> -> memref<128xi32, #tpu.memory_space<hbm>>
      %dma_start3A_152 = arith.constant 9984 : i32
      %dma_start3A_153 = tpu.memref_slice %arg9[%dma_start3A_152] : memref<10112xi32, #tpu.memory_space<vmem>> -> memref<128xi32, #tpu.memory_space<vmem>>
      %dma_start3A_154 = tpu.memref_slice %arg3[%dma_start3A_147, %mul3A_24] : memref<2x320000xi32, #tpu.memory_space<hbm>> -> memref<1x128xi32, #tpu.memory_space<hbm>>
      %dma_start3A_155 = tpu.memref_squeeze %dma_start3A_154 : memref<1x128xi32, #tpu.memory_space<hbm>> -> memref<128xi32, #tpu.memory_space<hbm>>
      tpu.enqueue_dma source(%dma_start3A_155 : memref<128xi32, #tpu.memory_space<hbm>>) target(%dma_start3A_153 : memref<128xi32, #tpu.memory_space<vmem>>) target_semaphore(%arg20 : memref<!tpu.dma_semaphore, #tpu.memory_space<semaphore_mem>>)
      %dma_start3A_156 = arith.constant 1 : i32
      %dma_start3A_157 = arith.constant 78 : i32
      %dma_start3A_158 = arith.constant 0 : i32
      %dma_start3A_159 = tpu.memref_slice %arg10[%dma_start3A_157, %dma_start3A_158] : memref<79x128xi32, #tpu.memory_space<vmem>> -> memref<1x128xi32, #tpu.memory_space<vmem>>
      %dma_start3A_160 = tpu.memref_squeeze %dma_start3A_159 : memref<1x128xi32, #tpu.memory_space<vmem>> -> memref<128xi32, #tpu.memory_space<vmem>>
      %dma_start3A_161 = tpu.memref_slice %arg3[%dma_start3A_156, %mul3A_24] : memref<2x320000xi32, #tpu.memory_space<hbm>> -> memref<1x128xi32, #tpu.memory_space<hbm>>
      %dma_start3A_162 = tpu.memref_squeeze %dma_start3A_161 : memref<1x128xi32, #tpu.memory_space<hbm>> -> memref<128xi32, #tpu.memory_space<hbm>>
      %dma_start3A_163 = arith.constant 0 : i32
      %dma_start3A_164 = tpu.memref_slice %arg10[%dma_start3A_157, %dma_start3A_163] : memref<79x128xi32, #tpu.memory_space<vmem>> -> memref<1x128xi32, #tpu.memory_space<vmem>>
      %dma_start3A_165 = tpu.memref_squeeze %dma_start3A_164 : memref<1x128xi32, #tpu.memory_space<vmem>> -> memref<128xi32, #tpu.memory_space<vmem>>
      %dma_start3A_166 = tpu.memref_slice %arg3[%dma_start3A_156, %mul3A_24] : memref<2x320000xi32, #tpu.memory_space<hbm>> -> memref<1x128xi32, #tpu.memory_space<hbm>>
      %dma_start3A_167 = tpu.memref_squeeze %dma_start3A_166 : memref<1x128xi32, #tpu.memory_space<hbm>> -> memref<128xi32, #tpu.memory_space<hbm>>
      tpu.enqueue_dma source(%dma_start3A_167 : memref<128xi32, #tpu.memory_space<hbm>>) target(%dma_start3A_165 : memref<128xi32, #tpu.memory_space<vmem>>) target_semaphore(%arg20 : memref<!tpu.dma_semaphore, #tpu.memory_space<semaphore_mem>>)
    } else {
    }
    %broadcast_in_dim3A = arith.constant 0.000000e+00 : f32
    %broadcast_in_dim3A_27 = vector.broadcast %broadcast_in_dim3A : f32 to vector<16xf32>
    %scan3A_28 = arith.constant 0 : i32
    %scan3A_29 = arith.constant 0 : i32
    %scan3A_30 = arith.constant 640 : i32
    %scan3A_31 = arith.addi %scan3A_29, %scan3A_30 : i32
    %scan3A_32 = arith.constant 1 : i32
    %scan3A_33 = scf.for %scan3A_147 = %scan3A_29 to %scan3A_31 step %scan3A_32 iter_args(%scan3A_148 = %scan3A_28) -> (i32)  : i32 {
      %swap3A_149 = arith.index_cast %scan3A_147 : i32 to index
      %swap3A_150 = arith.constant 0 : index
      %swap3A_151 = tpu.vector_load %arg17[%swap3A_149, %swap3A_150] {strides = array<i32>} : memref<640x32xf32, #tpu.memory_space<vmem>>, vector<1x16xf32>,
      %swap3A_152 = vector.shape_cast %swap3A_151 : vector<1x16xf32> to vector<16xf32>
      %swap3A_153 = vector.shape_cast %broadcast_in_dim3A_27 : vector<16xf32> to vector<1x16xf32>
      tpu.vector_store %arg17[%swap3A_149, %swap3A_150], %swap3A_153 {strides = array<i32>} : memref<640x32xf32, #tpu.memory_space<vmem>>, vector<1x16xf32>,
      %swap3A_154 = arith.index_cast %scan3A_147 : i32 to index
      %swap3A_155 = arith.constant 16 : index
      %swap3A_156 = tpu.vector_load %arg17[%swap3A_154, %swap3A_155] {strides = array<i32>} : memref<640x32xf32, #tpu.memory_space<vmem>>, vector<1x16xf32>,
      %swap3A_157 = vector.shape_cast %swap3A_156 : vector<1x16xf32> to vector<16xf32>
      %swap3A_158 = vector.shape_cast %broadcast_in_dim3A_27 : vector<16xf32> to vector<1x16xf32>
      tpu.vector_store %arg17[%swap3A_154, %swap3A_155], %swap3A_158 {strides = array<i32>} : memref<640x32xf32, #tpu.memory_space<vmem>>, vector<1x16xf32>,
      %scan3A_159 = arith.constant 0 : i32
      scf.yield %scan3A_159 : i32
    }
    %scan3A_34 = arith.constant 640 : i32
    %scan3A_35 = arith.constant 0 : i32
    %scan3A_36 = arith.constant 0 : i32
    %scan3A_37 = arith.constant 40 : i32
    %scan3A_38 = arith.addi %scan3A_36, %scan3A_37 : i32
    %scan3A_39 = arith.constant 1 : i32
    %scan3A_40 = scf.for %scan3A_147 = %scan3A_36 to %scan3A_38 step %scan3A_39 iter_args(%scan3A_148 = %scan3A_35) -> (i32)  : i32 {
      %mul3A_149 = arith.constant 16 : i32
      %mul3A_150 = arith.muli %scan3A_147, %mul3A_149 : i32
      %swap3A_151 = arith.index_cast %mul3A_150 : i32 to index
      %swap3A_152 = tpu.vector_load %arg18[%swap3A_151] {strides = array<i32>} : memref<640xf32, #tpu.memory_space<vmem>>, vector<16xf32>,
      %swap3A_153 = vector.shape_cast %swap3A_152 : vector<16xf32> to vector<16xf32>
      %swap3A_154 = vector.shape_cast %broadcast_in_dim3A_27 : vector<16xf32> to vector<16xf32>
      tpu.vector_store %arg18[%swap3A_151], %swap3A_154 {strides = array<i32>} : memref<640xf32, #tpu.memory_space<vmem>>, vector<16xf32>,
      %scan3A_155 = arith.constant 0 : i32
      scf.yield %scan3A_155 : i32
    }
    %scan3A_41 = arith.constant 40 : i32
    %broadcast_in_dim3A_42 = arith.constant 1.000000e+00 : f32
    %broadcast_in_dim3A_43 = vector.broadcast %broadcast_in_dim3A_42 : f32 to vector<16xf32>
    %swap3A = arith.constant 0 : index
    %swap3A_44 = tpu.vector_load %arg19[%swap3A] {strides = array<i32>} : memref<128xf32, #tpu.memory_space<vmem>>, vector<16xf32>,
    %swap3A_45 = vector.shape_cast %swap3A_44 : vector<16xf32> to vector<16xf32>
    %swap3A_46 = vector.shape_cast %broadcast_in_dim3A_43 : vector<16xf32> to vector<16xf32>
    tpu.vector_store %arg19[%swap3A], %swap3A_46 {strides = array<i32>} : memref<128xf32, #tpu.memory_space<vmem>>, vector<16xf32>,
    %swap3A_47 = arith.constant 16 : index
    %swap3A_48 = tpu.vector_load %arg19[%swap3A_47] {strides = array<i32>} : memref<128xf32, #tpu.memory_space<vmem>>, vector<16xf32>,
    %swap3A_49 = vector.shape_cast %swap3A_48 : vector<16xf32> to vector<16xf32>
    %swap3A_50 = vector.shape_cast %broadcast_in_dim3A_43 : vector<16xf32> to vector<16xf32>
    tpu.vector_store %arg19[%swap3A_47], %swap3A_50 {strides = array<i32>} : memref<128xf32, #tpu.memory_space<vmem>>, vector<16xf32>,
    %swap3A_51 = arith.constant 32 : index
    %swap3A_52 = tpu.vector_load %arg19[%swap3A_51] {strides = array<i32>} : memref<128xf32, #tpu.memory_space<vmem>>, vector<16xf32>,
    %swap3A_53 = vector.shape_cast %swap3A_52 : vector<16xf32> to vector<16xf32>
    %swap3A_54 = vector.shape_cast %broadcast_in_dim3A_43 : vector<16xf32> to vector<16xf32>
    tpu.vector_store %arg19[%swap3A_51], %swap3A_54 {strides = array<i32>} : memref<128xf32, #tpu.memory_space<vmem>>, vector<16xf32>,
    %swap3A_55 = arith.constant 48 : index
    %swap3A_56 = tpu.vector_load %arg19[%swap3A_55] {strides = array<i32>} : memref<128xf32, #tpu.memory_space<vmem>>, vector<16xf32>,
    %swap3A_57 = vector.shape_cast %swap3A_56 : vector<16xf32> to vector<16xf32>
    %swap3A_58 = vector.shape_cast %broadcast_in_dim3A_43 : vector<16xf32> to vector<16xf32>
    tpu.vector_store %arg19[%swap3A_55], %swap3A_58 {strides = array<i32>} : memref<128xf32, #tpu.memory_space<vmem>>, vector<16xf32>,
    %swap3A_59 = arith.constant 64 : index
    %swap3A_60 = tpu.vector_load %arg19[%swap3A_59] {strides = array<i32>} : memref<128xf32, #tpu.memory_space<vmem>>, vector<16xf32>,
    %swap3A_61 = vector.shape_cast %swap3A_60 : vector<16xf32> to vector<16xf32>
    %swap3A_62 = vector.shape_cast %broadcast_in_dim3A_43 : vector<16xf32> to vector<16xf32>
    tpu.vector_store %arg19[%swap3A_59], %swap3A_62 {strides = array<i32>} : memref<128xf32, #tpu.memory_space<vmem>>, vector<16xf32>,
    %swap3A_63 = arith.constant 80 : index
    %swap3A_64 = tpu.vector_load %arg19[%swap3A_63] {strides = array<i32>} : memref<128xf32, #tpu.memory_space<vmem>>, vector<16xf32>,
    %swap3A_65 = vector.shape_cast %swap3A_64 : vector<16xf32> to vector<16xf32>
    %swap3A_66 = vector.shape_cast %broadcast_in_dim3A_43 : vector<16xf32> to vector<16xf32>
    tpu.vector_store %arg19[%swap3A_63], %swap3A_66 {strides = array<i32>} : memref<128xf32, #tpu.memory_space<vmem>>, vector<16xf32>,
    %swap3A_67 = arith.constant 96 : index
    %swap3A_68 = tpu.vector_load %arg19[%swap3A_67] {strides = array<i32>} : memref<128xf32, #tpu.memory_space<vmem>>, vector<16xf32>,
    %swap3A_69 = vector.shape_cast %swap3A_68 : vector<16xf32> to vector<16xf32>
    %swap3A_70 = vector.shape_cast %broadcast_in_dim3A_43 : vector<16xf32> to vector<16xf32>
    tpu.vector_store %arg19[%swap3A_67], %swap3A_70 {strides = array<i32>} : memref<128xf32, #tpu.memory_space<vmem>>, vector<16xf32>,
    %swap3A_71 = arith.constant 112 : index
    %swap3A_72 = tpu.vector_load %arg19[%swap3A_71] {strides = array<i32>} : memref<128xf32, #tpu.memory_space<vmem>>, vector<16xf32>,
    %swap3A_73 = vector.shape_cast %swap3A_72 : vector<16xf32> to vector<16xf32>
    %swap3A_74 = vector.shape_cast %broadcast_in_dim3A_43 : vector<16xf32> to vector<16xf32>
    tpu.vector_store %arg19[%swap3A_71], %swap3A_74 {strides = array<i32>} : memref<128xf32, #tpu.memory_space<vmem>>, vector<16xf32>,
    "tpu.region"() ({
      %run_scoped3A = tpu.sem_alloc : memref<!tpu.dma_semaphore, #tpu.memory_space<semaphore_mem>>
      %dma_start3A_147 = arith.constant 0 : i32
      %dma_start3A_148 = tpu.memref_slice %arg7[%mul3A_2, %dma_start3A_147] : memref<10240x32xf32, #tpu.memory_space<vmem_shared>> -> memref<640x32xf32, #tpu.memory_space<vmem_shared>>
      %dma_start3A_149 = arith.constant 0 : i32
      %dma_start3A_150 = tpu.memref_slice %arg7[%mul3A_2, %dma_start3A_149] : memref<10240x32xf32, #tpu.memory_space<vmem_shared>> -> memref<640x32xf32, #tpu.memory_space<vmem_shared>>
      tpu.enqueue_dma source(%arg17 : memref<640x32xf32, #tpu.memory_space<vmem>>) target(%dma_start3A_150 : memref<640x32xf32, #tpu.memory_space<vmem_shared>>) target_semaphore(%run_scoped3A : memref<!tpu.dma_semaphore, #tpu.memory_space<semaphore_mem>>)
      %dma_wait3A_151 = arith.constant 0 : i32
      %dma_wait3A_152 = tpu.memref_slice %arg7[%mul3A_2, %dma_wait3A_151] : memref<10240x32xf32, #tpu.memory_space<vmem_shared>> -> memref<640x32xf32, #tpu.memory_space<vmem_shared>>
      %dma_wait3A_153 = arith.constant 0 : i32
      %dma_wait3A_154 = tpu.memref_slice %arg7[%mul3A_2, %dma_wait3A_153] : memref<10240x32xf32, #tpu.memory_space<vmem_shared>> -> memref<640x32xf32, #tpu.memory_space<vmem_shared>>
      tpu.wait_dma2 semaphore(%run_scoped3A : memref<!tpu.dma_semaphore, #tpu.memory_space<semaphore_mem>>) src(%arg17 : memref<640x32xf32, #tpu.memory_space<vmem>>) dst(%dma_wait3A_154 : memref<640x32xf32, #tpu.memory_space<vmem_shared>>)
      tpu.yield
    }) : () -> ()
    "tpu.region"() ({
      %run_scoped3A = tpu.sem_alloc : memref<!tpu.dma_semaphore, #tpu.memory_space<semaphore_mem>>
      %dma_start3A_147 = tpu.memref_slice %arg8[%mul3A_2] : memref<10240xf32, #tpu.memory_space<vmem_shared>> -> memref<640xf32, #tpu.memory_space<vmem_shared>>
      %dma_start3A_148 = tpu.memref_slice %arg8[%mul3A_2] : memref<10240xf32, #tpu.memory_space<vmem_shared>> -> memref<640xf32, #tpu.memory_space<vmem_shared>>
      tpu.enqueue_dma source(%arg18 : memref<640xf32, #tpu.memory_space<vmem>>) target(%dma_start3A_148 : memref<640xf32, #tpu.memory_space<vmem_shared>>) target_semaphore(%run_scoped3A : memref<!tpu.dma_semaphore, #tpu.memory_space<semaphore_mem>>)
      %dma_wait3A_149 = tpu.memref_slice %arg8[%mul3A_2] : memref<10240xf32, #tpu.memory_space<vmem_shared>> -> memref<640xf32, #tpu.memory_space<vmem_shared>>
      %dma_wait3A_150 = tpu.memref_slice %arg8[%mul3A_2] : memref<10240xf32, #tpu.memory_space<vmem_shared>> -> memref<640xf32, #tpu.memory_space<vmem_shared>>
      tpu.wait_dma2 semaphore(%run_scoped3A : memref<!tpu.dma_semaphore, #tpu.memory_space<semaphore_mem>>) src(%arg18 : memref<640xf32, #tpu.memory_space<vmem>>) dst(%dma_wait3A_150 : memref<640xf32, #tpu.memory_space<vmem_shared>>)
      tpu.yield
    }) : () -> ()
    %dma_wait3A = arith.constant 0 : i32
    %dma_wait3A_75 = arith.constant 0 : i32
    %dma_wait3A_76 = tpu.memref_slice %arg9[%dma_wait3A_75] : memref<10112xi32, #tpu.memory_space<vmem>> -> memref<9984xi32, #tpu.memory_space<vmem>>
    %dma_wait3A_77 = tpu.memref_slice %arg3[%dma_wait3A, %mul3A_6] : memref<2x320000xi32, #tpu.memory_space<hbm>> -> memref<1x9984xi32, #tpu.memory_space<hbm>>
    %dma_wait3A_78 = tpu.memref_squeeze %dma_wait3A_77 : memref<1x9984xi32, #tpu.memory_space<hbm>> -> memref<9984xi32, #tpu.memory_space<hbm>>
    %dma_wait3A_79 = arith.constant 0 : i32
    %dma_wait3A_80 = tpu.memref_slice %arg9[%dma_wait3A_79] : memref<10112xi32, #tpu.memory_space<vmem>> -> memref<9984xi32, #tpu.memory_space<vmem>>
    %dma_wait3A_81 = tpu.memref_slice %arg3[%dma_wait3A, %mul3A_6] : memref<2x320000xi32, #tpu.memory_space<hbm>> -> memref<1x9984xi32, #tpu.memory_space<hbm>>
    %dma_wait3A_82 = tpu.memref_squeeze %dma_wait3A_81 : memref<1x9984xi32, #tpu.memory_space<hbm>> -> memref<9984xi32, #tpu.memory_space<hbm>>
    tpu.wait_dma2 semaphore(%arg20 : memref<!tpu.dma_semaphore, #tpu.memory_space<semaphore_mem>>) src(%dma_wait3A_82 : memref<9984xi32, #tpu.memory_space<hbm>>) dst(%dma_wait3A_80 : memref<9984xi32, #tpu.memory_space<vmem>>)
    %scan3A_83 = arith.constant 0 : i32
    %scan3A_84 = arith.constant 0 : i32
    %scan3A_85 = arith.constant 78 : i32
    %scan3A_86 = arith.addi %scan3A_84, %scan3A_85 : i32
    %scan3A_87 = arith.constant 1 : i32
    %scan3A_88 = scf.for %scan3A_147 = %scan3A_84 to %scan3A_86 step %scan3A_87 iter_args(%scan3A_148 = %scan3A_83) -> (i32)  : i32 {
      %dma_wait3A_149 = arith.constant 1 : i32
      %dma_wait3A_150 = arith.constant 0 : i32
      %dma_wait3A_151 = arith.constant 0 : i32
      %dma_wait3A_152 = tpu.memref_slice %arg10[%dma_wait3A_150, %dma_wait3A_151] : memref<79x128xi32, #tpu.memory_space<vmem>> -> memref<1x128xi32, #tpu.memory_space<vmem>>
      %dma_wait3A_153 = tpu.memref_squeeze %dma_wait3A_152 : memref<1x128xi32, #tpu.memory_space<vmem>> -> memref<128xi32, #tpu.memory_space<vmem>>
      %dma_wait3A_154 = arith.constant 0 : i32
      %dma_wait3A_155 = tpu.memref_slice %arg3[%dma_wait3A_149, %dma_wait3A_154] : memref<2x320000xi32, #tpu.memory_space<hbm>> -> memref<1x128xi32, #tpu.memory_space<hbm>>
      %dma_wait3A_156 = tpu.memref_squeeze %dma_wait3A_155 : memref<1x128xi32, #tpu.memory_space<hbm>> -> memref<128xi32, #tpu.memory_space<hbm>>
      %dma_wait3A_157 = arith.constant 0 : i32
      %dma_wait3A_158 = tpu.memref_slice %arg10[%dma_wait3A_150, %dma_wait3A_157] : memref<79x128xi32, #tpu.memory_space<vmem>> -> memref<1x128xi32, #tpu.memory_space<vmem>>
      %dma_wait3A_159 = tpu.memref_squeeze %dma_wait3A_158 : memref<1x128xi32, #tpu.memory_space<vmem>> -> memref<128xi32, #tpu.memory_space<vmem>>
      %dma_wait3A_160 = arith.constant 0 : i32
      %dma_wait3A_161 = tpu.memref_slice %arg3[%dma_wait3A_149, %dma_wait3A_160] : memref<2x320000xi32, #tpu.memory_space<hbm>> -> memref<1x128xi32, #tpu.memory_space<hbm>>
      %dma_wait3A_162 = tpu.memref_squeeze %dma_wait3A_161 : memref<1x128xi32, #tpu.memory_space<hbm>> -> memref<128xi32, #tpu.memory_space<hbm>>
      tpu.wait_dma2 semaphore(%arg20 : memref<!tpu.dma_semaphore, #tpu.memory_space<semaphore_mem>>) src(%dma_wait3A_162 : memref<128xi32, #tpu.memory_space<hbm>>) dst(%dma_wait3A_159 : memref<128xi32, #tpu.memory_space<vmem>>)
      %scan3A_163 = arith.constant 0 : i32
      scf.yield %scan3A_163 : i32
    }
    %scan3A_89 = arith.constant 78 : i32
    %lt3A_90 = arith.constant 4 : i32
    %lt3A_91 = arith.cmpi slt, %add3A, %lt3A_90 : i32
    %convert_element_type3A_92 = arith.extui %lt3A_91 : i1 to i32
    %cond3A_93 = arith.constant 0 : i32
    %cond3A_94 = arith.cmpi ne, %convert_element_type3A_92, %cond3A_93 : i32
    scf.if %cond3A_94 {
      %dma_wait3A_147 = arith.constant 0 : i32
      %dma_wait3A_148 = arith.constant 9984 : i32
      %dma_wait3A_149 = tpu.memref_slice %arg9[%dma_wait3A_148] : memref<10112xi32, #tpu.memory_space<vmem>> -> memref<128xi32, #tpu.memory_space<vmem>>
      %dma_wait3A_150 = arith.constant 0 : i32
      %dma_wait3A_151 = tpu.memref_slice %arg3[%dma_wait3A_147, %dma_wait3A_150] : memref<2x320000xi32, #tpu.memory_space<hbm>> -> memref<1x128xi32, #tpu.memory_space<hbm>>
      %dma_wait3A_152 = tpu.memref_squeeze %dma_wait3A_151 : memref<1x128xi32, #tpu.memory_space<hbm>> -> memref<128xi32, #tpu.memory_space<hbm>>
      %dma_wait3A_153 = arith.constant 9984 : i32
      %dma_wait3A_154 = tpu.memref_slice %arg9[%dma_wait3A_153] : memref<10112xi32, #tpu.memory_space<vmem>> -> memref<128xi32, #tpu.memory_space<vmem>>
      %dma_wait3A_155 = arith.constant 0 : i32
      %dma_wait3A_156 = tpu.memref_slice %arg3[%dma_wait3A_147, %dma_wait3A_155] : memref<2x320000xi32, #tpu.memory_space<hbm>> -> memref<1x128xi32, #tpu.memory_space<hbm>>
      %dma_wait3A_157 = tpu.memref_squeeze %dma_wait3A_156 : memref<1x128xi32, #tpu.memory_space<hbm>> -> memref<128xi32, #tpu.memory_space<hbm>>
      tpu.wait_dma2 semaphore(%arg20 : memref<!tpu.dma_semaphore, #tpu.memory_space<semaphore_mem>>) src(%dma_wait3A_157 : memref<128xi32, #tpu.memory_space<hbm>>) dst(%dma_wait3A_154 : memref<128xi32, #tpu.memory_space<vmem>>)
      %dma_wait3A_158 = arith.constant 1 : i32
      %dma_wait3A_159 = arith.constant 0 : i32
      %dma_wait3A_160 = arith.constant 0 : i32
      %dma_wait3A_161 = tpu.memref_slice %arg10[%dma_wait3A_159, %dma_wait3A_160] : memref<79x128xi32, #tpu.memory_space<vmem>> -> memref<1x128xi32, #tpu.memory_space<vmem>>
      %dma_wait3A_162 = tpu.memref_squeeze %dma_wait3A_161 : memref<1x128xi32, #tpu.memory_space<vmem>> -> memref<128xi32, #tpu.memory_space<vmem>>
      %dma_wait3A_163 = arith.constant 0 : i32
      %dma_wait3A_164 = tpu.memref_slice %arg3[%dma_wait3A_158, %dma_wait3A_163] : memref<2x320000xi32, #tpu.memory_space<hbm>> -> memref<1x128xi32, #tpu.memory_space<hbm>>
      %dma_wait3A_165 = tpu.memref_squeeze %dma_wait3A_164 : memref<1x128xi32, #tpu.memory_space<hbm>> -> memref<128xi32, #tpu.memory_space<hbm>>
      %dma_wait3A_166 = arith.constant 0 : i32
      %dma_wait3A_167 = tpu.memref_slice %arg10[%dma_wait3A_159, %dma_wait3A_166] : memref<79x128xi32, #tpu.memory_space<vmem>> -> memref<1x128xi32, #tpu.memory_space<vmem>>
      %dma_wait3A_168 = tpu.memref_squeeze %dma_wait3A_167 : memref<1x128xi32, #tpu.memory_space<vmem>> -> memref<128xi32, #tpu.memory_space<vmem>>
      %dma_wait3A_169 = arith.constant 0 : i32
      %dma_wait3A_170 = tpu.memref_slice %arg3[%dma_wait3A_158, %dma_wait3A_169] : memref<2x320000xi32, #tpu.memory_space<hbm>> -> memref<1x128xi32, #tpu.memory_space<hbm>>
      %dma_wait3A_171 = tpu.memref_squeeze %dma_wait3A_170 : memref<1x128xi32, #tpu.memory_space<hbm>> -> memref<128xi32, #tpu.memory_space<hbm>>
      tpu.wait_dma2 semaphore(%arg20 : memref<!tpu.dma_semaphore, #tpu.memory_space<semaphore_mem>>) src(%dma_wait3A_171 : memref<128xi32, #tpu.memory_space<hbm>>) dst(%dma_wait3A_168 : memref<128xi32, #tpu.memory_space<vmem>>)
    } else {
    }
    %barrier3A = arith.constant 0 : index
    tpu.barrier barrier_id(%barrier3A)
    %dma_start3A_95 = arith.constant 0 : i32
    %dma_start3A_96 = tpu.memref_slice %arg9[%dma_start3A_95] : memref<10112xi32, #tpu.memory_space<vmem>> -> memref<128xi32, #tpu.memory_space<vmem>>
    %dma_start3A_97 = arith.constant 0 : i32
    %dma_start3A_98 = arith.constant 0 : i32
    %dma_start3A_99 = tpu.memref_slice %arg2[%dma_start3A_97, %dma_start3A_98] : memref<10240x32xf32, #tpu.memory_space<hbm>> -> memref<10240x32xf32, #tpu.memory_space<hbm>>
    tpu.enqueue_indirect_dma source(%dma_start3A_99 : memref<10240x32xf32, #tpu.memory_space<hbm>>) target(%arg11 : memref<128x32xf32, #tpu.memory_space<vmem>>) offsets(%dma_start3A_96 : memref<128xi32, #tpu.memory_space<vmem>>) semaphore(%arg23 : memref<!tpu.dma_semaphore, #tpu.memory_space<semaphore_mem>>)
    %dma_start3A_100 = arith.constant 128 : i32
    %dma_start3A_101 = tpu.memref_slice %arg9[%dma_start3A_100] : memref<10112xi32, #tpu.memory_space<vmem>> -> memref<128xi32, #tpu.memory_space<vmem>>
    %dma_start3A_102 = arith.constant 0 : i32
    %dma_start3A_103 = arith.constant 0 : i32
    %dma_start3A_104 = tpu.memref_slice %arg2[%dma_start3A_102, %dma_start3A_103] : memref<10240x32xf32, #tpu.memory_space<hbm>> -> memref<10240x32xf32, #tpu.memory_space<hbm>>
    tpu.enqueue_indirect_dma source(%dma_start3A_104 : memref<10240x32xf32, #tpu.memory_space<hbm>>) target(%arg12 : memref<128x32xf32, #tpu.memory_space<vmem>>) offsets(%dma_start3A_101 : memref<128xi32, #tpu.memory_space<vmem>>) semaphore(%arg24 : memref<!tpu.dma_semaphore, #tpu.memory_space<semaphore_mem>>)
    %dma_start3A_105 = arith.constant 256 : i32
    %dma_start3A_106 = tpu.memref_slice %arg9[%dma_start3A_105] : memref<10112xi32, #tpu.memory_space<vmem>> -> memref<128xi32, #tpu.memory_space<vmem>>
    %dma_start3A_107 = arith.constant 0 : i32
    %dma_start3A_108 = arith.constant 0 : i32
    %dma_start3A_109 = tpu.memref_slice %arg2[%dma_start3A_107, %dma_start3A_108] : memref<10240x32xf32, #tpu.memory_space<hbm>> -> memref<10240x32xf32, #tpu.memory_space<hbm>>
    tpu.enqueue_indirect_dma source(%dma_start3A_109 : memref<10240x32xf32, #tpu.memory_space<hbm>>) target(%arg13 : memref<128x32xf32, #tpu.memory_space<vmem>>) offsets(%dma_start3A_106 : memref<128xi32, #tpu.memory_space<vmem>>) semaphore(%arg25 : memref<!tpu.dma_semaphore, #tpu.memory_space<semaphore_mem>>)
    %dma_start3A_110 = arith.constant 384 : i32
    %dma_start3A_111 = tpu.memref_slice %arg9[%dma_start3A_110] : memref<10112xi32, #tpu.memory_space<vmem>> -> memref<128xi32, #tpu.memory_space<vmem>>
    %dma_start3A_112 = arith.constant 0 : i32
    %dma_start3A_113 = arith.constant 0 : i32
    %dma_start3A_114 = tpu.memref_slice %arg2[%dma_start3A_112, %dma_start3A_113] : memref<10240x32xf32, #tpu.memory_space<hbm>> -> memref<10240x32xf32, #tpu.memory_space<hbm>>
    tpu.enqueue_indirect_dma source(%dma_start3A_114 : memref<10240x32xf32, #tpu.memory_space<hbm>>) target(%arg14 : memref<128x32xf32, #tpu.memory_space<vmem>>) offsets(%dma_start3A_111 : memref<128xi32, #tpu.memory_space<vmem>>) semaphore(%arg26 : memref<!tpu.dma_semaphore, #tpu.memory_space<semaphore_mem>>)
    %dma_start3A_115 = arith.constant 512 : i32
    %dma_start3A_116 = tpu.memref_slice %arg9[%dma_start3A_115] : memref<10112xi32, #tpu.memory_space<vmem>> -> memref<128xi32, #tpu.memory_space<vmem>>
    %dma_start3A_117 = arith.constant 0 : i32
    %dma_start3A_118 = arith.constant 0 : i32
    %dma_start3A_119 = tpu.memref_slice %arg2[%dma_start3A_117, %dma_start3A_118] : memref<10240x32xf32, #tpu.memory_space<hbm>> -> memref<10240x32xf32, #tpu.memory_space<hbm>>
    tpu.enqueue_indirect_dma source(%dma_start3A_119 : memref<10240x32xf32, #tpu.memory_space<hbm>>) target(%arg15 : memref<128x32xf32, #tpu.memory_space<vmem>>) offsets(%dma_start3A_116 : memref<128xi32, #tpu.memory_space<vmem>>) semaphore(%arg27 : memref<!tpu.dma_semaphore, #tpu.memory_space<semaphore_mem>>)
    %dma_start3A_120 = arith.constant 640 : i32
    %dma_start3A_121 = tpu.memref_slice %arg9[%dma_start3A_120] : memref<10112xi32, #tpu.memory_space<vmem>> -> memref<128xi32, #tpu.memory_space<vmem>>
    %dma_start3A_122 = arith.constant 0 : i32
    %dma_start3A_123 = arith.constant 0 : i32
    %dma_start3A_124 = tpu.memref_slice %arg2[%dma_start3A_122, %dma_start3A_123] : memref<10240x32xf32, #tpu.memory_space<hbm>> -> memref<10240x32xf32, #tpu.memory_space<hbm>>
    tpu.enqueue_indirect_dma source(%dma_start3A_124 : memref<10240x32xf32, #tpu.memory_space<hbm>>) target(%arg16 : memref<128x32xf32, #tpu.memory_space<vmem>>) offsets(%dma_start3A_121 : memref<128xi32, #tpu.memory_space<vmem>>) semaphore(%arg28 : memref<!tpu.dma_semaphore, #tpu.memory_space<semaphore_mem>>)
    %scan3A_125 = arith.constant 0 : i32
    %scan3A_126 = arith.constant 0 : i32
    %scan3A_127 = arith.constant 13 : i32
    %scan3A_128 = arith.addi %scan3A_126, %scan3A_127 : i32
    %scan3A_129 = arith.constant 1 : i32
    %scan3A_130 = scf.for %scan3A_147 = %scan3A_126 to %scan3A_128 step %scan3A_129 iter_args(%scan3A_148 = %scan3A_125) -> (i32)  : i32 {
      %mul3A_149 = arith.constant 2 : i32
      %mul3A_150 = arith.muli %scan3A_147, %mul3A_149 : i32
      %mul3A_151 = arith.constant 3 : i32
      %mul3A_152 = arith.muli %mul3A_150, %mul3A_151 : i32
      %dma_wait3A_153 = arith.constant 0 : i32
      %dma_wait3A_154 = tpu.memref_slice %arg9[%dma_wait3A_153] : memref<10112xi32, #tpu.memory_space<vmem>> -> memref<128xi32, #tpu.memory_space<vmem>>
      %dma_wait3A_155 = arith.constant 0 : i32
      %dma_wait3A_156 = arith.constant 0 : i32
      %dma_wait3A_157 = tpu.memref_slice %arg2[%dma_wait3A_155, %dma_wait3A_156] : memref<10240x32xf32, #tpu.memory_space<hbm>> -> memref<10240x32xf32, #tpu.memory_space<hbm>>
      tpu.wait_indirect_dma semaphore(%arg23 : memref<!tpu.dma_semaphore, #tpu.memory_space<semaphore_mem>>) src(%dma_wait3A_157 : memref<10240x32xf32, #tpu.memory_space<hbm>>) dst(%arg11 : memref<128x32xf32, #tpu.memory_space<vmem>>)
      %add3A_158 = arith.constant 0 : i32
      %add3A_159 = arith.addi %mul3A_152, %add3A_158 : i32
      %dma_start3A_160 = arith.constant 0 : i32
      %dma_start3A_161 = tpu.memref_slice %arg10[%add3A_159, %dma_start3A_160] : memref<79x128xi32, #tpu.memory_space<vmem>> -> memref<1x128xi32, #tpu.memory_space<vmem>>
      %dma_start3A_162 = tpu.memref_squeeze %dma_start3A_161 : memref<1x128xi32, #tpu.memory_space<vmem>> -> memref<128xi32, #tpu.memory_space<vmem>>
      %dma_start3A_163 = arith.constant 0 : i32
      %dma_start3A_164 = arith.constant 0 : i32
      %dma_start3A_165 = tpu.memref_slice %arg7[%dma_start3A_163, %dma_start3A_164] : memref<10240x32xf32, #tpu.memory_space<vmem_shared>> -> memref<10240x32xf32, #tpu.memory_space<vmem_shared>>
      tpu.enqueue_indirect_dma source(%arg11 : memref<128x32xf32, #tpu.memory_space<vmem>>) target(%dma_start3A_165 : memref<10240x32xf32, #tpu.memory_space<vmem_shared>>) offsets(%dma_start3A_162 : memref<128xi32, #tpu.memory_space<vmem>>) semaphore(%arg21 : memref<!tpu.dma_semaphore, #tpu.memory_space<semaphore_mem>>) {add = true}
      %dma_start3A_166 = arith.constant 0 : i32
      %dma_start3A_167 = tpu.memref_slice %arg10[%add3A_159, %dma_start3A_166] : memref<79x128xi32, #tpu.memory_space<vmem>> -> memref<1x128xi32, #tpu.memory_space<vmem>>
      %dma_start3A_168 = tpu.memref_squeeze %dma_start3A_167 : memref<1x128xi32, #tpu.memory_space<vmem>> -> memref<128xi32, #tpu.memory_space<vmem>>
      %dma_start3A_169 = arith.constant 0 : i32
      %dma_start3A_170 = tpu.memref_slice %arg8[%dma_start3A_169] : memref<10240xf32, #tpu.memory_space<vmem_shared>> -> memref<10240xf32, #tpu.memory_space<vmem_shared>>
      tpu.enqueue_indirect_dma source(%arg19 : memref<128xf32, #tpu.memory_space<vmem>>) target(%dma_start3A_170 : memref<10240xf32, #tpu.memory_space<vmem_shared>>) offsets(%dma_start3A_168 : memref<128xi32, #tpu.memory_space<vmem>>) semaphore(%arg21 : memref<!tpu.dma_semaphore, #tpu.memory_space<semaphore_mem>>) {add = true}
      %dma_wait3A_171 = arith.constant 0 : i32
      %dma_wait3A_172 = tpu.memref_slice %arg9[%dma_wait3A_171] : memref<10112xi32, #tpu.memory_space<vmem>> -> memref<128xi32, #tpu.memory_space<vmem>>
      %dma_wait3A_173 = arith.constant 0 : i32
      %dma_wait3A_174 = arith.constant 0 : i32
      %dma_wait3A_175 = tpu.memref_slice %arg2[%dma_wait3A_173, %dma_wait3A_174] : memref<10240x32xf32, #tpu.memory_space<hbm>> -> memref<10240x32xf32, #tpu.memory_space<hbm>>
      tpu.wait_indirect_dma semaphore(%arg24 : memref<!tpu.dma_semaphore, #tpu.memory_space<semaphore_mem>>) src(%dma_wait3A_175 : memref<10240x32xf32, #tpu.memory_space<hbm>>) dst(%arg12 : memref<128x32xf32, #tpu.memory_space<vmem>>)
      %add3A_176 = arith.constant 1 : i32
      %add3A_177 = arith.addi %mul3A_152, %add3A_176 : i32
      %dma_start3A_178 = arith.constant 0 : i32
      %dma_start3A_179 = tpu.memref_slice %arg10[%add3A_177, %dma_start3A_178] : memref<79x128xi32, #tpu.memory_space<vmem>> -> memref<1x128xi32, #tpu.memory_space<vmem>>
      %dma_start3A_180 = tpu.memref_squeeze %dma_start3A_179 : memref<1x128xi32, #tpu.memory_space<vmem>> -> memref<128xi32, #tpu.memory_space<vmem>>
      %dma_start3A_181 = arith.constant 0 : i32
      %dma_start3A_182 = arith.constant 0 : i32
      %dma_start3A_183 = tpu.memref_slice %arg7[%dma_start3A_181, %dma_start3A_182] : memref<10240x32xf32, #tpu.memory_space<vmem_shared>> -> memref<10240x32xf32, #tpu.memory_space<vmem_shared>>
      tpu.enqueue_indirect_dma source(%arg12 : memref<128x32xf32, #tpu.memory_space<vmem>>) target(%dma_start3A_183 : memref<10240x32xf32, #tpu.memory_space<vmem_shared>>) offsets(%dma_start3A_180 : memref<128xi32, #tpu.memory_space<vmem>>) semaphore(%arg21 : memref<!tpu.dma_semaphore, #tpu.memory_space<semaphore_mem>>) {add = true}
      %dma_start3A_184 = arith.constant 0 : i32
      %dma_start3A_185 = tpu.memref_slice %arg10[%add3A_177, %dma_start3A_184] : memref<79x128xi32, #tpu.memory_space<vmem>> -> memref<1x128xi32, #tpu.memory_space<vmem>>
      %dma_start3A_186 = tpu.memref_squeeze %dma_start3A_185 : memref<1x128xi32, #tpu.memory_space<vmem>> -> memref<128xi32, #tpu.memory_space<vmem>>
      %dma_start3A_187 = arith.constant 0 : i32
      %dma_start3A_188 = tpu.memref_slice %arg8[%dma_start3A_187] : memref<10240xf32, #tpu.memory_space<vmem_shared>> -> memref<10240xf32, #tpu.memory_space<vmem_shared>>
      tpu.enqueue_indirect_dma source(%arg19 : memref<128xf32, #tpu.memory_space<vmem>>) target(%dma_start3A_188 : memref<10240xf32, #tpu.memory_space<vmem_shared>>) offsets(%dma_start3A_186 : memref<128xi32, #tpu.memory_space<vmem>>) semaphore(%arg21 : memref<!tpu.dma_semaphore, #tpu.memory_space<semaphore_mem>>) {add = true}
      %dma_wait3A_189 = arith.constant 0 : i32
      %dma_wait3A_190 = tpu.memref_slice %arg9[%dma_wait3A_189] : memref<10112xi32, #tpu.memory_space<vmem>> -> memref<128xi32, #tpu.memory_space<vmem>>
      %dma_wait3A_191 = arith.constant 0 : i32
      %dma_wait3A_192 = arith.constant 0 : i32
      %dma_wait3A_193 = tpu.memref_slice %arg2[%dma_wait3A_191, %dma_wait3A_192] : memref<10240x32xf32, #tpu.memory_space<hbm>> -> memref<10240x32xf32, #tpu.memory_space<hbm>>
      tpu.wait_indirect_dma semaphore(%arg25 : memref<!tpu.dma_semaphore, #tpu.memory_space<semaphore_mem>>) src(%dma_wait3A_193 : memref<10240x32xf32, #tpu.memory_space<hbm>>) dst(%arg13 : memref<128x32xf32, #tpu.memory_space<vmem>>)
      %add3A_194 = arith.constant 2 : i32
      %add3A_195 = arith.addi %mul3A_152, %add3A_194 : i32
      %dma_start3A_196 = arith.constant 0 : i32
      %dma_start3A_197 = tpu.memref_slice %arg10[%add3A_195, %dma_start3A_196] : memref<79x128xi32, #tpu.memory_space<vmem>> -> memref<1x128xi32, #tpu.memory_space<vmem>>
      %dma_start3A_198 = tpu.memref_squeeze %dma_start3A_197 : memref<1x128xi32, #tpu.memory_space<vmem>> -> memref<128xi32, #tpu.memory_space<vmem>>
      %dma_start3A_199 = arith.constant 0 : i32
      %dma_start3A_200 = arith.constant 0 : i32
      %dma_start3A_201 = tpu.memref_slice %arg7[%dma_start3A_199, %dma_start3A_200] : memref<10240x32xf32, #tpu.memory_space<vmem_shared>> -> memref<10240x32xf32, #tpu.memory_space<vmem_shared>>
      tpu.enqueue_indirect_dma source(%arg13 : memref<128x32xf32, #tpu.memory_space<vmem>>) target(%dma_start3A_201 : memref<10240x32xf32, #tpu.memory_space<vmem_shared>>) offsets(%dma_start3A_198 : memref<128xi32, #tpu.memory_space<vmem>>) semaphore(%arg21 : memref<!tpu.dma_semaphore, #tpu.memory_space<semaphore_mem>>) {add = true}
      %dma_start3A_202 = arith.constant 0 : i32
      %dma_start3A_203 = tpu.memref_slice %arg10[%add3A_195, %dma_start3A_202] : memref<79x128xi32, #tpu.memory_space<vmem>> -> memref<1x128xi32, #tpu.memory_space<vmem>>
      %dma_start3A_204 = tpu.memref_squeeze %dma_start3A_203 : memref<1x128xi32, #tpu.memory_space<vmem>> -> memref<128xi32, #tpu.memory_space<vmem>>
      %dma_start3A_205 = arith.constant 0 : i32
      %dma_start3A_206 = tpu.memref_slice %arg8[%dma_start3A_205] : memref<10240xf32, #tpu.memory_space<vmem_shared>> -> memref<10240xf32, #tpu.memory_space<vmem_shared>>
      tpu.enqueue_indirect_dma source(%arg19 : memref<128xf32, #tpu.memory_space<vmem>>) target(%dma_start3A_206 : memref<10240xf32, #tpu.memory_space<vmem_shared>>) offsets(%dma_start3A_204 : memref<128xi32, #tpu.memory_space<vmem>>) semaphore(%arg21 : memref<!tpu.dma_semaphore, #tpu.memory_space<semaphore_mem>>) {add = true}
      %dma_wait3A_207 = arith.constant 0 : i32
      %dma_wait3A_208 = arith.constant 0 : i32
      %dma_wait3A_209 = tpu.memref_slice %arg10[%dma_wait3A_207, %dma_wait3A_208] : memref<79x128xi32, #tpu.memory_space<vmem>> -> memref<1x128xi32, #tpu.memory_space<vmem>>
      %dma_wait3A_210 = tpu.memref_squeeze %dma_wait3A_209 : memref<1x128xi32, #tpu.memory_space<vmem>> -> memref<128xi32, #tpu.memory_space<vmem>>
      %dma_wait3A_211 = arith.constant 0 : i32
      %dma_wait3A_212 = arith.constant 0 : i32
      %dma_wait3A_213 = tpu.memref_slice %arg7[%dma_wait3A_211, %dma_wait3A_212] : memref<10240x32xf32, #tpu.memory_space<vmem_shared>> -> memref<10240x32xf32, #tpu.memory_space<vmem_shared>>
      tpu.wait_indirect_dma semaphore(%arg21 : memref<!tpu.dma_semaphore, #tpu.memory_space<semaphore_mem>>) src(%arg11 : memref<128x32xf32, #tpu.memory_space<vmem>>) dst(%dma_wait3A_213 : memref<10240x32xf32, #tpu.memory_space<vmem_shared>>)
      %dma_wait3A_214 = arith.constant 0 : i32
      %dma_wait3A_215 = arith.constant 0 : i32
      %dma_wait3A_216 = tpu.memref_slice %arg10[%dma_wait3A_214, %dma_wait3A_215] : memref<79x128xi32, #tpu.memory_space<vmem>> -> memref<1x128xi32, #tpu.memory_space<vmem>>
      %dma_wait3A_217 = tpu.memref_squeeze %dma_wait3A_216 : memref<1x128xi32, #tpu.memory_space<vmem>> -> memref<128xi32, #tpu.memory_space<vmem>>
      %dma_wait3A_218 = arith.constant 0 : i32
      %dma_wait3A_219 = tpu.memref_slice %arg8[%dma_wait3A_218] : memref<10240xf32, #tpu.memory_space<vmem_shared>> -> memref<10240xf32, #tpu.memory_space<vmem_shared>>
      tpu.wait_indirect_dma semaphore(%arg21 : memref<!tpu.dma_semaphore, #tpu.memory_space<semaphore_mem>>) src(%arg19 : memref<128xf32, #tpu.memory_space<vmem>>) dst(%dma_wait3A_219 : memref<10240xf32, #tpu.memory_space<vmem_shared>>)
      %dma_wait3A_220 = arith.constant 0 : i32
      %dma_wait3A_221 = arith.constant 0 : i32
      %dma_wait3A_222 = tpu.memref_slice %arg10[%dma_wait3A_220, %dma_wait3A_221] : memref<79x128xi32, #tpu.memory_space<vmem>> -> memref<1x128xi32, #tpu.memory_space<vmem>>
      %dma_wait3A_223 = tpu.memref_squeeze %dma_wait3A_222 : memref<1x128xi32, #tpu.memory_space<vmem>> -> memref<128xi32, #tpu.memory_space<vmem>>
      %dma_wait3A_224 = arith.constant 0 : i32
      %dma_wait3A_225 = arith.constant 0 : i32
      %dma_wait3A_226 = tpu.memref_slice %arg7[%dma_wait3A_224, %dma_wait3A_225] : memref<10240x32xf32, #tpu.memory_space<vmem_shared>> -> memref<10240x32xf32, #tpu.memory_space<vmem_shared>>
      tpu.wait_indirect_dma semaphore(%arg21 : memref<!tpu.dma_semaphore, #tpu.memory_space<semaphore_mem>>) src(%arg12 : memref<128x32xf32, #tpu.memory_space<vmem>>) dst(%dma_wait3A_226 : memref<10240x32xf32, #tpu.memory_space<vmem_shared>>)
      %dma_wait3A_227 = arith.constant 0 : i32
      %dma_wait3A_228 = arith.constant 0 : i32
      %dma_wait3A_229 = tpu.memref_slice %arg10[%dma_wait3A_227, %dma_wait3A_228] : memref<79x128xi32, #tpu.memory_space<vmem>> -> memref<1x128xi32, #tpu.memory_space<vmem>>
      %dma_wait3A_230 = tpu.memref_squeeze %dma_wait3A_229 : memref<1x128xi32, #tpu.memory_space<vmem>> -> memref<128xi32, #tpu.memory_space<vmem>>
      %dma_wait3A_231 = arith.constant 0 : i32
      %dma_wait3A_232 = tpu.memref_slice %arg8[%dma_wait3A_231] : memref<10240xf32, #tpu.memory_space<vmem_shared>> -> memref<10240xf32, #tpu.memory_space<vmem_shared>>
      tpu.wait_indirect_dma semaphore(%arg21 : memref<!tpu.dma_semaphore, #tpu.memory_space<semaphore_mem>>) src(%arg19 : memref<128xf32, #tpu.memory_space<vmem>>) dst(%dma_wait3A_232 : memref<10240xf32, #tpu.memory_space<vmem_shared>>)
      %dma_wait3A_233 = arith.constant 0 : i32
      %dma_wait3A_234 = arith.constant 0 : i32
      %dma_wait3A_235 = tpu.memref_slice %arg10[%dma_wait3A_233, %dma_wait3A_234] : memref<79x128xi32, #tpu.memory_space<vmem>> -> memref<1x128xi32, #tpu.memory_space<vmem>>
      %dma_wait3A_236 = tpu.memref_squeeze %dma_wait3A_235 : memref<1x128xi32, #tpu.memory_space<vmem>> -> memref<128xi32, #tpu.memory_space<vmem>>
      %dma_wait3A_237 = arith.constant 0 : i32
      %dma_wait3A_238 = arith.constant 0 : i32
      %dma_wait3A_239 = tpu.memref_slice %arg7[%dma_wait3A_237, %dma_wait3A_238] : memref<10240x32xf32, #tpu.memory_space<vmem_shared>> -> memref<10240x32xf32, #tpu.memory_space<vmem_shared>>
      tpu.wait_indirect_dma semaphore(%arg21 : memref<!tpu.dma_semaphore, #tpu.memory_space<semaphore_mem>>) src(%arg13 : memref<128x32xf32, #tpu.memory_space<vmem>>) dst(%dma_wait3A_239 : memref<10240x32xf32, #tpu.memory_space<vmem_shared>>)
      %dma_wait3A_240 = arith.constant 0 : i32
      %dma_wait3A_241 = arith.constant 0 : i32
      %dma_wait3A_242 = tpu.memref_slice %arg10[%dma_wait3A_240, %dma_wait3A_241] : memref<79x128xi32, #tpu.memory_space<vmem>> -> memref<1x128xi32, #tpu.memory_space<vmem>>
      %dma_wait3A_243 = tpu.memref_squeeze %dma_wait3A_242 : memref<1x128xi32, #tpu.memory_space<vmem>> -> memref<128xi32, #tpu.memory_space<vmem>>
      %dma_wait3A_244 = arith.constant 0 : i32
      %dma_wait3A_245 = tpu.memref_slice %arg8[%dma_wait3A_244] : memref<10240xf32, #tpu.memory_space<vmem_shared>> -> memref<10240xf32, #tpu.memory_space<vmem_shared>>
      tpu.wait_indirect_dma semaphore(%arg21 : memref<!tpu.dma_semaphore, #tpu.memory_space<semaphore_mem>>) src(%arg19 : memref<128xf32, #tpu.memory_space<vmem>>) dst(%dma_wait3A_245 : memref<10240xf32, #tpu.memory_space<vmem_shared>>)
      %lt3A_246 = arith.constant 12 : i32
      %lt3A_247 = arith.cmpi slt, %scan3A_147, %lt3A_246 : i32
      %convert_element_type3A_248 = arith.extui %lt3A_247 : i1 to i32
      %cond3A_249 = arith.constant 0 : i32
      %cond3A_250 = arith.cmpi ne, %convert_element_type3A_248, %cond3A_249 : i32
      scf.if %cond3A_250 {
        %add3A_356 = arith.constant 6 : i32
        %add3A_357 = arith.addi %mul3A_152, %add3A_356 : i32
        %add3A_358 = arith.constant 0 : i32
        %add3A_359 = arith.addi %add3A_357, %add3A_358 : i32
        %mul3A_360 = arith.constant 128 : i32
        %mul3A_361 = arith.muli %add3A_359, %mul3A_360 : i32
        %dma_start3A_362 = tpu.memref_slice %arg9[%mul3A_361] : memref<10112xi32, #tpu.memory_space<vmem>> -> memref<128xi32, #tpu.memory_space<vmem>>
        %dma_start3A_363 = arith.constant 0 : i32
        %dma_start3A_364 = arith.constant 0 : i32
        %dma_start3A_365 = tpu.memref_slice %arg2[%dma_start3A_363, %dma_start3A_364] : memref<10240x32xf32, #tpu.memory_space<hbm>> -> memref<10240x32xf32, #tpu.memory_space<hbm>>
        tpu.enqueue_indirect_dma source(%dma_start3A_365 : memref<10240x32xf32, #tpu.memory_space<hbm>>) target(%arg11 : memref<128x32xf32, #tpu.memory_space<vmem>>) offsets(%dma_start3A_362 : memref<128xi32, #tpu.memory_space<vmem>>) semaphore(%arg23 : memref<!tpu.dma_semaphore, #tpu.memory_space<semaphore_mem>>)
        %add3A_366 = arith.constant 6 : i32
        %add3A_367 = arith.addi %mul3A_152, %add3A_366 : i32
        %add3A_368 = arith.constant 1 : i32
        %add3A_369 = arith.addi %add3A_367, %add3A_368 : i32
        %mul3A_370 = arith.constant 128 : i32
        %mul3A_371 = arith.muli %add3A_369, %mul3A_370 : i32
        %dma_start3A_372 = tpu.memref_slice %arg9[%mul3A_371] : memref<10112xi32, #tpu.memory_space<vmem>> -> memref<128xi32, #tpu.memory_space<vmem>>
        %dma_start3A_373 = arith.constant 0 : i32
        %dma_start3A_374 = arith.constant 0 : i32
        %dma_start3A_375 = tpu.memref_slice %arg2[%dma_start3A_373, %dma_start3A_374] : memref<10240x32xf32, #tpu.memory_space<hbm>> -> memref<10240x32xf32, #tpu.memory_space<hbm>>
        tpu.enqueue_indirect_dma source(%dma_start3A_375 : memref<10240x32xf32, #tpu.memory_space<hbm>>) target(%arg12 : memref<128x32xf32, #tpu.memory_space<vmem>>) offsets(%dma_start3A_372 : memref<128xi32, #tpu.memory_space<vmem>>) semaphore(%arg24 : memref<!tpu.dma_semaphore, #tpu.memory_space<semaphore_mem>>)
        %add3A_376 = arith.constant 6 : i32
        %add3A_377 = arith.addi %mul3A_152, %add3A_376 : i32
        %add3A_378 = arith.constant 2 : i32
        %add3A_379 = arith.addi %add3A_377, %add3A_378 : i32
        %mul3A_380 = arith.constant 128 : i32
        %mul3A_381 = arith.muli %add3A_379, %mul3A_380 : i32
        %dma_start3A_382 = tpu.memref_slice %arg9[%mul3A_381] : memref<10112xi32, #tpu.memory_space<vmem>> -> memref<128xi32, #tpu.memory_space<vmem>>
        %dma_start3A_383 = arith.constant 0 : i32
        %dma_start3A_384 = arith.constant 0 : i32
        %dma_start3A_385 = tpu.memref_slice %arg2[%dma_start3A_383, %dma_start3A_384] : memref<10240x32xf32, #tpu.memory_space<hbm>> -> memref<10240x32xf32, #tpu.memory_space<hbm>>
        tpu.enqueue_indirect_dma source(%dma_start3A_385 : memref<10240x32xf32, #tpu.memory_space<hbm>>) target(%arg13 : memref<128x32xf32, #tpu.memory_space<vmem>>) offsets(%dma_start3A_382 : memref<128xi32, #tpu.memory_space<vmem>>) semaphore(%arg25 : memref<!tpu.dma_semaphore, #tpu.memory_space<semaphore_mem>>)
      } else {
      }
      %dma_wait3A_251 = arith.constant 0 : i32
      %dma_wait3A_252 = tpu.memref_slice %arg9[%dma_wait3A_251] : memref<10112xi32, #tpu.memory_space<vmem>> -> memref<128xi32, #tpu.memory_space<vmem>>
      %dma_wait3A_253 = arith.constant 0 : i32
      %dma_wait3A_254 = arith.constant 0 : i32
      %dma_wait3A_255 = tpu.memref_slice %arg2[%dma_wait3A_253, %dma_wait3A_254] : memref<10240x32xf32, #tpu.memory_space<hbm>> -> memref<10240x32xf32, #tpu.memory_space<hbm>>
      tpu.wait_indirect_dma semaphore(%arg26 : memref<!tpu.dma_semaphore, #tpu.memory_space<semaphore_mem>>) src(%dma_wait3A_255 : memref<10240x32xf32, #tpu.memory_space<hbm>>) dst(%arg14 : memref<128x32xf32, #tpu.memory_space<vmem>>)
      %add3A_256 = arith.constant 3 : i32
      %add3A_257 = arith.addi %mul3A_152, %add3A_256 : i32
      %add3A_258 = arith.constant 0 : i32
      %add3A_259 = arith.addi %add3A_257, %add3A_258 : i32
      %dma_start3A_260 = arith.constant 0 : i32
      %dma_start3A_261 = tpu.memref_slice %arg10[%add3A_259, %dma_start3A_260] : memref<79x128xi32, #tpu.memory_space<vmem>> -> memref<1x128xi32, #tpu.memory_space<vmem>>
      %dma_start3A_262 = tpu.memref_squeeze %dma_start3A_261 : memref<1x128xi32, #tpu.memory_space<vmem>> -> memref<128xi32, #tpu.memory_space<vmem>>
      %dma_start3A_263 = arith.constant 0 : i32
      %dma_start3A_264 = arith.constant 0 : i32
      %dma_start3A_265 = tpu.memref_slice %arg7[%dma_start3A_263, %dma_start3A_264] : memref<10240x32xf32, #tpu.memory_space<vmem_shared>> -> memref<10240x32xf32, #tpu.memory_space<vmem_shared>>
      tpu.enqueue_indirect_dma source(%arg14 : memref<128x32xf32, #tpu.memory_space<vmem>>) target(%dma_start3A_265 : memref<10240x32xf32, #tpu.memory_space<vmem_shared>>) offsets(%dma_start3A_262 : memref<128xi32, #tpu.memory_space<vmem>>) semaphore(%arg22 : memref<!tpu.dma_semaphore, #tpu.memory_space<semaphore_mem>>) {add = true}
      %dma_start3A_266 = arith.constant 0 : i32
      %dma_start3A_267 = tpu.memref_slice %arg10[%add3A_259, %dma_start3A_266] : memref<79x128xi32, #tpu.memory_space<vmem>> -> memref<1x128xi32, #tpu.memory_space<vmem>>
      %dma_start3A_268 = tpu.memref_squeeze %dma_start3A_267 : memref<1x128xi32, #tpu.memory_space<vmem>> -> memref<128xi32, #tpu.memory_space<vmem>>
      %dma_start3A_269 = arith.constant 0 : i32
      %dma_start3A_270 = tpu.memref_slice %arg8[%dma_start3A_269] : memref<10240xf32, #tpu.memory_space<vmem_shared>> -> memref<10240xf32, #tpu.memory_space<vmem_shared>>
      tpu.enqueue_indirect_dma source(%arg19 : memref<128xf32, #tpu.memory_space<vmem>>) target(%dma_start3A_270 : memref<10240xf32, #tpu.memory_space<vmem_shared>>) offsets(%dma_start3A_268 : memref<128xi32, #tpu.memory_space<vmem>>) semaphore(%arg22 : memref<!tpu.dma_semaphore, #tpu.memory_space<semaphore_mem>>) {add = true}
      %dma_wait3A_271 = arith.constant 0 : i32
      %dma_wait3A_272 = tpu.memref_slice %arg9[%dma_wait3A_271] : memref<10112xi32, #tpu.memory_space<vmem>> -> memref<128xi32, #tpu.memory_space<vmem>>
      %dma_wait3A_273 = arith.constant 0 : i32
      %dma_wait3A_274 = arith.constant 0 : i32
      %dma_wait3A_275 = tpu.memref_slice %arg2[%dma_wait3A_273, %dma_wait3A_274] : memref<10240x32xf32, #tpu.memory_space<hbm>> -> memref<10240x32xf32, #tpu.memory_space<hbm>>
      tpu.wait_indirect_dma semaphore(%arg27 : memref<!tpu.dma_semaphore, #tpu.memory_space<semaphore_mem>>) src(%dma_wait3A_275 : memref<10240x32xf32, #tpu.memory_space<hbm>>) dst(%arg15 : memref<128x32xf32, #tpu.memory_space<vmem>>)
      %add3A_276 = arith.constant 3 : i32
      %add3A_277 = arith.addi %mul3A_152, %add3A_276 : i32
      %add3A_278 = arith.constant 1 : i32
      %add3A_279 = arith.addi %add3A_277, %add3A_278 : i32
      %dma_start3A_280 = arith.constant 0 : i32
      %dma_start3A_281 = tpu.memref_slice %arg10[%add3A_279, %dma_start3A_280] : memref<79x128xi32, #tpu.memory_space<vmem>> -> memref<1x128xi32, #tpu.memory_space<vmem>>
      %dma_start3A_282 = tpu.memref_squeeze %dma_start3A_281 : memref<1x128xi32, #tpu.memory_space<vmem>> -> memref<128xi32, #tpu.memory_space<vmem>>
      %dma_start3A_283 = arith.constant 0 : i32
      %dma_start3A_284 = arith.constant 0 : i32
      %dma_start3A_285 = tpu.memref_slice %arg7[%dma_start3A_283, %dma_start3A_284] : memref<10240x32xf32, #tpu.memory_space<vmem_shared>> -> memref<10240x32xf32, #tpu.memory_space<vmem_shared>>
      tpu.enqueue_indirect_dma source(%arg15 : memref<128x32xf32, #tpu.memory_space<vmem>>) target(%dma_start3A_285 : memref<10240x32xf32, #tpu.memory_space<vmem_shared>>) offsets(%dma_start3A_282 : memref<128xi32, #tpu.memory_space<vmem>>) semaphore(%arg22 : memref<!tpu.dma_semaphore, #tpu.memory_space<semaphore_mem>>) {add = true}
      %dma_start3A_286 = arith.constant 0 : i32
      %dma_start3A_287 = tpu.memref_slice %arg10[%add3A_279, %dma_start3A_286] : memref<79x128xi32, #tpu.memory_space<vmem>> -> memref<1x128xi32, #tpu.memory_space<vmem>>
      %dma_start3A_288 = tpu.memref_squeeze %dma_start3A_287 : memref<1x128xi32, #tpu.memory_space<vmem>> -> memref<128xi32, #tpu.memory_space<vmem>>
      %dma_start3A_289 = arith.constant 0 : i32
      %dma_start3A_290 = tpu.memref_slice %arg8[%dma_start3A_289] : memref<10240xf32, #tpu.memory_space<vmem_shared>> -> memref<10240xf32, #tpu.memory_space<vmem_shared>>
      tpu.enqueue_indirect_dma source(%arg19 : memref<128xf32, #tpu.memory_space<vmem>>) target(%dma_start3A_290 : memref<10240xf32, #tpu.memory_space<vmem_shared>>) offsets(%dma_start3A_288 : memref<128xi32, #tpu.memory_space<vmem>>) semaphore(%arg22 : memref<!tpu.dma_semaphore, #tpu.memory_space<semaphore_mem>>) {add = true}
      %dma_wait3A_291 = arith.constant 0 : i32
      %dma_wait3A_292 = tpu.memref_slice %arg9[%dma_wait3A_291] : memref<10112xi32, #tpu.memory_space<vmem>> -> memref<128xi32, #tpu.memory_space<vmem>>
      %dma_wait3A_293 = arith.constant 0 : i32
      %dma_wait3A_294 = arith.constant 0 : i32
      %dma_wait3A_295 = tpu.memref_slice %arg2[%dma_wait3A_293, %dma_wait3A_294] : memref<10240x32xf32, #tpu.memory_space<hbm>> -> memref<10240x32xf32, #tpu.memory_space<hbm>>
      tpu.wait_indirect_dma semaphore(%arg28 : memref<!tpu.dma_semaphore, #tpu.memory_space<semaphore_mem>>) src(%dma_wait3A_295 : memref<10240x32xf32, #tpu.memory_space<hbm>>) dst(%arg16 : memref<128x32xf32, #tpu.memory_space<vmem>>)
      %add3A_296 = arith.constant 3 : i32
      %add3A_297 = arith.addi %mul3A_152, %add3A_296 : i32
      %add3A_298 = arith.constant 2 : i32
      %add3A_299 = arith.addi %add3A_297, %add3A_298 : i32
      %dma_start3A_300 = arith.constant 0 : i32
      %dma_start3A_301 = tpu.memref_slice %arg10[%add3A_299, %dma_start3A_300] : memref<79x128xi32, #tpu.memory_space<vmem>> -> memref<1x128xi32, #tpu.memory_space<vmem>>
      %dma_start3A_302 = tpu.memref_squeeze %dma_start3A_301 : memref<1x128xi32, #tpu.memory_space<vmem>> -> memref<128xi32, #tpu.memory_space<vmem>>
      %dma_start3A_303 = arith.constant 0 : i32
      %dma_start3A_304 = arith.constant 0 : i32
      %dma_start3A_305 = tpu.memref_slice %arg7[%dma_start3A_303, %dma_start3A_304] : memref<10240x32xf32, #tpu.memory_space<vmem_shared>> -> memref<10240x32xf32, #tpu.memory_space<vmem_shared>>
      tpu.enqueue_indirect_dma source(%arg16 : memref<128x32xf32, #tpu.memory_space<vmem>>) target(%dma_start3A_305 : memref<10240x32xf32, #tpu.memory_space<vmem_shared>>) offsets(%dma_start3A_302 : memref<128xi32, #tpu.memory_space<vmem>>) semaphore(%arg22 : memref<!tpu.dma_semaphore, #tpu.memory_space<semaphore_mem>>) {add = true}
      %dma_start3A_306 = arith.constant 0 : i32
      %dma_start3A_307 = tpu.memref_slice %arg10[%add3A_299, %dma_start3A_306] : memref<79x128xi32, #tpu.memory_space<vmem>> -> memref<1x128xi32, #tpu.memory_space<vmem>>
      %dma_start3A_308 = tpu.memref_squeeze %dma_start3A_307 : memref<1x128xi32, #tpu.memory_space<vmem>> -> memref<128xi32, #tpu.memory_space<vmem>>
      %dma_start3A_309 = arith.constant 0 : i32
      %dma_start3A_310 = tpu.memref_slice %arg8[%dma_start3A_309] : memref<10240xf32, #tpu.memory_space<vmem_shared>> -> memref<10240xf32, #tpu.memory_space<vmem_shared>>
      tpu.enqueue_indirect_dma source(%arg19 : memref<128xf32, #tpu.memory_space<vmem>>) target(%dma_start3A_310 : memref<10240xf32, #tpu.memory_space<vmem_shared>>) offsets(%dma_start3A_308 : memref<128xi32, #tpu.memory_space<vmem>>) semaphore(%arg22 : memref<!tpu.dma_semaphore, #tpu.memory_space<semaphore_mem>>) {add = true}
      %dma_wait3A_311 = arith.constant 0 : i32
      %dma_wait3A_312 = arith.constant 0 : i32
      %dma_wait3A_313 = tpu.memref_slice %arg10[%dma_wait3A_311, %dma_wait3A_312] : memref<79x128xi32, #tpu.memory_space<vmem>> -> memref<1x128xi32, #tpu.memory_space<vmem>>
      %dma_wait3A_314 = tpu.memref_squeeze %dma_wait3A_313 : memref<1x128xi32, #tpu.memory_space<vmem>> -> memref<128xi32, #tpu.memory_space<vmem>>
      %dma_wait3A_315 = arith.constant 0 : i32
      %dma_wait3A_316 = arith.constant 0 : i32
      %dma_wait3A_317 = tpu.memref_slice %arg7[%dma_wait3A_315, %dma_wait3A_316] : memref<10240x32xf32, #tpu.memory_space<vmem_shared>> -> memref<10240x32xf32, #tpu.memory_space<vmem_shared>>
      tpu.wait_indirect_dma semaphore(%arg22 : memref<!tpu.dma_semaphore, #tpu.memory_space<semaphore_mem>>) src(%arg14 : memref<128x32xf32, #tpu.memory_space<vmem>>) dst(%dma_wait3A_317 : memref<10240x32xf32, #tpu.memory_space<vmem_shared>>)
      %dma_wait3A_318 = arith.constant 0 : i32
      %dma_wait3A_319 = arith.constant 0 : i32
      %dma_wait3A_320 = tpu.memref_slice %arg10[%dma_wait3A_318, %dma_wait3A_319] : memref<79x128xi32, #tpu.memory_space<vmem>> -> memref<1x128xi32, #tpu.memory_space<vmem>>
      %dma_wait3A_321 = tpu.memref_squeeze %dma_wait3A_320 : memref<1x128xi32, #tpu.memory_space<vmem>> -> memref<128xi32, #tpu.memory_space<vmem>>
      %dma_wait3A_322 = arith.constant 0 : i32
      %dma_wait3A_323 = tpu.memref_slice %arg8[%dma_wait3A_322] : memref<10240xf32, #tpu.memory_space<vmem_shared>> -> memref<10240xf32, #tpu.memory_space<vmem_shared>>
      tpu.wait_indirect_dma semaphore(%arg22 : memref<!tpu.dma_semaphore, #tpu.memory_space<semaphore_mem>>) src(%arg19 : memref<128xf32, #tpu.memory_space<vmem>>) dst(%dma_wait3A_323 : memref<10240xf32, #tpu.memory_space<vmem_shared>>)
      %dma_wait3A_324 = arith.constant 0 : i32
      %dma_wait3A_325 = arith.constant 0 : i32
      %dma_wait3A_326 = tpu.memref_slice %arg10[%dma_wait3A_324, %dma_wait3A_325] : memref<79x128xi32, #tpu.memory_space<vmem>> -> memref<1x128xi32, #tpu.memory_space<vmem>>
      %dma_wait3A_327 = tpu.memref_squeeze %dma_wait3A_326 : memref<1x128xi32, #tpu.memory_space<vmem>> -> memref<128xi32, #tpu.memory_space<vmem>>
      %dma_wait3A_328 = arith.constant 0 : i32
      %dma_wait3A_329 = arith.constant 0 : i32
      %dma_wait3A_330 = tpu.memref_slice %arg7[%dma_wait3A_328, %dma_wait3A_329] : memref<10240x32xf32, #tpu.memory_space<vmem_shared>> -> memref<10240x32xf32, #tpu.memory_space<vmem_shared>>
      tpu.wait_indirect_dma semaphore(%arg22 : memref<!tpu.dma_semaphore, #tpu.memory_space<semaphore_mem>>) src(%arg15 : memref<128x32xf32, #tpu.memory_space<vmem>>) dst(%dma_wait3A_330 : memref<10240x32xf32, #tpu.memory_space<vmem_shared>>)
      %dma_wait3A_331 = arith.constant 0 : i32
      %dma_wait3A_332 = arith.constant 0 : i32
      %dma_wait3A_333 = tpu.memref_slice %arg10[%dma_wait3A_331, %dma_wait3A_332] : memref<79x128xi32, #tpu.memory_space<vmem>> -> memref<1x128xi32, #tpu.memory_space<vmem>>
      %dma_wait3A_334 = tpu.memref_squeeze %dma_wait3A_333 : memref<1x128xi32, #tpu.memory_space<vmem>> -> memref<128xi32, #tpu.memory_space<vmem>>
      %dma_wait3A_335 = arith.constant 0 : i32
      %dma_wait3A_336 = tpu.memref_slice %arg8[%dma_wait3A_335] : memref<10240xf32, #tpu.memory_space<vmem_shared>> -> memref<10240xf32, #tpu.memory_space<vmem_shared>>
      tpu.wait_indirect_dma semaphore(%arg22 : memref<!tpu.dma_semaphore, #tpu.memory_space<semaphore_mem>>) src(%arg19 : memref<128xf32, #tpu.memory_space<vmem>>) dst(%dma_wait3A_336 : memref<10240xf32, #tpu.memory_space<vmem_shared>>)
      %dma_wait3A_337 = arith.constant 0 : i32
      %dma_wait3A_338 = arith.constant 0 : i32
      %dma_wait3A_339 = tpu.memref_slice %arg10[%dma_wait3A_337, %dma_wait3A_338] : memref<79x128xi32, #tpu.memory_space<vmem>> -> memref<1x128xi32, #tpu.memory_space<vmem>>
      %dma_wait3A_340 = tpu.memref_squeeze %dma_wait3A_339 : memref<1x128xi32, #tpu.memory_space<vmem>> -> memref<128xi32, #tpu.memory_space<vmem>>
      %dma_wait3A_341 = arith.constant 0 : i32
      %dma_wait3A_342 = arith.constant 0 : i32
      %dma_wait3A_343 = tpu.memref_slice %arg7[%dma_wait3A_341, %dma_wait3A_342] : memref<10240x32xf32, #tpu.memory_space<vmem_shared>> -> memref<10240x32xf32, #tpu.memory_space<vmem_shared>>
      tpu.wait_indirect_dma semaphore(%arg22 : memref<!tpu.dma_semaphore, #tpu.memory_space<semaphore_mem>>) src(%arg16 : memref<128x32xf32, #tpu.memory_space<vmem>>) dst(%dma_wait3A_343 : memref<10240x32xf32, #tpu.memory_space<vmem_shared>>)
      %dma_wait3A_344 = arith.constant 0 : i32
      %dma_wait3A_345 = arith.constant 0 : i32
      %dma_wait3A_346 = tpu.memref_slice %arg10[%dma_wait3A_344, %dma_wait3A_345] : memref<79x128xi32, #tpu.memory_space<vmem>> -> memref<1x128xi32, #tpu.memory_space<vmem>>
      %dma_wait3A_347 = tpu.memref_squeeze %dma_wait3A_346 : memref<1x128xi32, #tpu.memory_space<vmem>> -> memref<128xi32, #tpu.memory_space<vmem>>
      %dma_wait3A_348 = arith.constant 0 : i32
      %dma_wait3A_349 = tpu.memref_slice %arg8[%dma_wait3A_348] : memref<10240xf32, #tpu.memory_space<vmem_shared>> -> memref<10240xf32, #tpu.memory_space<vmem_shared>>
      tpu.wait_indirect_dma semaphore(%arg22 : memref<!tpu.dma_semaphore, #tpu.memory_space<semaphore_mem>>) src(%arg19 : memref<128xf32, #tpu.memory_space<vmem>>) dst(%dma_wait3A_349 : memref<10240xf32, #tpu.memory_space<vmem_shared>>)
      %lt3A_350 = arith.constant 12 : i32
      %lt3A_351 = arith.cmpi slt, %scan3A_147, %lt3A_350 : i32
      %convert_element_type3A_352 = arith.extui %lt3A_351 : i1 to i32
      %cond3A_353 = arith.constant 0 : i32
      %cond3A_354 = arith.cmpi ne, %convert_element_type3A_352, %cond3A_353 : i32
      scf.if %cond3A_354 {
        %add3A_356 = arith.constant 9 : i32
        %add3A_357 = arith.addi %mul3A_152, %add3A_356 : i32
        %add3A_358 = arith.constant 0 : i32
        %add3A_359 = arith.addi %add3A_357, %add3A_358 : i32
        %mul3A_360 = arith.constant 128 : i32
        %mul3A_361 = arith.muli %add3A_359, %mul3A_360 : i32
        %dma_start3A_362 = tpu.memref_slice %arg9[%mul3A_361] : memref<10112xi32, #tpu.memory_space<vmem>> -> memref<128xi32, #tpu.memory_space<vmem>>
        %dma_start3A_363 = arith.constant 0 : i32
        %dma_start3A_364 = arith.constant 0 : i32
        %dma_start3A_365 = tpu.memref_slice %arg2[%dma_start3A_363, %dma_start3A_364] : memref<10240x32xf32, #tpu.memory_space<hbm>> -> memref<10240x32xf32, #tpu.memory_space<hbm>>
        tpu.enqueue_indirect_dma source(%dma_start3A_365 : memref<10240x32xf32, #tpu.memory_space<hbm>>) target(%arg14 : memref<128x32xf32, #tpu.memory_space<vmem>>) offsets(%dma_start3A_362 : memref<128xi32, #tpu.memory_space<vmem>>) semaphore(%arg26 : memref<!tpu.dma_semaphore, #tpu.memory_space<semaphore_mem>>)
        %add3A_366 = arith.constant 9 : i32
        %add3A_367 = arith.addi %mul3A_152, %add3A_366 : i32
        %add3A_368 = arith.constant 1 : i32
        %add3A_369 = arith.addi %add3A_367, %add3A_368 : i32
        %mul3A_370 = arith.constant 128 : i32
        %mul3A_371 = arith.muli %add3A_369, %mul3A_370 : i32
        %dma_start3A_372 = tpu.memref_slice %arg9[%mul3A_371] : memref<10112xi32, #tpu.memory_space<vmem>> -> memref<128xi32, #tpu.memory_space<vmem>>
        %dma_start3A_373 = arith.constant 0 : i32
        %dma_start3A_374 = arith.constant 0 : i32
        %dma_start3A_375 = tpu.memref_slice %arg2[%dma_start3A_373, %dma_start3A_374] : memref<10240x32xf32, #tpu.memory_space<hbm>> -> memref<10240x32xf32, #tpu.memory_space<hbm>>
        tpu.enqueue_indirect_dma source(%dma_start3A_375 : memref<10240x32xf32, #tpu.memory_space<hbm>>) target(%arg15 : memref<128x32xf32, #tpu.memory_space<vmem>>) offsets(%dma_start3A_372 : memref<128xi32, #tpu.memory_space<vmem>>) semaphore(%arg27 : memref<!tpu.dma_semaphore, #tpu.memory_space<semaphore_mem>>)
        %add3A_376 = arith.constant 9 : i32
        %add3A_377 = arith.addi %mul3A_152, %add3A_376 : i32
        %add3A_378 = arith.constant 2 : i32
        %add3A_379 = arith.addi %add3A_377, %add3A_378 : i32
        %mul3A_380 = arith.constant 128 : i32
        %mul3A_381 = arith.muli %add3A_379, %mul3A_380 : i32
        %dma_start3A_382 = tpu.memref_slice %arg9[%mul3A_381] : memref<10112xi32, #tpu.memory_space<vmem>> -> memref<128xi32, #tpu.memory_space<vmem>>
        %dma_start3A_383 = arith.constant 0 : i32
        %dma_start3A_384 = arith.constant 0 : i32
        %dma_start3A_385 = tpu.memref_slice %arg2[%dma_start3A_383, %dma_start3A_384] : memref<10240x32xf32, #tpu.memory_space<hbm>> -> memref<10240x32xf32, #tpu.memory_space<hbm>>
        tpu.enqueue_indirect_dma source(%dma_start3A_385 : memref<10240x32xf32, #tpu.memory_space<hbm>>) target(%arg16 : memref<128x32xf32, #tpu.memory_space<vmem>>) offsets(%dma_start3A_382 : memref<128xi32, #tpu.memory_space<vmem>>) semaphore(%arg28 : memref<!tpu.dma_semaphore, #tpu.memory_space<semaphore_mem>>)
      } else {
      }
      %scan3A_355 = arith.constant 0 : i32
      scf.yield %scan3A_355 : i32
    }
    %scan3A_131 = arith.constant 13 : i32
    %lt3A_132 = arith.constant 4 : i32
    %lt3A_133 = arith.cmpi slt, %add3A, %lt3A_132 : i32
    %convert_element_type3A_134 = arith.extui %lt3A_133 : i1 to i32
    %cond3A_135 = arith.constant 0 : i32
    %cond3A_136 = arith.cmpi ne, %convert_element_type3A_134, %cond3A_135 : i32
    scf.if %cond3A_136 {
      %dma_start3A_147 = arith.constant 9984 : i32
      %dma_start3A_148 = tpu.memref_slice %arg9[%dma_start3A_147] : memref<10112xi32, #tpu.memory_space<vmem>> -> memref<128xi32, #tpu.memory_space<vmem>>
      %dma_start3A_149 = arith.constant 0 : i32
      %dma_start3A_150 = arith.constant 0 : i32
      %dma_start3A_151 = tpu.memref_slice %arg2[%dma_start3A_149, %dma_start3A_150] : memref<10240x32xf32, #tpu.memory_space<hbm>> -> memref<10240x32xf32, #tpu.memory_space<hbm>>
      tpu.enqueue_indirect_dma source(%dma_start3A_151 : memref<10240x32xf32, #tpu.memory_space<hbm>>) target(%arg11 : memref<128x32xf32, #tpu.memory_space<vmem>>) offsets(%dma_start3A_148 : memref<128xi32, #tpu.memory_space<vmem>>) semaphore(%arg23 : memref<!tpu.dma_semaphore, #tpu.memory_space<semaphore_mem>>)
      %dma_wait3A_152 = arith.constant 0 : i32
      %dma_wait3A_153 = tpu.memref_slice %arg9[%dma_wait3A_152] : memref<10112xi32, #tpu.memory_space<vmem>> -> memref<128xi32, #tpu.memory_space<vmem>>
      %dma_wait3A_154 = arith.constant 0 : i32
      %dma_wait3A_155 = arith.constant 0 : i32
      %dma_wait3A_156 = tpu.memref_slice %arg2[%dma_wait3A_154, %dma_wait3A_155] : memref<10240x32xf32, #tpu.memory_space<hbm>> -> memref<10240x32xf32, #tpu.memory_space<hbm>>
      tpu.wait_indirect_dma semaphore(%arg23 : memref<!tpu.dma_semaphore, #tpu.memory_space<semaphore_mem>>) src(%dma_wait3A_156 : memref<10240x32xf32, #tpu.memory_space<hbm>>) dst(%arg11 : memref<128x32xf32, #tpu.memory_space<vmem>>)
      %dma_start3A_157 = arith.constant 78 : i32
      %dma_start3A_158 = arith.constant 0 : i32
      %dma_start3A_159 = tpu.memref_slice %arg10[%dma_start3A_157, %dma_start3A_158] : memref<79x128xi32, #tpu.memory_space<vmem>> -> memref<1x128xi32, #tpu.memory_space<vmem>>
      %dma_start3A_160 = tpu.memref_squeeze %dma_start3A_159 : memref<1x128xi32, #tpu.memory_space<vmem>> -> memref<128xi32, #tpu.memory_space<vmem>>
      %dma_start3A_161 = arith.constant 0 : i32
      %dma_start3A_162 = arith.constant 0 : i32
      %dma_start3A_163 = tpu.memref_slice %arg7[%dma_start3A_161, %dma_start3A_162] : memref<10240x32xf32, #tpu.memory_space<vmem_shared>> -> memref<10240x32xf32, #tpu.memory_space<vmem_shared>>
      tpu.enqueue_indirect_dma source(%arg11 : memref<128x32xf32, #tpu.memory_space<vmem>>) target(%dma_start3A_163 : memref<10240x32xf32, #tpu.memory_space<vmem_shared>>) offsets(%dma_start3A_160 : memref<128xi32, #tpu.memory_space<vmem>>) semaphore(%arg21 : memref<!tpu.dma_semaphore, #tpu.memory_space<semaphore_mem>>) {add = true}
      %dma_start3A_164 = arith.constant 78 : i32
      %dma_start3A_165 = arith.constant 0 : i32
      %dma_start3A_166 = tpu.memref_slice %arg10[%dma_start3A_164, %dma_start3A_165] : memref<79x128xi32, #tpu.memory_space<vmem>> -> memref<1x128xi32, #tpu.memory_space<vmem>>
      %dma_start3A_167 = tpu.memref_squeeze %dma_start3A_166 : memref<1x128xi32, #tpu.memory_space<vmem>> -> memref<128xi32, #tpu.memory_space<vmem>>
      %dma_start3A_168 = arith.constant 0 : i32
      %dma_start3A_169 = tpu.memref_slice %arg8[%dma_start3A_168] : memref<10240xf32, #tpu.memory_space<vmem_shared>> -> memref<10240xf32, #tpu.memory_space<vmem_shared>>
      tpu.enqueue_indirect_dma source(%arg19 : memref<128xf32, #tpu.memory_space<vmem>>) target(%dma_start3A_169 : memref<10240xf32, #tpu.memory_space<vmem_shared>>) offsets(%dma_start3A_167 : memref<128xi32, #tpu.memory_space<vmem>>) semaphore(%arg21 : memref<!tpu.dma_semaphore, #tpu.memory_space<semaphore_mem>>) {add = true}
      %dma_wait3A_170 = arith.constant 0 : i32
      %dma_wait3A_171 = arith.constant 0 : i32
      %dma_wait3A_172 = tpu.memref_slice %arg10[%dma_wait3A_170, %dma_wait3A_171] : memref<79x128xi32, #tpu.memory_space<vmem>> -> memref<1x128xi32, #tpu.memory_space<vmem>>
      %dma_wait3A_173 = tpu.memref_squeeze %dma_wait3A_172 : memref<1x128xi32, #tpu.memory_space<vmem>> -> memref<128xi32, #tpu.memory_space<vmem>>
      %dma_wait3A_174 = arith.constant 0 : i32
      %dma_wait3A_175 = arith.constant 0 : i32
      %dma_wait3A_176 = tpu.memref_slice %arg7[%dma_wait3A_174, %dma_wait3A_175] : memref<10240x32xf32, #tpu.memory_space<vmem_shared>> -> memref<10240x32xf32, #tpu.memory_space<vmem_shared>>
      tpu.wait_indirect_dma semaphore(%arg21 : memref<!tpu.dma_semaphore, #tpu.memory_space<semaphore_mem>>) src(%arg11 : memref<128x32xf32, #tpu.memory_space<vmem>>) dst(%dma_wait3A_176 : memref<10240x32xf32, #tpu.memory_space<vmem_shared>>)
      %dma_wait3A_177 = arith.constant 0 : i32
      %dma_wait3A_178 = arith.constant 0 : i32
      %dma_wait3A_179 = tpu.memref_slice %arg10[%dma_wait3A_177, %dma_wait3A_178] : memref<79x128xi32, #tpu.memory_space<vmem>> -> memref<1x128xi32, #tpu.memory_space<vmem>>
      %dma_wait3A_180 = tpu.memref_squeeze %dma_wait3A_179 : memref<1x128xi32, #tpu.memory_space<vmem>> -> memref<128xi32, #tpu.memory_space<vmem>>
      %dma_wait3A_181 = arith.constant 0 : i32
      %dma_wait3A_182 = tpu.memref_slice %arg8[%dma_wait3A_181] : memref<10240xf32, #tpu.memory_space<vmem_shared>> -> memref<10240xf32, #tpu.memory_space<vmem_shared>>
      tpu.wait_indirect_dma semaphore(%arg21 : memref<!tpu.dma_semaphore, #tpu.memory_space<semaphore_mem>>) src(%arg19 : memref<128xf32, #tpu.memory_space<vmem>>) dst(%dma_wait3A_182 : memref<10240xf32, #tpu.memory_space<vmem_shared>>)
    } else {
    }
    %barrier3A_137 = arith.constant 0 : index
    tpu.barrier barrier_id(%barrier3A_137)
    "tpu.region"() ({
      %run_scoped3A = tpu.sem_alloc : memref<!tpu.dma_semaphore, #tpu.memory_space<semaphore_mem>>
      %dma_start3A_147 = arith.constant 0 : i32
      %dma_start3A_148 = tpu.memref_slice %arg4[%arg0, %mul3A_2, %dma_start3A_147] : memref<2x10240x32xf32, #tpu.memory_space<hbm>> -> memref<1x640x32xf32, #tpu.memory_space<hbm>>
      %dma_start3A_149 = tpu.memref_squeeze %dma_start3A_148 : memref<1x640x32xf32, #tpu.memory_space<hbm>> -> memref<640x32xf32, #tpu.memory_space<hbm>>
      %dma_start3A_150 = arith.constant 0 : i32
      %dma_start3A_151 = tpu.memref_slice %arg7[%mul3A_2, %dma_start3A_150] : memref<10240x32xf32, #tpu.memory_space<vmem_shared>> -> memref<640x32xf32, #tpu.memory_space<vmem_shared>>
      tpu.enqueue_dma source(%dma_start3A_151 : memref<640x32xf32, #tpu.memory_space<vmem_shared>>) target(%dma_start3A_149 : memref<640x32xf32, #tpu.memory_space<hbm>>) target_semaphore(%run_scoped3A : memref<!tpu.dma_semaphore, #tpu.memory_space<semaphore_mem>>)
      %dma_wait3A_152 = arith.constant 0 : i32
      %dma_wait3A_153 = tpu.memref_slice %arg4[%arg0, %mul3A_2, %dma_wait3A_152] : memref<2x10240x32xf32, #tpu.memory_space<hbm>> -> memref<1x640x32xf32, #tpu.memory_space<hbm>>
      %dma_wait3A_154 = tpu.memref_squeeze %dma_wait3A_153 : memref<1x640x32xf32, #tpu.memory_space<hbm>> -> memref<640x32xf32, #tpu.memory_space<hbm>>
      %dma_wait3A_155 = arith.constant 0 : i32
      %dma_wait3A_156 = tpu.memref_slice %arg7[%mul3A_2, %dma_wait3A_155] : memref<10240x32xf32, #tpu.memory_space<vmem_shared>> -> memref<640x32xf32, #tpu.memory_space<vmem_shared>>
      tpu.wait_dma2 semaphore(%run_scoped3A : memref<!tpu.dma_semaphore, #tpu.memory_space<semaphore_mem>>) src(%dma_wait3A_156 : memref<640x32xf32, #tpu.memory_space<vmem_shared>>) dst(%dma_wait3A_154 : memref<640x32xf32, #tpu.memory_space<hbm>>)
      tpu.yield
    }) : () -> ()
    %eq3A = arith.constant 0 : i32
    %eq3A_138 = arith.cmpi eq, %arg0, %eq3A : i32
    %convert_element_type3A_139 = arith.extui %eq3A_138 : i1 to i32
    %cond3A_140 = arith.constant 0 : i32
    %cond3A_141 = arith.cmpi ne, %convert_element_type3A_139, %cond3A_140 : i32
    scf.if %cond3A_141 {
      "tpu.region"() ({
        %run_scoped3A = tpu.sem_alloc : memref<!tpu.dma_semaphore, #tpu.memory_space<semaphore_mem>>
        %dma_start3A_147 = tpu.memref_slice %arg5[%mul3A_2] : memref<10240xf32, #tpu.memory_space<hbm>> -> memref<640xf32, #tpu.memory_space<hbm>>
        %dma_start3A_148 = tpu.memref_slice %arg8[%mul3A_2] : memref<10240xf32, #tpu.memory_space<vmem_shared>> -> memref<640xf32, #tpu.memory_space<vmem_shared>>
        tpu.enqueue_dma source(%dma_start3A_148 : memref<640xf32, #tpu.memory_space<vmem_shared>>) target(%dma_start3A_147 : memref<640xf32, #tpu.memory_space<hbm>>) target_semaphore(%run_scoped3A : memref<!tpu.dma_semaphore, #tpu.memory_space<semaphore_mem>>)
        %dma_wait3A_149 = tpu.memref_slice %arg5[%mul3A_2] : memref<10240xf32, #tpu.memory_space<hbm>> -> memref<640xf32, #tpu.memory_space<hbm>>
        %dma_wait3A_150 = tpu.memref_slice %arg8[%mul3A_2] : memref<10240xf32, #tpu.memory_space<vmem_shared>> -> memref<640xf32, #tpu.memory_space<vmem_shared>>
        tpu.wait_dma2 semaphore(%run_scoped3A : memref<!tpu.dma_semaphore, #tpu.memory_space<semaphore_mem>>) src(%dma_wait3A_150 : memref<640xf32, #tpu.memory_space<vmem_shared>>) dst(%dma_wait3A_149 : memref<640xf32, #tpu.memory_space<hbm>>)
        tpu.yield
      }) : () -> ()
    } else {
    }
    %eq3A_142 = arith.constant 1 : i32
    %eq3A_143 = arith.cmpi eq, %arg0, %eq3A_142 : i32
    %convert_element_type3A_144 = arith.extui %eq3A_143 : i1 to i32
    %cond3A_145 = arith.constant 0 : i32
    %cond3A_146 = arith.cmpi ne, %convert_element_type3A_144, %cond3A_145 : i32
    scf.if %cond3A_146 {
      "tpu.region"() ({
        %run_scoped3A = tpu.sem_alloc : memref<!tpu.dma_semaphore, #tpu.memory_space<semaphore_mem>>
        %dma_start3A_147 = tpu.memref_slice %arg6[%mul3A_2] : memref<10240xf32, #tpu.memory_space<hbm>> -> memref<640xf32, #tpu.memory_space<hbm>>
        %dma_start3A_148 = tpu.memref_slice %arg8[%mul3A_2] : memref<10240xf32, #tpu.memory_space<vmem_shared>> -> memref<640xf32, #tpu.memory_space<vmem_shared>>
        tpu.enqueue_dma source(%dma_start3A_148 : memref<640xf32, #tpu.memory_space<vmem_shared>>) target(%dma_start3A_147 : memref<640xf32, #tpu.memory_space<hbm>>) target_semaphore(%run_scoped3A : memref<!tpu.dma_semaphore, #tpu.memory_space<semaphore_mem>>)
        %dma_wait3A_149 = tpu.memref_slice %arg6[%mul3A_2] : memref<10240xf32, #tpu.memory_space<hbm>> -> memref<640xf32, #tpu.memory_space<hbm>>
        %dma_wait3A_150 = tpu.memref_slice %arg8[%mul3A_2] : memref<10240xf32, #tpu.memory_space<vmem_shared>> -> memref<640xf32, #tpu.memory_space<vmem_shared>>
        tpu.wait_dma2 semaphore(%run_scoped3A : memref<!tpu.dma_semaphore, #tpu.memory_space<semaphore_mem>>) src(%dma_wait3A_150 : memref<640xf32, #tpu.memory_space<vmem_shared>>) dst(%dma_wait3A_149 : memref<640xf32, #tpu.memory_space<hbm>>)
        tpu.yield
      }) : () -> ()
    } else {
    }
    return
  }
}

#map = affine_map<(d0, d1) -> (0, 0)>
#map1 = affine_map<(d0, d1) -> (0, 0, 0)>
module attributes {stable_mosaic.version = 14 : i64} {
  func.func @_edge_pass_body(%arg0: i32, %arg1: i32, %arg2: memref<10240x32xf32, #tpu.memory_space<hbm>>, %arg3: memref<2x320000xi32, #tpu.memory_space<hbm>>, %arg4: memref<2x10240x32xf32, #tpu.memory_space<hbm>>, %arg5: memref<10240x32xf32, #tpu.memory_space<vmem_shared>>, %arg6: memref<10112xi32, #tpu.memory_space<vmem>>, %arg7: memref<79x128xi32, #tpu.memory_space<vmem>>, %arg8: memref<128x32xf32, #tpu.memory_space<vmem>>, %arg9: memref<128x32xf32, #tpu.memory_space<vmem>>, %arg10: memref<128x32xf32, #tpu.memory_space<vmem>>, %arg11: memref<128x32xf32, #tpu.memory_space<vmem>>, %arg12: memref<128x32xf32, #tpu.memory_space<vmem>>, %arg13: memref<128x32xf32, #tpu.memory_space<vmem>>, %arg14: memref<640x32xf32, #tpu.memory_space<vmem>>, %arg15: memref<!tpu.dma_semaphore, #tpu.memory_space<semaphore_mem>>, %arg16: memref<!tpu.dma_semaphore, #tpu.memory_space<semaphore_mem>>, %arg17: memref<!tpu.dma_semaphore, #tpu.memory_space<semaphore_mem>>, %arg18: memref<!tpu.dma_semaphore, #tpu.memory_space<semaphore_mem>>, %arg19: memref<!tpu.dma_semaphore, #tpu.memory_space<semaphore_mem>>, %arg20: memref<!tpu.dma_semaphore, #tpu.memory_space<semaphore_mem>>, %arg21: memref<!tpu.dma_semaphore, #tpu.memory_space<semaphore_mem>>, %arg22: memref<!tpu.dma_semaphore, #tpu.memory_space<semaphore_mem>>, %arg23: memref<!tpu.dma_semaphore, #tpu.memory_space<semaphore_mem>>) attributes {dimension_semantics = [#tpu.dimension_semantics<core_parallel>, #tpu.dimension_semantics<subcore_parallel>], iteration_bounds = array<i64: 2, 16>, scalar_prefetch = 0 : i64, scratch_operands = 19 : i64, tpu.core_type = #tpu.core_type<sc_vector_subcore>, window_params = [{transform_indices = #map}, {transform_indices = #map}, {transform_indices = #map1}]} {
    %mul3A = arith.constant 2 : i32
    %mul3A_0 = arith.muli %arg1, %mul3A : i32
    %add3A = arith.addi %mul3A_0, %arg0 : i32
    %mul3A_1 = arith.constant 640 : i32
    %mul3A_2 = arith.muli %arg1, %mul3A_1 : i32
    %mul3A_3 = arith.constant 78 : i32
    %mul3A_4 = arith.muli %add3A, %mul3A_3 : i32
    %mul3A_5 = arith.constant 128 : i32
    %mul3A_6 = arith.muli %mul3A_4, %mul3A_5 : i32
    %dma_start3A = arith.constant 0 : i32
    %dma_start3A_7 = arith.constant 0 : i32
    %dma_start3A_8 = tpu.memref_slice %arg6[%dma_start3A_7] : memref<10112xi32, #tpu.memory_space<vmem>> -> memref<9984xi32, #tpu.memory_space<vmem>>
    %dma_start3A_9 = tpu.memref_slice %arg3[%dma_start3A, %mul3A_6] : memref<2x320000xi32, #tpu.memory_space<hbm>> -> memref<1x9984xi32, #tpu.memory_space<hbm>>
    %dma_start3A_10 = tpu.memref_squeeze %dma_start3A_9 : memref<1x9984xi32, #tpu.memory_space<hbm>> -> memref<9984xi32, #tpu.memory_space<hbm>>
    %dma_start3A_11 = arith.constant 0 : i32
    %dma_start3A_12 = tpu.memref_slice %arg6[%dma_start3A_11] : memref<10112xi32, #tpu.memory_space<vmem>> -> memref<9984xi32, #tpu.memory_space<vmem>>
    %dma_start3A_13 = tpu.memref_slice %arg3[%dma_start3A, %mul3A_6] : memref<2x320000xi32, #tpu.memory_space<hbm>> -> memref<1x9984xi32, #tpu.memory_space<hbm>>
    %dma_start3A_14 = tpu.memref_squeeze %dma_start3A_13 : memref<1x9984xi32, #tpu.memory_space<hbm>> -> memref<9984xi32, #tpu.memory_space<hbm>>
    tpu.enqueue_dma source(%dma_start3A_14 : memref<9984xi32, #tpu.memory_space<hbm>>) target(%dma_start3A_12 : memref<9984xi32, #tpu.memory_space<vmem>>) target_semaphore(%arg15 : memref<!tpu.dma_semaphore, #tpu.memory_space<semaphore_mem>>)
    %scan3A = arith.constant 0 : i32
    %scan3A_15 = arith.constant 0 : i32
    %scan3A_16 = arith.constant 78 : i32
    %scan3A_17 = arith.addi %scan3A_15, %scan3A_16 : i32
    %scan3A_18 = arith.constant 1 : i32
    %scan3A_19 = scf.for %scan3A_98 = %scan3A_15 to %scan3A_17 step %scan3A_18 iter_args(%scan3A_99 = %scan3A) -> (i32)  : i32 {
      %mul3A_100 = arith.constant 128 : i32
      %mul3A_101 = arith.muli %scan3A_98, %mul3A_100 : i32
      %add3A_102 = arith.addi %mul3A_6, %mul3A_101 : i32
      %dma_start3A_103 = arith.constant 1 : i32
      %dma_start3A_104 = arith.constant 0 : i32
      %dma_start3A_105 = tpu.memref_slice %arg7[%scan3A_98, %dma_start3A_104] : memref<79x128xi32, #tpu.memory_space<vmem>> -> memref<1x128xi32, #tpu.memory_space<vmem>>
      %dma_start3A_106 = tpu.memref_squeeze %dma_start3A_105 : memref<1x128xi32, #tpu.memory_space<vmem>> -> memref<128xi32, #tpu.memory_space<vmem>>
      %dma_start3A_107 = tpu.memref_slice %arg3[%dma_start3A_103, %add3A_102] : memref<2x320000xi32, #tpu.memory_space<hbm>> -> memref<1x128xi32, #tpu.memory_space<hbm>>
      %dma_start3A_108 = tpu.memref_squeeze %dma_start3A_107 : memref<1x128xi32, #tpu.memory_space<hbm>> -> memref<128xi32, #tpu.memory_space<hbm>>
      %dma_start3A_109 = arith.constant 0 : i32
      %dma_start3A_110 = tpu.memref_slice %arg7[%scan3A_98, %dma_start3A_109] : memref<79x128xi32, #tpu.memory_space<vmem>> -> memref<1x128xi32, #tpu.memory_space<vmem>>
      %dma_start3A_111 = tpu.memref_squeeze %dma_start3A_110 : memref<1x128xi32, #tpu.memory_space<vmem>> -> memref<128xi32, #tpu.memory_space<vmem>>
      %dma_start3A_112 = tpu.memref_slice %arg3[%dma_start3A_103, %add3A_102] : memref<2x320000xi32, #tpu.memory_space<hbm>> -> memref<1x128xi32, #tpu.memory_space<hbm>>
      %dma_start3A_113 = tpu.memref_squeeze %dma_start3A_112 : memref<1x128xi32, #tpu.memory_space<hbm>> -> memref<128xi32, #tpu.memory_space<hbm>>
      tpu.enqueue_dma source(%dma_start3A_113 : memref<128xi32, #tpu.memory_space<hbm>>) target(%dma_start3A_111 : memref<128xi32, #tpu.memory_space<vmem>>) target_semaphore(%arg15 : memref<!tpu.dma_semaphore, #tpu.memory_space<semaphore_mem>>)
      %scan3A_114 = arith.constant 0 : i32
      scf.yield %scan3A_114 : i32
    }
    %scan3A_20 = arith.constant 78 : i32
    %add3A_21 = arith.constant 2496 : i32
    %add3A_22 = arith.addi %add3A_21, %add3A : i32
    %mul3A_23 = arith.constant 128 : i32
    %mul3A_24 = arith.muli %add3A_22, %mul3A_23 : i32
    %lt3A = arith.constant 4 : i32
    %lt3A_25 = arith.cmpi slt, %add3A, %lt3A : i32
    %convert_element_type3A = arith.extui %lt3A_25 : i1 to i32
    %cond3A = arith.constant 0 : i32
    %cond3A_26 = arith.cmpi ne, %convert_element_type3A, %cond3A : i32
    scf.if %cond3A_26 {
      %dma_start3A_98 = arith.constant 0 : i32
      %dma_start3A_99 = arith.constant 9984 : i32
      %dma_start3A_100 = tpu.memref_slice %arg6[%dma_start3A_99] : memref<10112xi32, #tpu.memory_space<vmem>> -> memref<128xi32, #tpu.memory_space<vmem>>
      %dma_start3A_101 = tpu.memref_slice %arg3[%dma_start3A_98, %mul3A_24] : memref<2x320000xi32, #tpu.memory_space<hbm>> -> memref<1x128xi32, #tpu.memory_space<hbm>>
      %dma_start3A_102 = tpu.memref_squeeze %dma_start3A_101 : memref<1x128xi32, #tpu.memory_space<hbm>> -> memref<128xi32, #tpu.memory_space<hbm>>
      %dma_start3A_103 = arith.constant 9984 : i32
      %dma_start3A_104 = tpu.memref_slice %arg6[%dma_start3A_103] : memref<10112xi32, #tpu.memory_space<vmem>> -> memref<128xi32, #tpu.memory_space<vmem>>
      %dma_start3A_105 = tpu.memref_slice %arg3[%dma_start3A_98, %mul3A_24] : memref<2x320000xi32, #tpu.memory_space<hbm>> -> memref<1x128xi32, #tpu.memory_space<hbm>>
      %dma_start3A_106 = tpu.memref_squeeze %dma_start3A_105 : memref<1x128xi32, #tpu.memory_space<hbm>> -> memref<128xi32, #tpu.memory_space<hbm>>
      tpu.enqueue_dma source(%dma_start3A_106 : memref<128xi32, #tpu.memory_space<hbm>>) target(%dma_start3A_104 : memref<128xi32, #tpu.memory_space<vmem>>) target_semaphore(%arg15 : memref<!tpu.dma_semaphore, #tpu.memory_space<semaphore_mem>>)
      %dma_start3A_107 = arith.constant 1 : i32
      %dma_start3A_108 = arith.constant 78 : i32
      %dma_start3A_109 = arith.constant 0 : i32
      %dma_start3A_110 = tpu.memref_slice %arg7[%dma_start3A_108, %dma_start3A_109] : memref<79x128xi32, #tpu.memory_space<vmem>> -> memref<1x128xi32, #tpu.memory_space<vmem>>
      %dma_start3A_111 = tpu.memref_squeeze %dma_start3A_110 : memref<1x128xi32, #tpu.memory_space<vmem>> -> memref<128xi32, #tpu.memory_space<vmem>>
      %dma_start3A_112 = tpu.memref_slice %arg3[%dma_start3A_107, %mul3A_24] : memref<2x320000xi32, #tpu.memory_space<hbm>> -> memref<1x128xi32, #tpu.memory_space<hbm>>
      %dma_start3A_113 = tpu.memref_squeeze %dma_start3A_112 : memref<1x128xi32, #tpu.memory_space<hbm>> -> memref<128xi32, #tpu.memory_space<hbm>>
      %dma_start3A_114 = arith.constant 0 : i32
      %dma_start3A_115 = tpu.memref_slice %arg7[%dma_start3A_108, %dma_start3A_114] : memref<79x128xi32, #tpu.memory_space<vmem>> -> memref<1x128xi32, #tpu.memory_space<vmem>>
      %dma_start3A_116 = tpu.memref_squeeze %dma_start3A_115 : memref<1x128xi32, #tpu.memory_space<vmem>> -> memref<128xi32, #tpu.memory_space<vmem>>
      %dma_start3A_117 = tpu.memref_slice %arg3[%dma_start3A_107, %mul3A_24] : memref<2x320000xi32, #tpu.memory_space<hbm>> -> memref<1x128xi32, #tpu.memory_space<hbm>>
      %dma_start3A_118 = tpu.memref_squeeze %dma_start3A_117 : memref<1x128xi32, #tpu.memory_space<hbm>> -> memref<128xi32, #tpu.memory_space<hbm>>
      tpu.enqueue_dma source(%dma_start3A_118 : memref<128xi32, #tpu.memory_space<hbm>>) target(%dma_start3A_116 : memref<128xi32, #tpu.memory_space<vmem>>) target_semaphore(%arg15 : memref<!tpu.dma_semaphore, #tpu.memory_space<semaphore_mem>>)
    } else {
    }
    %broadcast_in_dim3A = arith.constant 0.000000e+00 : f32
    %broadcast_in_dim3A_27 = vector.broadcast %broadcast_in_dim3A : f32 to vector<16xf32>
    %scan3A_28 = arith.constant 0 : i32
    %scan3A_29 = arith.constant 0 : i32
    %scan3A_30 = arith.constant 640 : i32
    %scan3A_31 = arith.addi %scan3A_29, %scan3A_30 : i32
    %scan3A_32 = arith.constant 1 : i32
    %scan3A_33 = scf.for %scan3A_98 = %scan3A_29 to %scan3A_31 step %scan3A_32 iter_args(%scan3A_99 = %scan3A_28) -> (i32)  : i32 {
      %swap3A = arith.index_cast %scan3A_98 : i32 to index
      %swap3A_100 = arith.constant 0 : index
      %swap3A_101 = tpu.vector_load %arg14[%swap3A, %swap3A_100] {strides = array<i32>} : memref<640x32xf32, #tpu.memory_space<vmem>>, vector<1x16xf32>,
      %swap3A_102 = vector.shape_cast %swap3A_101 : vector<1x16xf32> to vector<16xf32>
      %swap3A_103 = vector.shape_cast %broadcast_in_dim3A_27 : vector<16xf32> to vector<1x16xf32>
      tpu.vector_store %arg14[%swap3A, %swap3A_100], %swap3A_103 {strides = array<i32>} : memref<640x32xf32, #tpu.memory_space<vmem>>, vector<1x16xf32>,
      %swap3A_104 = arith.index_cast %scan3A_98 : i32 to index
      %swap3A_105 = arith.constant 16 : index
      %swap3A_106 = tpu.vector_load %arg14[%swap3A_104, %swap3A_105] {strides = array<i32>} : memref<640x32xf32, #tpu.memory_space<vmem>>, vector<1x16xf32>,
      %swap3A_107 = vector.shape_cast %swap3A_106 : vector<1x16xf32> to vector<16xf32>
      %swap3A_108 = vector.shape_cast %broadcast_in_dim3A_27 : vector<16xf32> to vector<1x16xf32>
      tpu.vector_store %arg14[%swap3A_104, %swap3A_105], %swap3A_108 {strides = array<i32>} : memref<640x32xf32, #tpu.memory_space<vmem>>, vector<1x16xf32>,
      %scan3A_109 = arith.constant 0 : i32
      scf.yield %scan3A_109 : i32
    }
    %scan3A_34 = arith.constant 640 : i32
    "tpu.region"() ({
      %run_scoped3A = tpu.sem_alloc : memref<!tpu.dma_semaphore, #tpu.memory_space<semaphore_mem>>
      %dma_start3A_98 = arith.constant 0 : i32
      %dma_start3A_99 = tpu.memref_slice %arg5[%mul3A_2, %dma_start3A_98] : memref<10240x32xf32, #tpu.memory_space<vmem_shared>> -> memref<640x32xf32, #tpu.memory_space<vmem_shared>>
      %dma_start3A_100 = arith.constant 0 : i32
      %dma_start3A_101 = tpu.memref_slice %arg5[%mul3A_2, %dma_start3A_100] : memref<10240x32xf32, #tpu.memory_space<vmem_shared>> -> memref<640x32xf32, #tpu.memory_space<vmem_shared>>
      tpu.enqueue_dma source(%arg14 : memref<640x32xf32, #tpu.memory_space<vmem>>) target(%dma_start3A_101 : memref<640x32xf32, #tpu.memory_space<vmem_shared>>) target_semaphore(%run_scoped3A : memref<!tpu.dma_semaphore, #tpu.memory_space<semaphore_mem>>)
      %dma_wait3A_102 = arith.constant 0 : i32
      %dma_wait3A_103 = tpu.memref_slice %arg5[%mul3A_2, %dma_wait3A_102] : memref<10240x32xf32, #tpu.memory_space<vmem_shared>> -> memref<640x32xf32, #tpu.memory_space<vmem_shared>>
      %dma_wait3A_104 = arith.constant 0 : i32
      %dma_wait3A_105 = tpu.memref_slice %arg5[%mul3A_2, %dma_wait3A_104] : memref<10240x32xf32, #tpu.memory_space<vmem_shared>> -> memref<640x32xf32, #tpu.memory_space<vmem_shared>>
      tpu.wait_dma2 semaphore(%run_scoped3A : memref<!tpu.dma_semaphore, #tpu.memory_space<semaphore_mem>>) src(%arg14 : memref<640x32xf32, #tpu.memory_space<vmem>>) dst(%dma_wait3A_105 : memref<640x32xf32, #tpu.memory_space<vmem_shared>>)
      tpu.yield
    }) : () -> ()
    %dma_wait3A = arith.constant 0 : i32
    %dma_wait3A_35 = arith.constant 0 : i32
    %dma_wait3A_36 = tpu.memref_slice %arg6[%dma_wait3A_35] : memref<10112xi32, #tpu.memory_space<vmem>> -> memref<9984xi32, #tpu.memory_space<vmem>>
    %dma_wait3A_37 = tpu.memref_slice %arg3[%dma_wait3A, %mul3A_6] : memref<2x320000xi32, #tpu.memory_space<hbm>> -> memref<1x9984xi32, #tpu.memory_space<hbm>>
    %dma_wait3A_38 = tpu.memref_squeeze %dma_wait3A_37 : memref<1x9984xi32, #tpu.memory_space<hbm>> -> memref<9984xi32, #tpu.memory_space<hbm>>
    %dma_wait3A_39 = arith.constant 0 : i32
    %dma_wait3A_40 = tpu.memref_slice %arg6[%dma_wait3A_39] : memref<10112xi32, #tpu.memory_space<vmem>> -> memref<9984xi32, #tpu.memory_space<vmem>>
    %dma_wait3A_41 = tpu.memref_slice %arg3[%dma_wait3A, %mul3A_6] : memref<2x320000xi32, #tpu.memory_space<hbm>> -> memref<1x9984xi32, #tpu.memory_space<hbm>>
    %dma_wait3A_42 = tpu.memref_squeeze %dma_wait3A_41 : memref<1x9984xi32, #tpu.memory_space<hbm>> -> memref<9984xi32, #tpu.memory_space<hbm>>
    tpu.wait_dma2 semaphore(%arg15 : memref<!tpu.dma_semaphore, #tpu.memory_space<semaphore_mem>>) src(%dma_wait3A_42 : memref<9984xi32, #tpu.memory_space<hbm>>) dst(%dma_wait3A_40 : memref<9984xi32, #tpu.memory_space<vmem>>)
    %scan3A_43 = arith.constant 0 : i32
    %scan3A_44 = arith.constant 0 : i32
    %scan3A_45 = arith.constant 78 : i32
    %scan3A_46 = arith.addi %scan3A_44, %scan3A_45 : i32
    %scan3A_47 = arith.constant 1 : i32
    %scan3A_48 = scf.for %scan3A_98 = %scan3A_44 to %scan3A_46 step %scan3A_47 iter_args(%scan3A_99 = %scan3A_43) -> (i32)  : i32 {
      %dma_wait3A_100 = arith.constant 1 : i32
      %dma_wait3A_101 = arith.constant 0 : i32
      %dma_wait3A_102 = arith.constant 0 : i32
      %dma_wait3A_103 = tpu.memref_slice %arg7[%dma_wait3A_101, %dma_wait3A_102] : memref<79x128xi32, #tpu.memory_space<vmem>> -> memref<1x128xi32, #tpu.memory_space<vmem>>
      %dma_wait3A_104 = tpu.memref_squeeze %dma_wait3A_103 : memref<1x128xi32, #tpu.memory_space<vmem>> -> memref<128xi32, #tpu.memory_space<vmem>>
      %dma_wait3A_105 = arith.constant 0 : i32
      %dma_wait3A_106 = tpu.memref_slice %arg3[%dma_wait3A_100, %dma_wait3A_105] : memref<2x320000xi32, #tpu.memory_space<hbm>> -> memref<1x128xi32, #tpu.memory_space<hbm>>
      %dma_wait3A_107 = tpu.memref_squeeze %dma_wait3A_106 : memref<1x128xi32, #tpu.memory_space<hbm>> -> memref<128xi32, #tpu.memory_space<hbm>>
      %dma_wait3A_108 = arith.constant 0 : i32
      %dma_wait3A_109 = tpu.memref_slice %arg7[%dma_wait3A_101, %dma_wait3A_108] : memref<79x128xi32, #tpu.memory_space<vmem>> -> memref<1x128xi32, #tpu.memory_space<vmem>>
      %dma_wait3A_110 = tpu.memref_squeeze %dma_wait3A_109 : memref<1x128xi32, #tpu.memory_space<vmem>> -> memref<128xi32, #tpu.memory_space<vmem>>
      %dma_wait3A_111 = arith.constant 0 : i32
      %dma_wait3A_112 = tpu.memref_slice %arg3[%dma_wait3A_100, %dma_wait3A_111] : memref<2x320000xi32, #tpu.memory_space<hbm>> -> memref<1x128xi32, #tpu.memory_space<hbm>>
      %dma_wait3A_113 = tpu.memref_squeeze %dma_wait3A_112 : memref<1x128xi32, #tpu.memory_space<hbm>> -> memref<128xi32, #tpu.memory_space<hbm>>
      tpu.wait_dma2 semaphore(%arg15 : memref<!tpu.dma_semaphore, #tpu.memory_space<semaphore_mem>>) src(%dma_wait3A_113 : memref<128xi32, #tpu.memory_space<hbm>>) dst(%dma_wait3A_110 : memref<128xi32, #tpu.memory_space<vmem>>)
      %scan3A_114 = arith.constant 0 : i32
      scf.yield %scan3A_114 : i32
    }
    %scan3A_49 = arith.constant 78 : i32
    %lt3A_50 = arith.constant 4 : i32
    %lt3A_51 = arith.cmpi slt, %add3A, %lt3A_50 : i32
    %convert_element_type3A_52 = arith.extui %lt3A_51 : i1 to i32
    %cond3A_53 = arith.constant 0 : i32
    %cond3A_54 = arith.cmpi ne, %convert_element_type3A_52, %cond3A_53 : i32
    scf.if %cond3A_54 {
      %dma_wait3A_98 = arith.constant 0 : i32
      %dma_wait3A_99 = arith.constant 9984 : i32
      %dma_wait3A_100 = tpu.memref_slice %arg6[%dma_wait3A_99] : memref<10112xi32, #tpu.memory_space<vmem>> -> memref<128xi32, #tpu.memory_space<vmem>>
      %dma_wait3A_101 = arith.constant 0 : i32
      %dma_wait3A_102 = tpu.memref_slice %arg3[%dma_wait3A_98, %dma_wait3A_101] : memref<2x320000xi32, #tpu.memory_space<hbm>> -> memref<1x128xi32, #tpu.memory_space<hbm>>
      %dma_wait3A_103 = tpu.memref_squeeze %dma_wait3A_102 : memref<1x128xi32, #tpu.memory_space<hbm>> -> memref<128xi32, #tpu.memory_space<hbm>>
      %dma_wait3A_104 = arith.constant 9984 : i32
      %dma_wait3A_105 = tpu.memref_slice %arg6[%dma_wait3A_104] : memref<10112xi32, #tpu.memory_space<vmem>> -> memref<128xi32, #tpu.memory_space<vmem>>
      %dma_wait3A_106 = arith.constant 0 : i32
      %dma_wait3A_107 = tpu.memref_slice %arg3[%dma_wait3A_98, %dma_wait3A_106] : memref<2x320000xi32, #tpu.memory_space<hbm>> -> memref<1x128xi32, #tpu.memory_space<hbm>>
      %dma_wait3A_108 = tpu.memref_squeeze %dma_wait3A_107 : memref<1x128xi32, #tpu.memory_space<hbm>> -> memref<128xi32, #tpu.memory_space<hbm>>
      tpu.wait_dma2 semaphore(%arg15 : memref<!tpu.dma_semaphore, #tpu.memory_space<semaphore_mem>>) src(%dma_wait3A_108 : memref<128xi32, #tpu.memory_space<hbm>>) dst(%dma_wait3A_105 : memref<128xi32, #tpu.memory_space<vmem>>)
      %dma_wait3A_109 = arith.constant 1 : i32
      %dma_wait3A_110 = arith.constant 0 : i32
      %dma_wait3A_111 = arith.constant 0 : i32
      %dma_wait3A_112 = tpu.memref_slice %arg7[%dma_wait3A_110, %dma_wait3A_111] : memref<79x128xi32, #tpu.memory_space<vmem>> -> memref<1x128xi32, #tpu.memory_space<vmem>>
      %dma_wait3A_113 = tpu.memref_squeeze %dma_wait3A_112 : memref<1x128xi32, #tpu.memory_space<vmem>> -> memref<128xi32, #tpu.memory_space<vmem>>
      %dma_wait3A_114 = arith.constant 0 : i32
      %dma_wait3A_115 = tpu.memref_slice %arg3[%dma_wait3A_109, %dma_wait3A_114] : memref<2x320000xi32, #tpu.memory_space<hbm>> -> memref<1x128xi32, #tpu.memory_space<hbm>>
      %dma_wait3A_116 = tpu.memref_squeeze %dma_wait3A_115 : memref<1x128xi32, #tpu.memory_space<hbm>> -> memref<128xi32, #tpu.memory_space<hbm>>
      %dma_wait3A_117 = arith.constant 0 : i32
      %dma_wait3A_118 = tpu.memref_slice %arg7[%dma_wait3A_110, %dma_wait3A_117] : memref<79x128xi32, #tpu.memory_space<vmem>> -> memref<1x128xi32, #tpu.memory_space<vmem>>
      %dma_wait3A_119 = tpu.memref_squeeze %dma_wait3A_118 : memref<1x128xi32, #tpu.memory_space<vmem>> -> memref<128xi32, #tpu.memory_space<vmem>>
      %dma_wait3A_120 = arith.constant 0 : i32
      %dma_wait3A_121 = tpu.memref_slice %arg3[%dma_wait3A_109, %dma_wait3A_120] : memref<2x320000xi32, #tpu.memory_space<hbm>> -> memref<1x128xi32, #tpu.memory_space<hbm>>
      %dma_wait3A_122 = tpu.memref_squeeze %dma_wait3A_121 : memref<1x128xi32, #tpu.memory_space<hbm>> -> memref<128xi32, #tpu.memory_space<hbm>>
      tpu.wait_dma2 semaphore(%arg15 : memref<!tpu.dma_semaphore, #tpu.memory_space<semaphore_mem>>) src(%dma_wait3A_122 : memref<128xi32, #tpu.memory_space<hbm>>) dst(%dma_wait3A_119 : memref<128xi32, #tpu.memory_space<vmem>>)
    } else {
    }
    %barrier3A = arith.constant 0 : index
    tpu.barrier barrier_id(%barrier3A)
    %dma_start3A_55 = arith.constant 0 : i32
    %dma_start3A_56 = tpu.memref_slice %arg6[%dma_start3A_55] : memref<10112xi32, #tpu.memory_space<vmem>> -> memref<128xi32, #tpu.memory_space<vmem>>
    %dma_start3A_57 = arith.constant 0 : i32
    %dma_start3A_58 = arith.constant 0 : i32
    %dma_start3A_59 = tpu.memref_slice %arg2[%dma_start3A_57, %dma_start3A_58] : memref<10240x32xf32, #tpu.memory_space<hbm>> -> memref<10240x32xf32, #tpu.memory_space<hbm>>
    tpu.enqueue_indirect_dma source(%dma_start3A_59 : memref<10240x32xf32, #tpu.memory_space<hbm>>) target(%arg8 : memref<128x32xf32, #tpu.memory_space<vmem>>) offsets(%dma_start3A_56 : memref<128xi32, #tpu.memory_space<vmem>>) semaphore(%arg18 : memref<!tpu.dma_semaphore, #tpu.memory_space<semaphore_mem>>)
    %dma_start3A_60 = arith.constant 128 : i32
    %dma_start3A_61 = tpu.memref_slice %arg6[%dma_start3A_60] : memref<10112xi32, #tpu.memory_space<vmem>> -> memref<128xi32, #tpu.memory_space<vmem>>
    %dma_start3A_62 = arith.constant 0 : i32
    %dma_start3A_63 = arith.constant 0 : i32
    %dma_start3A_64 = tpu.memref_slice %arg2[%dma_start3A_62, %dma_start3A_63] : memref<10240x32xf32, #tpu.memory_space<hbm>> -> memref<10240x32xf32, #tpu.memory_space<hbm>>
    tpu.enqueue_indirect_dma source(%dma_start3A_64 : memref<10240x32xf32, #tpu.memory_space<hbm>>) target(%arg9 : memref<128x32xf32, #tpu.memory_space<vmem>>) offsets(%dma_start3A_61 : memref<128xi32, #tpu.memory_space<vmem>>) semaphore(%arg19 : memref<!tpu.dma_semaphore, #tpu.memory_space<semaphore_mem>>)
    %dma_start3A_65 = arith.constant 256 : i32
    %dma_start3A_66 = tpu.memref_slice %arg6[%dma_start3A_65] : memref<10112xi32, #tpu.memory_space<vmem>> -> memref<128xi32, #tpu.memory_space<vmem>>
    %dma_start3A_67 = arith.constant 0 : i32
    %dma_start3A_68 = arith.constant 0 : i32
    %dma_start3A_69 = tpu.memref_slice %arg2[%dma_start3A_67, %dma_start3A_68] : memref<10240x32xf32, #tpu.memory_space<hbm>> -> memref<10240x32xf32, #tpu.memory_space<hbm>>
    tpu.enqueue_indirect_dma source(%dma_start3A_69 : memref<10240x32xf32, #tpu.memory_space<hbm>>) target(%arg10 : memref<128x32xf32, #tpu.memory_space<vmem>>) offsets(%dma_start3A_66 : memref<128xi32, #tpu.memory_space<vmem>>) semaphore(%arg20 : memref<!tpu.dma_semaphore, #tpu.memory_space<semaphore_mem>>)
    %dma_start3A_70 = arith.constant 384 : i32
    %dma_start3A_71 = tpu.memref_slice %arg6[%dma_start3A_70] : memref<10112xi32, #tpu.memory_space<vmem>> -> memref<128xi32, #tpu.memory_space<vmem>>
    %dma_start3A_72 = arith.constant 0 : i32
    %dma_start3A_73 = arith.constant 0 : i32
    %dma_start3A_74 = tpu.memref_slice %arg2[%dma_start3A_72, %dma_start3A_73] : memref<10240x32xf32, #tpu.memory_space<hbm>> -> memref<10240x32xf32, #tpu.memory_space<hbm>>
    tpu.enqueue_indirect_dma source(%dma_start3A_74 : memref<10240x32xf32, #tpu.memory_space<hbm>>) target(%arg11 : memref<128x32xf32, #tpu.memory_space<vmem>>) offsets(%dma_start3A_71 : memref<128xi32, #tpu.memory_space<vmem>>) semaphore(%arg21 : memref<!tpu.dma_semaphore, #tpu.memory_space<semaphore_mem>>)
    %dma_start3A_75 = arith.constant 512 : i32
    %dma_start3A_76 = tpu.memref_slice %arg6[%dma_start3A_75] : memref<10112xi32, #tpu.memory_space<vmem>> -> memref<128xi32, #tpu.memory_space<vmem>>
    %dma_start3A_77 = arith.constant 0 : i32
    %dma_start3A_78 = arith.constant 0 : i32
    %dma_start3A_79 = tpu.memref_slice %arg2[%dma_start3A_77, %dma_start3A_78] : memref<10240x32xf32, #tpu.memory_space<hbm>> -> memref<10240x32xf32, #tpu.memory_space<hbm>>
    tpu.enqueue_indirect_dma source(%dma_start3A_79 : memref<10240x32xf32, #tpu.memory_space<hbm>>) target(%arg12 : memref<128x32xf32, #tpu.memory_space<vmem>>) offsets(%dma_start3A_76 : memref<128xi32, #tpu.memory_space<vmem>>) semaphore(%arg22 : memref<!tpu.dma_semaphore, #tpu.memory_space<semaphore_mem>>)
    %dma_start3A_80 = arith.constant 640 : i32
    %dma_start3A_81 = tpu.memref_slice %arg6[%dma_start3A_80] : memref<10112xi32, #tpu.memory_space<vmem>> -> memref<128xi32, #tpu.memory_space<vmem>>
    %dma_start3A_82 = arith.constant 0 : i32
    %dma_start3A_83 = arith.constant 0 : i32
    %dma_start3A_84 = tpu.memref_slice %arg2[%dma_start3A_82, %dma_start3A_83] : memref<10240x32xf32, #tpu.memory_space<hbm>> -> memref<10240x32xf32, #tpu.memory_space<hbm>>
    tpu.enqueue_indirect_dma source(%dma_start3A_84 : memref<10240x32xf32, #tpu.memory_space<hbm>>) target(%arg13 : memref<128x32xf32, #tpu.memory_space<vmem>>) offsets(%dma_start3A_81 : memref<128xi32, #tpu.memory_space<vmem>>) semaphore(%arg23 : memref<!tpu.dma_semaphore, #tpu.memory_space<semaphore_mem>>)
    %scan3A_85 = arith.constant 0 : i32
    %scan3A_86 = arith.constant 0 : i32
    %scan3A_87 = arith.constant 13 : i32
    %scan3A_88 = arith.addi %scan3A_86, %scan3A_87 : i32
    %scan3A_89 = arith.constant 1 : i32
    %scan3A_90 = scf.for %scan3A_98 = %scan3A_86 to %scan3A_88 step %scan3A_89 iter_args(%scan3A_99 = %scan3A_85) -> (i32)  : i32 {
      %mul3A_100 = arith.constant 2 : i32
      %mul3A_101 = arith.muli %scan3A_98, %mul3A_100 : i32
      %mul3A_102 = arith.constant 3 : i32
      %mul3A_103 = arith.muli %mul3A_101, %mul3A_102 : i32
      %dma_wait3A_104 = arith.constant 0 : i32
      %dma_wait3A_105 = tpu.memref_slice %arg6[%dma_wait3A_104] : memref<10112xi32, #tpu.memory_space<vmem>> -> memref<128xi32, #tpu.memory_space<vmem>>
      %dma_wait3A_106 = arith.constant 0 : i32
      %dma_wait3A_107 = arith.constant 0 : i32
      %dma_wait3A_108 = tpu.memref_slice %arg2[%dma_wait3A_106, %dma_wait3A_107] : memref<10240x32xf32, #tpu.memory_space<hbm>> -> memref<10240x32xf32, #tpu.memory_space<hbm>>
      tpu.wait_indirect_dma semaphore(%arg18 : memref<!tpu.dma_semaphore, #tpu.memory_space<semaphore_mem>>) src(%dma_wait3A_108 : memref<10240x32xf32, #tpu.memory_space<hbm>>) dst(%arg8 : memref<128x32xf32, #tpu.memory_space<vmem>>)
      %add3A_109 = arith.constant 0 : i32
      %add3A_110 = arith.addi %mul3A_103, %add3A_109 : i32
      %dma_start3A_111 = arith.constant 0 : i32
      %dma_start3A_112 = tpu.memref_slice %arg7[%add3A_110, %dma_start3A_111] : memref<79x128xi32, #tpu.memory_space<vmem>> -> memref<1x128xi32, #tpu.memory_space<vmem>>
      %dma_start3A_113 = tpu.memref_squeeze %dma_start3A_112 : memref<1x128xi32, #tpu.memory_space<vmem>> -> memref<128xi32, #tpu.memory_space<vmem>>
      %dma_start3A_114 = arith.constant 0 : i32
      %dma_start3A_115 = arith.constant 0 : i32
      %dma_start3A_116 = tpu.memref_slice %arg5[%dma_start3A_114, %dma_start3A_115] : memref<10240x32xf32, #tpu.memory_space<vmem_shared>> -> memref<10240x32xf32, #tpu.memory_space<vmem_shared>>
      tpu.enqueue_indirect_dma source(%arg8 : memref<128x32xf32, #tpu.memory_space<vmem>>) target(%dma_start3A_116 : memref<10240x32xf32, #tpu.memory_space<vmem_shared>>) offsets(%dma_start3A_113 : memref<128xi32, #tpu.memory_space<vmem>>) semaphore(%arg16 : memref<!tpu.dma_semaphore, #tpu.memory_space<semaphore_mem>>) {add = true}
      %dma_wait3A_117 = arith.constant 0 : i32
      %dma_wait3A_118 = tpu.memref_slice %arg6[%dma_wait3A_117] : memref<10112xi32, #tpu.memory_space<vmem>> -> memref<128xi32, #tpu.memory_space<vmem>>
      %dma_wait3A_119 = arith.constant 0 : i32
      %dma_wait3A_120 = arith.constant 0 : i32
      %dma_wait3A_121 = tpu.memref_slice %arg2[%dma_wait3A_119, %dma_wait3A_120] : memref<10240x32xf32, #tpu.memory_space<hbm>> -> memref<10240x32xf32, #tpu.memory_space<hbm>>
      tpu.wait_indirect_dma semaphore(%arg19 : memref<!tpu.dma_semaphore, #tpu.memory_space<semaphore_mem>>) src(%dma_wait3A_121 : memref<10240x32xf32, #tpu.memory_space<hbm>>) dst(%arg9 : memref<128x32xf32, #tpu.memory_space<vmem>>)
      %add3A_122 = arith.constant 1 : i32
      %add3A_123 = arith.addi %mul3A_103, %add3A_122 : i32
      %dma_start3A_124 = arith.constant 0 : i32
      %dma_start3A_125 = tpu.memref_slice %arg7[%add3A_123, %dma_start3A_124] : memref<79x128xi32, #tpu.memory_space<vmem>> -> memref<1x128xi32, #tpu.memory_space<vmem>>
      %dma_start3A_126 = tpu.memref_squeeze %dma_start3A_125 : memref<1x128xi32, #tpu.memory_space<vmem>> -> memref<128xi32, #tpu.memory_space<vmem>>
      %dma_start3A_127 = arith.constant 0 : i32
      %dma_start3A_128 = arith.constant 0 : i32
      %dma_start3A_129 = tpu.memref_slice %arg5[%dma_start3A_127, %dma_start3A_128] : memref<10240x32xf32, #tpu.memory_space<vmem_shared>> -> memref<10240x32xf32, #tpu.memory_space<vmem_shared>>
      tpu.enqueue_indirect_dma source(%arg9 : memref<128x32xf32, #tpu.memory_space<vmem>>) target(%dma_start3A_129 : memref<10240x32xf32, #tpu.memory_space<vmem_shared>>) offsets(%dma_start3A_126 : memref<128xi32, #tpu.memory_space<vmem>>) semaphore(%arg16 : memref<!tpu.dma_semaphore, #tpu.memory_space<semaphore_mem>>) {add = true}
      %dma_wait3A_130 = arith.constant 0 : i32
      %dma_wait3A_131 = tpu.memref_slice %arg6[%dma_wait3A_130] : memref<10112xi32, #tpu.memory_space<vmem>> -> memref<128xi32, #tpu.memory_space<vmem>>
      %dma_wait3A_132 = arith.constant 0 : i32
      %dma_wait3A_133 = arith.constant 0 : i32
      %dma_wait3A_134 = tpu.memref_slice %arg2[%dma_wait3A_132, %dma_wait3A_133] : memref<10240x32xf32, #tpu.memory_space<hbm>> -> memref<10240x32xf32, #tpu.memory_space<hbm>>
      tpu.wait_indirect_dma semaphore(%arg20 : memref<!tpu.dma_semaphore, #tpu.memory_space<semaphore_mem>>) src(%dma_wait3A_134 : memref<10240x32xf32, #tpu.memory_space<hbm>>) dst(%arg10 : memref<128x32xf32, #tpu.memory_space<vmem>>)
      %add3A_135 = arith.constant 2 : i32
      %add3A_136 = arith.addi %mul3A_103, %add3A_135 : i32
      %dma_start3A_137 = arith.constant 0 : i32
      %dma_start3A_138 = tpu.memref_slice %arg7[%add3A_136, %dma_start3A_137] : memref<79x128xi32, #tpu.memory_space<vmem>> -> memref<1x128xi32, #tpu.memory_space<vmem>>
      %dma_start3A_139 = tpu.memref_squeeze %dma_start3A_138 : memref<1x128xi32, #tpu.memory_space<vmem>> -> memref<128xi32, #tpu.memory_space<vmem>>
      %dma_start3A_140 = arith.constant 0 : i32
      %dma_start3A_141 = arith.constant 0 : i32
      %dma_start3A_142 = tpu.memref_slice %arg5[%dma_start3A_140, %dma_start3A_141] : memref<10240x32xf32, #tpu.memory_space<vmem_shared>> -> memref<10240x32xf32, #tpu.memory_space<vmem_shared>>
      tpu.enqueue_indirect_dma source(%arg10 : memref<128x32xf32, #tpu.memory_space<vmem>>) target(%dma_start3A_142 : memref<10240x32xf32, #tpu.memory_space<vmem_shared>>) offsets(%dma_start3A_139 : memref<128xi32, #tpu.memory_space<vmem>>) semaphore(%arg16 : memref<!tpu.dma_semaphore, #tpu.memory_space<semaphore_mem>>) {add = true}
      %dma_wait3A_143 = arith.constant 0 : i32
      %dma_wait3A_144 = arith.constant 0 : i32
      %dma_wait3A_145 = tpu.memref_slice %arg7[%dma_wait3A_143, %dma_wait3A_144] : memref<79x128xi32, #tpu.memory_space<vmem>> -> memref<1x128xi32, #tpu.memory_space<vmem>>
      %dma_wait3A_146 = tpu.memref_squeeze %dma_wait3A_145 : memref<1x128xi32, #tpu.memory_space<vmem>> -> memref<128xi32, #tpu.memory_space<vmem>>
      %dma_wait3A_147 = arith.constant 0 : i32
      %dma_wait3A_148 = arith.constant 0 : i32
      %dma_wait3A_149 = tpu.memref_slice %arg5[%dma_wait3A_147, %dma_wait3A_148] : memref<10240x32xf32, #tpu.memory_space<vmem_shared>> -> memref<10240x32xf32, #tpu.memory_space<vmem_shared>>
      tpu.wait_indirect_dma semaphore(%arg16 : memref<!tpu.dma_semaphore, #tpu.memory_space<semaphore_mem>>) src(%arg8 : memref<128x32xf32, #tpu.memory_space<vmem>>) dst(%dma_wait3A_149 : memref<10240x32xf32, #tpu.memory_space<vmem_shared>>)
      %dma_wait3A_150 = arith.constant 0 : i32
      %dma_wait3A_151 = arith.constant 0 : i32
      %dma_wait3A_152 = tpu.memref_slice %arg7[%dma_wait3A_150, %dma_wait3A_151] : memref<79x128xi32, #tpu.memory_space<vmem>> -> memref<1x128xi32, #tpu.memory_space<vmem>>
      %dma_wait3A_153 = tpu.memref_squeeze %dma_wait3A_152 : memref<1x128xi32, #tpu.memory_space<vmem>> -> memref<128xi32, #tpu.memory_space<vmem>>
      %dma_wait3A_154 = arith.constant 0 : i32
      %dma_wait3A_155 = arith.constant 0 : i32
      %dma_wait3A_156 = tpu.memref_slice %arg5[%dma_wait3A_154, %dma_wait3A_155] : memref<10240x32xf32, #tpu.memory_space<vmem_shared>> -> memref<10240x32xf32, #tpu.memory_space<vmem_shared>>
      tpu.wait_indirect_dma semaphore(%arg16 : memref<!tpu.dma_semaphore, #tpu.memory_space<semaphore_mem>>) src(%arg9 : memref<128x32xf32, #tpu.memory_space<vmem>>) dst(%dma_wait3A_156 : memref<10240x32xf32, #tpu.memory_space<vmem_shared>>)
      %dma_wait3A_157 = arith.constant 0 : i32
      %dma_wait3A_158 = arith.constant 0 : i32
      %dma_wait3A_159 = tpu.memref_slice %arg7[%dma_wait3A_157, %dma_wait3A_158] : memref<79x128xi32, #tpu.memory_space<vmem>> -> memref<1x128xi32, #tpu.memory_space<vmem>>
      %dma_wait3A_160 = tpu.memref_squeeze %dma_wait3A_159 : memref<1x128xi32, #tpu.memory_space<vmem>> -> memref<128xi32, #tpu.memory_space<vmem>>
      %dma_wait3A_161 = arith.constant 0 : i32
      %dma_wait3A_162 = arith.constant 0 : i32
      %dma_wait3A_163 = tpu.memref_slice %arg5[%dma_wait3A_161, %dma_wait3A_162] : memref<10240x32xf32, #tpu.memory_space<vmem_shared>> -> memref<10240x32xf32, #tpu.memory_space<vmem_shared>>
      tpu.wait_indirect_dma semaphore(%arg16 : memref<!tpu.dma_semaphore, #tpu.memory_space<semaphore_mem>>) src(%arg10 : memref<128x32xf32, #tpu.memory_space<vmem>>) dst(%dma_wait3A_163 : memref<10240x32xf32, #tpu.memory_space<vmem_shared>>)
      %lt3A_164 = arith.constant 12 : i32
      %lt3A_165 = arith.cmpi slt, %scan3A_98, %lt3A_164 : i32
      %convert_element_type3A_166 = arith.extui %lt3A_165 : i1 to i32
      %cond3A_167 = arith.constant 0 : i32
      %cond3A_168 = arith.cmpi ne, %convert_element_type3A_166, %cond3A_167 : i32
      scf.if %cond3A_168 {
        %add3A_241 = arith.constant 6 : i32
        %add3A_242 = arith.addi %mul3A_103, %add3A_241 : i32
        %add3A_243 = arith.constant 0 : i32
        %add3A_244 = arith.addi %add3A_242, %add3A_243 : i32
        %mul3A_245 = arith.constant 128 : i32
        %mul3A_246 = arith.muli %add3A_244, %mul3A_245 : i32
        %dma_start3A_247 = tpu.memref_slice %arg6[%mul3A_246] : memref<10112xi32, #tpu.memory_space<vmem>> -> memref<128xi32, #tpu.memory_space<vmem>>
        %dma_start3A_248 = arith.constant 0 : i32
        %dma_start3A_249 = arith.constant 0 : i32
        %dma_start3A_250 = tpu.memref_slice %arg2[%dma_start3A_248, %dma_start3A_249] : memref<10240x32xf32, #tpu.memory_space<hbm>> -> memref<10240x32xf32, #tpu.memory_space<hbm>>
        tpu.enqueue_indirect_dma source(%dma_start3A_250 : memref<10240x32xf32, #tpu.memory_space<hbm>>) target(%arg8 : memref<128x32xf32, #tpu.memory_space<vmem>>) offsets(%dma_start3A_247 : memref<128xi32, #tpu.memory_space<vmem>>) semaphore(%arg18 : memref<!tpu.dma_semaphore, #tpu.memory_space<semaphore_mem>>)
        %add3A_251 = arith.constant 6 : i32
        %add3A_252 = arith.addi %mul3A_103, %add3A_251 : i32
        %add3A_253 = arith.constant 1 : i32
        %add3A_254 = arith.addi %add3A_252, %add3A_253 : i32
        %mul3A_255 = arith.constant 128 : i32
        %mul3A_256 = arith.muli %add3A_254, %mul3A_255 : i32
        %dma_start3A_257 = tpu.memref_slice %arg6[%mul3A_256] : memref<10112xi32, #tpu.memory_space<vmem>> -> memref<128xi32, #tpu.memory_space<vmem>>
        %dma_start3A_258 = arith.constant 0 : i32
        %dma_start3A_259 = arith.constant 0 : i32
        %dma_start3A_260 = tpu.memref_slice %arg2[%dma_start3A_258, %dma_start3A_259] : memref<10240x32xf32, #tpu.memory_space<hbm>> -> memref<10240x32xf32, #tpu.memory_space<hbm>>
        tpu.enqueue_indirect_dma source(%dma_start3A_260 : memref<10240x32xf32, #tpu.memory_space<hbm>>) target(%arg9 : memref<128x32xf32, #tpu.memory_space<vmem>>) offsets(%dma_start3A_257 : memref<128xi32, #tpu.memory_space<vmem>>) semaphore(%arg19 : memref<!tpu.dma_semaphore, #tpu.memory_space<semaphore_mem>>)
        %add3A_261 = arith.constant 6 : i32
        %add3A_262 = arith.addi %mul3A_103, %add3A_261 : i32
        %add3A_263 = arith.constant 2 : i32
        %add3A_264 = arith.addi %add3A_262, %add3A_263 : i32
        %mul3A_265 = arith.constant 128 : i32
        %mul3A_266 = arith.muli %add3A_264, %mul3A_265 : i32
        %dma_start3A_267 = tpu.memref_slice %arg6[%mul3A_266] : memref<10112xi32, #tpu.memory_space<vmem>> -> memref<128xi32, #tpu.memory_space<vmem>>
        %dma_start3A_268 = arith.constant 0 : i32
        %dma_start3A_269 = arith.constant 0 : i32
        %dma_start3A_270 = tpu.memref_slice %arg2[%dma_start3A_268, %dma_start3A_269] : memref<10240x32xf32, #tpu.memory_space<hbm>> -> memref<10240x32xf32, #tpu.memory_space<hbm>>
        tpu.enqueue_indirect_dma source(%dma_start3A_270 : memref<10240x32xf32, #tpu.memory_space<hbm>>) target(%arg10 : memref<128x32xf32, #tpu.memory_space<vmem>>) offsets(%dma_start3A_267 : memref<128xi32, #tpu.memory_space<vmem>>) semaphore(%arg20 : memref<!tpu.dma_semaphore, #tpu.memory_space<semaphore_mem>>)
      } else {
      }
      %dma_wait3A_169 = arith.constant 0 : i32
      %dma_wait3A_170 = tpu.memref_slice %arg6[%dma_wait3A_169] : memref<10112xi32, #tpu.memory_space<vmem>> -> memref<128xi32, #tpu.memory_space<vmem>>
      %dma_wait3A_171 = arith.constant 0 : i32
      %dma_wait3A_172 = arith.constant 0 : i32
      %dma_wait3A_173 = tpu.memref_slice %arg2[%dma_wait3A_171, %dma_wait3A_172] : memref<10240x32xf32, #tpu.memory_space<hbm>> -> memref<10240x32xf32, #tpu.memory_space<hbm>>
      tpu.wait_indirect_dma semaphore(%arg21 : memref<!tpu.dma_semaphore, #tpu.memory_space<semaphore_mem>>) src(%dma_wait3A_173 : memref<10240x32xf32, #tpu.memory_space<hbm>>) dst(%arg11 : memref<128x32xf32, #tpu.memory_space<vmem>>)
      %add3A_174 = arith.constant 3 : i32
      %add3A_175 = arith.addi %mul3A_103, %add3A_174 : i32
      %add3A_176 = arith.constant 0 : i32
      %add3A_177 = arith.addi %add3A_175, %add3A_176 : i32
      %dma_start3A_178 = arith.constant 0 : i32
      %dma_start3A_179 = tpu.memref_slice %arg7[%add3A_177, %dma_start3A_178] : memref<79x128xi32, #tpu.memory_space<vmem>> -> memref<1x128xi32, #tpu.memory_space<vmem>>
      %dma_start3A_180 = tpu.memref_squeeze %dma_start3A_179 : memref<1x128xi32, #tpu.memory_space<vmem>> -> memref<128xi32, #tpu.memory_space<vmem>>
      %dma_start3A_181 = arith.constant 0 : i32
      %dma_start3A_182 = arith.constant 0 : i32
      %dma_start3A_183 = tpu.memref_slice %arg5[%dma_start3A_181, %dma_start3A_182] : memref<10240x32xf32, #tpu.memory_space<vmem_shared>> -> memref<10240x32xf32, #tpu.memory_space<vmem_shared>>
      tpu.enqueue_indirect_dma source(%arg11 : memref<128x32xf32, #tpu.memory_space<vmem>>) target(%dma_start3A_183 : memref<10240x32xf32, #tpu.memory_space<vmem_shared>>) offsets(%dma_start3A_180 : memref<128xi32, #tpu.memory_space<vmem>>) semaphore(%arg17 : memref<!tpu.dma_semaphore, #tpu.memory_space<semaphore_mem>>) {add = true}
      %dma_wait3A_184 = arith.constant 0 : i32
      %dma_wait3A_185 = tpu.memref_slice %arg6[%dma_wait3A_184] : memref<10112xi32, #tpu.memory_space<vmem>> -> memref<128xi32, #tpu.memory_space<vmem>>
      %dma_wait3A_186 = arith.constant 0 : i32
      %dma_wait3A_187 = arith.constant 0 : i32
      %dma_wait3A_188 = tpu.memref_slice %arg2[%dma_wait3A_186, %dma_wait3A_187] : memref<10240x32xf32, #tpu.memory_space<hbm>> -> memref<10240x32xf32, #tpu.memory_space<hbm>>
      tpu.wait_indirect_dma semaphore(%arg22 : memref<!tpu.dma_semaphore, #tpu.memory_space<semaphore_mem>>) src(%dma_wait3A_188 : memref<10240x32xf32, #tpu.memory_space<hbm>>) dst(%arg12 : memref<128x32xf32, #tpu.memory_space<vmem>>)
      %add3A_189 = arith.constant 3 : i32
      %add3A_190 = arith.addi %mul3A_103, %add3A_189 : i32
      %add3A_191 = arith.constant 1 : i32
      %add3A_192 = arith.addi %add3A_190, %add3A_191 : i32
      %dma_start3A_193 = arith.constant 0 : i32
      %dma_start3A_194 = tpu.memref_slice %arg7[%add3A_192, %dma_start3A_193] : memref<79x128xi32, #tpu.memory_space<vmem>> -> memref<1x128xi32, #tpu.memory_space<vmem>>
      %dma_start3A_195 = tpu.memref_squeeze %dma_start3A_194 : memref<1x128xi32, #tpu.memory_space<vmem>> -> memref<128xi32, #tpu.memory_space<vmem>>
      %dma_start3A_196 = arith.constant 0 : i32
      %dma_start3A_197 = arith.constant 0 : i32
      %dma_start3A_198 = tpu.memref_slice %arg5[%dma_start3A_196, %dma_start3A_197] : memref<10240x32xf32, #tpu.memory_space<vmem_shared>> -> memref<10240x32xf32, #tpu.memory_space<vmem_shared>>
      tpu.enqueue_indirect_dma source(%arg12 : memref<128x32xf32, #tpu.memory_space<vmem>>) target(%dma_start3A_198 : memref<10240x32xf32, #tpu.memory_space<vmem_shared>>) offsets(%dma_start3A_195 : memref<128xi32, #tpu.memory_space<vmem>>) semaphore(%arg17 : memref<!tpu.dma_semaphore, #tpu.memory_space<semaphore_mem>>) {add = true}
      %dma_wait3A_199 = arith.constant 0 : i32
      %dma_wait3A_200 = tpu.memref_slice %arg6[%dma_wait3A_199] : memref<10112xi32, #tpu.memory_space<vmem>> -> memref<128xi32, #tpu.memory_space<vmem>>
      %dma_wait3A_201 = arith.constant 0 : i32
      %dma_wait3A_202 = arith.constant 0 : i32
      %dma_wait3A_203 = tpu.memref_slice %arg2[%dma_wait3A_201, %dma_wait3A_202] : memref<10240x32xf32, #tpu.memory_space<hbm>> -> memref<10240x32xf32, #tpu.memory_space<hbm>>
      tpu.wait_indirect_dma semaphore(%arg23 : memref<!tpu.dma_semaphore, #tpu.memory_space<semaphore_mem>>) src(%dma_wait3A_203 : memref<10240x32xf32, #tpu.memory_space<hbm>>) dst(%arg13 : memref<128x32xf32, #tpu.memory_space<vmem>>)
      %add3A_204 = arith.constant 3 : i32
      %add3A_205 = arith.addi %mul3A_103, %add3A_204 : i32
      %add3A_206 = arith.constant 2 : i32
      %add3A_207 = arith.addi %add3A_205, %add3A_206 : i32
      %dma_start3A_208 = arith.constant 0 : i32
      %dma_start3A_209 = tpu.memref_slice %arg7[%add3A_207, %dma_start3A_208] : memref<79x128xi32, #tpu.memory_space<vmem>> -> memref<1x128xi32, #tpu.memory_space<vmem>>
      %dma_start3A_210 = tpu.memref_squeeze %dma_start3A_209 : memref<1x128xi32, #tpu.memory_space<vmem>> -> memref<128xi32, #tpu.memory_space<vmem>>
      %dma_start3A_211 = arith.constant 0 : i32
      %dma_start3A_212 = arith.constant 0 : i32
      %dma_start3A_213 = tpu.memref_slice %arg5[%dma_start3A_211, %dma_start3A_212] : memref<10240x32xf32, #tpu.memory_space<vmem_shared>> -> memref<10240x32xf32, #tpu.memory_space<vmem_shared>>
      tpu.enqueue_indirect_dma source(%arg13 : memref<128x32xf32, #tpu.memory_space<vmem>>) target(%dma_start3A_213 : memref<10240x32xf32, #tpu.memory_space<vmem_shared>>) offsets(%dma_start3A_210 : memref<128xi32, #tpu.memory_space<vmem>>) semaphore(%arg17 : memref<!tpu.dma_semaphore, #tpu.memory_space<semaphore_mem>>) {add = true}
      %dma_wait3A_214 = arith.constant 0 : i32
      %dma_wait3A_215 = arith.constant 0 : i32
      %dma_wait3A_216 = tpu.memref_slice %arg7[%dma_wait3A_214, %dma_wait3A_215] : memref<79x128xi32, #tpu.memory_space<vmem>> -> memref<1x128xi32, #tpu.memory_space<vmem>>
      %dma_wait3A_217 = tpu.memref_squeeze %dma_wait3A_216 : memref<1x128xi32, #tpu.memory_space<vmem>> -> memref<128xi32, #tpu.memory_space<vmem>>
      %dma_wait3A_218 = arith.constant 0 : i32
      %dma_wait3A_219 = arith.constant 0 : i32
      %dma_wait3A_220 = tpu.memref_slice %arg5[%dma_wait3A_218, %dma_wait3A_219] : memref<10240x32xf32, #tpu.memory_space<vmem_shared>> -> memref<10240x32xf32, #tpu.memory_space<vmem_shared>>
      tpu.wait_indirect_dma semaphore(%arg17 : memref<!tpu.dma_semaphore, #tpu.memory_space<semaphore_mem>>) src(%arg11 : memref<128x32xf32, #tpu.memory_space<vmem>>) dst(%dma_wait3A_220 : memref<10240x32xf32, #tpu.memory_space<vmem_shared>>)
      %dma_wait3A_221 = arith.constant 0 : i32
      %dma_wait3A_222 = arith.constant 0 : i32
      %dma_wait3A_223 = tpu.memref_slice %arg7[%dma_wait3A_221, %dma_wait3A_222] : memref<79x128xi32, #tpu.memory_space<vmem>> -> memref<1x128xi32, #tpu.memory_space<vmem>>
      %dma_wait3A_224 = tpu.memref_squeeze %dma_wait3A_223 : memref<1x128xi32, #tpu.memory_space<vmem>> -> memref<128xi32, #tpu.memory_space<vmem>>
      %dma_wait3A_225 = arith.constant 0 : i32
      %dma_wait3A_226 = arith.constant 0 : i32
      %dma_wait3A_227 = tpu.memref_slice %arg5[%dma_wait3A_225, %dma_wait3A_226] : memref<10240x32xf32, #tpu.memory_space<vmem_shared>> -> memref<10240x32xf32, #tpu.memory_space<vmem_shared>>
      tpu.wait_indirect_dma semaphore(%arg17 : memref<!tpu.dma_semaphore, #tpu.memory_space<semaphore_mem>>) src(%arg12 : memref<128x32xf32, #tpu.memory_space<vmem>>) dst(%dma_wait3A_227 : memref<10240x32xf32, #tpu.memory_space<vmem_shared>>)
      %dma_wait3A_228 = arith.constant 0 : i32
      %dma_wait3A_229 = arith.constant 0 : i32
      %dma_wait3A_230 = tpu.memref_slice %arg7[%dma_wait3A_228, %dma_wait3A_229] : memref<79x128xi32, #tpu.memory_space<vmem>> -> memref<1x128xi32, #tpu.memory_space<vmem>>
      %dma_wait3A_231 = tpu.memref_squeeze %dma_wait3A_230 : memref<1x128xi32, #tpu.memory_space<vmem>> -> memref<128xi32, #tpu.memory_space<vmem>>
      %dma_wait3A_232 = arith.constant 0 : i32
      %dma_wait3A_233 = arith.constant 0 : i32
      %dma_wait3A_234 = tpu.memref_slice %arg5[%dma_wait3A_232, %dma_wait3A_233] : memref<10240x32xf32, #tpu.memory_space<vmem_shared>> -> memref<10240x32xf32, #tpu.memory_space<vmem_shared>>
      tpu.wait_indirect_dma semaphore(%arg17 : memref<!tpu.dma_semaphore, #tpu.memory_space<semaphore_mem>>) src(%arg13 : memref<128x32xf32, #tpu.memory_space<vmem>>) dst(%dma_wait3A_234 : memref<10240x32xf32, #tpu.memory_space<vmem_shared>>)
      %lt3A_235 = arith.constant 12 : i32
      %lt3A_236 = arith.cmpi slt, %scan3A_98, %lt3A_235 : i32
      %convert_element_type3A_237 = arith.extui %lt3A_236 : i1 to i32
      %cond3A_238 = arith.constant 0 : i32
      %cond3A_239 = arith.cmpi ne, %convert_element_type3A_237, %cond3A_238 : i32
      scf.if %cond3A_239 {
        %add3A_241 = arith.constant 9 : i32
        %add3A_242 = arith.addi %mul3A_103, %add3A_241 : i32
        %add3A_243 = arith.constant 0 : i32
        %add3A_244 = arith.addi %add3A_242, %add3A_243 : i32
        %mul3A_245 = arith.constant 128 : i32
        %mul3A_246 = arith.muli %add3A_244, %mul3A_245 : i32
        %dma_start3A_247 = tpu.memref_slice %arg6[%mul3A_246] : memref<10112xi32, #tpu.memory_space<vmem>> -> memref<128xi32, #tpu.memory_space<vmem>>
        %dma_start3A_248 = arith.constant 0 : i32
        %dma_start3A_249 = arith.constant 0 : i32
        %dma_start3A_250 = tpu.memref_slice %arg2[%dma_start3A_248, %dma_start3A_249] : memref<10240x32xf32, #tpu.memory_space<hbm>> -> memref<10240x32xf32, #tpu.memory_space<hbm>>
        tpu.enqueue_indirect_dma source(%dma_start3A_250 : memref<10240x32xf32, #tpu.memory_space<hbm>>) target(%arg11 : memref<128x32xf32, #tpu.memory_space<vmem>>) offsets(%dma_start3A_247 : memref<128xi32, #tpu.memory_space<vmem>>) semaphore(%arg21 : memref<!tpu.dma_semaphore, #tpu.memory_space<semaphore_mem>>)
        %add3A_251 = arith.constant 9 : i32
        %add3A_252 = arith.addi %mul3A_103, %add3A_251 : i32
        %add3A_253 = arith.constant 1 : i32
        %add3A_254 = arith.addi %add3A_252, %add3A_253 : i32
        %mul3A_255 = arith.constant 128 : i32
        %mul3A_256 = arith.muli %add3A_254, %mul3A_255 : i32
        %dma_start3A_257 = tpu.memref_slice %arg6[%mul3A_256] : memref<10112xi32, #tpu.memory_space<vmem>> -> memref<128xi32, #tpu.memory_space<vmem>>
        %dma_start3A_258 = arith.constant 0 : i32
        %dma_start3A_259 = arith.constant 0 : i32
        %dma_start3A_260 = tpu.memref_slice %arg2[%dma_start3A_258, %dma_start3A_259] : memref<10240x32xf32, #tpu.memory_space<hbm>> -> memref<10240x32xf32, #tpu.memory_space<hbm>>
        tpu.enqueue_indirect_dma source(%dma_start3A_260 : memref<10240x32xf32, #tpu.memory_space<hbm>>) target(%arg12 : memref<128x32xf32, #tpu.memory_space<vmem>>) offsets(%dma_start3A_257 : memref<128xi32, #tpu.memory_space<vmem>>) semaphore(%arg22 : memref<!tpu.dma_semaphore, #tpu.memory_space<semaphore_mem>>)
        %add3A_261 = arith.constant 9 : i32
        %add3A_262 = arith.addi %mul3A_103, %add3A_261 : i32
        %add3A_263 = arith.constant 2 : i32
        %add3A_264 = arith.addi %add3A_262, %add3A_263 : i32
        %mul3A_265 = arith.constant 128 : i32
        %mul3A_266 = arith.muli %add3A_264, %mul3A_265 : i32
        %dma_start3A_267 = tpu.memref_slice %arg6[%mul3A_266] : memref<10112xi32, #tpu.memory_space<vmem>> -> memref<128xi32, #tpu.memory_space<vmem>>
        %dma_start3A_268 = arith.constant 0 : i32
        %dma_start3A_269 = arith.constant 0 : i32
        %dma_start3A_270 = tpu.memref_slice %arg2[%dma_start3A_268, %dma_start3A_269] : memref<10240x32xf32, #tpu.memory_space<hbm>> -> memref<10240x32xf32, #tpu.memory_space<hbm>>
        tpu.enqueue_indirect_dma source(%dma_start3A_270 : memref<10240x32xf32, #tpu.memory_space<hbm>>) target(%arg13 : memref<128x32xf32, #tpu.memory_space<vmem>>) offsets(%dma_start3A_267 : memref<128xi32, #tpu.memory_space<vmem>>) semaphore(%arg23 : memref<!tpu.dma_semaphore, #tpu.memory_space<semaphore_mem>>)
      } else {
      }
      %scan3A_240 = arith.constant 0 : i32
      scf.yield %scan3A_240 : i32
    }
    %scan3A_91 = arith.constant 13 : i32
    %lt3A_92 = arith.constant 4 : i32
    %lt3A_93 = arith.cmpi slt, %add3A, %lt3A_92 : i32
    %convert_element_type3A_94 = arith.extui %lt3A_93 : i1 to i32
    %cond3A_95 = arith.constant 0 : i32
    %cond3A_96 = arith.cmpi ne, %convert_element_type3A_94, %cond3A_95 : i32
    scf.if %cond3A_96 {
      %dma_start3A_98 = arith.constant 9984 : i32
      %dma_start3A_99 = tpu.memref_slice %arg6[%dma_start3A_98] : memref<10112xi32, #tpu.memory_space<vmem>> -> memref<128xi32, #tpu.memory_space<vmem>>
      %dma_start3A_100 = arith.constant 0 : i32
      %dma_start3A_101 = arith.constant 0 : i32
      %dma_start3A_102 = tpu.memref_slice %arg2[%dma_start3A_100, %dma_start3A_101] : memref<10240x32xf32, #tpu.memory_space<hbm>> -> memref<10240x32xf32, #tpu.memory_space<hbm>>
      tpu.enqueue_indirect_dma source(%dma_start3A_102 : memref<10240x32xf32, #tpu.memory_space<hbm>>) target(%arg8 : memref<128x32xf32, #tpu.memory_space<vmem>>) offsets(%dma_start3A_99 : memref<128xi32, #tpu.memory_space<vmem>>) semaphore(%arg18 : memref<!tpu.dma_semaphore, #tpu.memory_space<semaphore_mem>>)
      %dma_wait3A_103 = arith.constant 0 : i32
      %dma_wait3A_104 = tpu.memref_slice %arg6[%dma_wait3A_103] : memref<10112xi32, #tpu.memory_space<vmem>> -> memref<128xi32, #tpu.memory_space<vmem>>
      %dma_wait3A_105 = arith.constant 0 : i32
      %dma_wait3A_106 = arith.constant 0 : i32
      %dma_wait3A_107 = tpu.memref_slice %arg2[%dma_wait3A_105, %dma_wait3A_106] : memref<10240x32xf32, #tpu.memory_space<hbm>> -> memref<10240x32xf32, #tpu.memory_space<hbm>>
      tpu.wait_indirect_dma semaphore(%arg18 : memref<!tpu.dma_semaphore, #tpu.memory_space<semaphore_mem>>) src(%dma_wait3A_107 : memref<10240x32xf32, #tpu.memory_space<hbm>>) dst(%arg8 : memref<128x32xf32, #tpu.memory_space<vmem>>)
      %dma_start3A_108 = arith.constant 78 : i32
      %dma_start3A_109 = arith.constant 0 : i32
      %dma_start3A_110 = tpu.memref_slice %arg7[%dma_start3A_108, %dma_start3A_109] : memref<79x128xi32, #tpu.memory_space<vmem>> -> memref<1x128xi32, #tpu.memory_space<vmem>>
      %dma_start3A_111 = tpu.memref_squeeze %dma_start3A_110 : memref<1x128xi32, #tpu.memory_space<vmem>> -> memref<128xi32, #tpu.memory_space<vmem>>
      %dma_start3A_112 = arith.constant 0 : i32
      %dma_start3A_113 = arith.constant 0 : i32
      %dma_start3A_114 = tpu.memref_slice %arg5[%dma_start3A_112, %dma_start3A_113] : memref<10240x32xf32, #tpu.memory_space<vmem_shared>> -> memref<10240x32xf32, #tpu.memory_space<vmem_shared>>
      tpu.enqueue_indirect_dma source(%arg8 : memref<128x32xf32, #tpu.memory_space<vmem>>) target(%dma_start3A_114 : memref<10240x32xf32, #tpu.memory_space<vmem_shared>>) offsets(%dma_start3A_111 : memref<128xi32, #tpu.memory_space<vmem>>) semaphore(%arg16 : memref<!tpu.dma_semaphore, #tpu.memory_space<semaphore_mem>>) {add = true}
      %dma_wait3A_115 = arith.constant 0 : i32
      %dma_wait3A_116 = arith.constant 0 : i32
      %dma_wait3A_117 = tpu.memref_slice %arg7[%dma_wait3A_115, %dma_wait3A_116] : memref<79x128xi32, #tpu.memory_space<vmem>> -> memref<1x128xi32, #tpu.memory_space<vmem>>
      %dma_wait3A_118 = tpu.memref_squeeze %dma_wait3A_117 : memref<1x128xi32, #tpu.memory_space<vmem>> -> memref<128xi32, #tpu.memory_space<vmem>>
      %dma_wait3A_119 = arith.constant 0 : i32
      %dma_wait3A_120 = arith.constant 0 : i32
      %dma_wait3A_121 = tpu.memref_slice %arg5[%dma_wait3A_119, %dma_wait3A_120] : memref<10240x32xf32, #tpu.memory_space<vmem_shared>> -> memref<10240x32xf32, #tpu.memory_space<vmem_shared>>
      tpu.wait_indirect_dma semaphore(%arg16 : memref<!tpu.dma_semaphore, #tpu.memory_space<semaphore_mem>>) src(%arg8 : memref<128x32xf32, #tpu.memory_space<vmem>>) dst(%dma_wait3A_121 : memref<10240x32xf32, #tpu.memory_space<vmem_shared>>)
    } else {
    }
    %barrier3A_97 = arith.constant 0 : index
    tpu.barrier barrier_id(%barrier3A_97)
    "tpu.region"() ({
      %run_scoped3A = tpu.sem_alloc : memref<!tpu.dma_semaphore, #tpu.memory_space<semaphore_mem>>
      %dma_start3A_98 = arith.constant 0 : i32
      %dma_start3A_99 = tpu.memref_slice %arg4[%arg0, %mul3A_2, %dma_start3A_98] : memref<2x10240x32xf32, #tpu.memory_space<hbm>> -> memref<1x640x32xf32, #tpu.memory_space<hbm>>
      %dma_start3A_100 = tpu.memref_squeeze %dma_start3A_99 : memref<1x640x32xf32, #tpu.memory_space<hbm>> -> memref<640x32xf32, #tpu.memory_space<hbm>>
      %dma_start3A_101 = arith.constant 0 : i32
      %dma_start3A_102 = tpu.memref_slice %arg5[%mul3A_2, %dma_start3A_101] : memref<10240x32xf32, #tpu.memory_space<vmem_shared>> -> memref<640x32xf32, #tpu.memory_space<vmem_shared>>
      tpu.enqueue_dma source(%dma_start3A_102 : memref<640x32xf32, #tpu.memory_space<vmem_shared>>) target(%dma_start3A_100 : memref<640x32xf32, #tpu.memory_space<hbm>>) target_semaphore(%run_scoped3A : memref<!tpu.dma_semaphore, #tpu.memory_space<semaphore_mem>>)
      %dma_wait3A_103 = arith.constant 0 : i32
      %dma_wait3A_104 = tpu.memref_slice %arg4[%arg0, %mul3A_2, %dma_wait3A_103] : memref<2x10240x32xf32, #tpu.memory_space<hbm>> -> memref<1x640x32xf32, #tpu.memory_space<hbm>>
      %dma_wait3A_105 = tpu.memref_squeeze %dma_wait3A_104 : memref<1x640x32xf32, #tpu.memory_space<hbm>> -> memref<640x32xf32, #tpu.memory_space<hbm>>
      %dma_wait3A_106 = arith.constant 0 : i32
      %dma_wait3A_107 = tpu.memref_slice %arg5[%mul3A_2, %dma_wait3A_106] : memref<10240x32xf32, #tpu.memory_space<vmem_shared>> -> memref<640x32xf32, #tpu.memory_space<vmem_shared>>
      tpu.wait_dma2 semaphore(%run_scoped3A : memref<!tpu.dma_semaphore, #tpu.memory_space<semaphore_mem>>) src(%dma_wait3A_107 : memref<640x32xf32, #tpu.memory_space<vmem_shared>>) dst(%dma_wait3A_105 : memref<640x32xf32, #tpu.memory_space<hbm>>)
      tpu.yield
    }) : () -> ()
    return
  }
}

module attributes {stable_mosaic.version = 14 : i64} {
  func.func @_lin_body(%arg0: i32, %arg1: memref<2048x128xf32, #tpu.memory_space<vmem>>, %arg2: memref<128x32xf32, #tpu.memory_space<vmem>>, %arg3: memref<128x32xf32, #tpu.memory_space<vmem>>, %arg4: memref<1x128xf32, #tpu.memory_space<vmem>>, %arg5: memref<65536xf32, #tpu.memory_space<vmem>>, %arg6: memref<512x128xf32, #tpu.memory_space<vmem>>) attributes {dimension_semantics = [#tpu.dimension_semantics<arbitrary>], iteration_bounds = array<i64: 5>, scalar_prefetch = 0 : i64, scratch_operands = 0 : i64, tpu.core_type = #tpu.core_type<tc>, window_params = [{transform_indices = @transform_0, window_bounds = array<i64: 2048, 128>}, {pipeline_mode = #tpu.pipeline_mode<synchronous>, transform_indices = @transform_1, window_bounds = array<i64: 128, 32>}, {pipeline_mode = #tpu.pipeline_mode<synchronous>, transform_indices = @transform_2, window_bounds = array<i64: 128, 32>}, {pipeline_mode = #tpu.pipeline_mode<synchronous>, transform_indices = @transform_3, window_bounds = array<i64: 1, 128>}, {transform_indices = @transform_4, window_bounds = array<i64: 65536>}, {transform_indices = @transform_5, window_bounds = array<i64: 512, 128>}]} {
    %get3A = arith.constant 0 : index
    %get3A_0 = arith.constant 0 : index
    %get3A_1 = vector.load %arg1[%get3A, %get3A_0] : memref<2048x128xf32, #tpu.memory_space<vmem>>, vector<2048x128xf32>
    %reshape3A = vector.shape_cast %get3A_1 : vector<2048x128xf32> to vector<512x4x128xf32>
    %slice3A = vector.extract_strided_slice %reshape3A {offsets = [0, 0, 0], sizes = [512, 1, 128], strides = [1, 1, 1]} : vector<512x4x128xf32> to vector<512x1x128xf32>
    %squeeze3A = vector.shape_cast %slice3A : vector<512x1x128xf32> to vector<512x128xf32>
    %get3A_2 = arith.constant 0 : index
    %get3A_3 = arith.constant 0 : index
    %get3A_4 = vector.load %arg2[%get3A_2, %get3A_3] : memref<128x32xf32, #tpu.memory_space<vmem>>, vector<128x32xf32>
    %dot_general3A = arith.constant dense<0.000000e+00> : vector<512x32xf32>
    %dot_general3A_5 = tpu.matmul %squeeze3A, %get3A_4, %dot_general3A {dimension_numbers = #tpu.dot_dimension_numbers<[1], [0], [0], [1], [0, 0, 1, 1], [], []>, transpose_lhs_hint = false} : vector<512x128xf32>, vector<128x32xf32>, vector<512x32xf32> -> vector<512x32xf32>
    %get3A_6 = arith.constant 0 : index
    %get3A_7 = arith.constant 0 : index
    %get3A_8 = vector.load %arg3[%get3A_6, %get3A_7] : memref<128x32xf32, #tpu.memory_space<vmem>>, vector<128x32xf32>
    %dot_general3A_9 = arith.constant dense<0.000000e+00> : vector<512x32xf32>
    %dot_general3A_10 = tpu.matmul %squeeze3A, %get3A_8, %dot_general3A_9 {dimension_numbers = #tpu.dot_dimension_numbers<[1], [0], [0], [1], [0, 0, 1, 1], [], []>, transpose_lhs_hint = false} : vector<512x128xf32>, vector<128x32xf32>, vector<512x32xf32> -> vector<512x32xf32>
    %slice3A_11 = vector.extract_strided_slice %reshape3A {offsets = [0, 1, 0], sizes = [512, 1, 128], strides = [1, 1, 1]} : vector<512x4x128xf32> to vector<512x1x128xf32>
    %squeeze3A_12 = vector.shape_cast %slice3A_11 : vector<512x1x128xf32> to vector<512x128xf32>
    %get3A_13 = arith.constant 0 : index
    %get3A_14 = arith.constant 0 : index
    %get3A_15 = vector.load %arg2[%get3A_13, %get3A_14] : memref<128x32xf32, #tpu.memory_space<vmem>>, vector<128x32xf32>
    %dot_general3A_16 = arith.constant dense<0.000000e+00> : vector<512x32xf32>
    %dot_general3A_17 = tpu.matmul %squeeze3A_12, %get3A_15, %dot_general3A_16 {dimension_numbers = #tpu.dot_dimension_numbers<[1], [0], [0], [1], [0, 0, 1, 1], [], []>, transpose_lhs_hint = false} : vector<512x128xf32>, vector<128x32xf32>, vector<512x32xf32> -> vector<512x32xf32>
    %get3A_18 = arith.constant 0 : index
    %get3A_19 = arith.constant 0 : index
    %get3A_20 = vector.load %arg3[%get3A_18, %get3A_19] : memref<128x32xf32, #tpu.memory_space<vmem>>, vector<128x32xf32>
    %dot_general3A_21 = arith.constant dense<0.000000e+00> : vector<512x32xf32>
    %dot_general3A_22 = tpu.matmul %squeeze3A_12, %get3A_20, %dot_general3A_21 {dimension_numbers = #tpu.dot_dimension_numbers<[1], [0], [0], [1], [0, 0, 1, 1], [], []>, transpose_lhs_hint = false} : vector<512x128xf32>, vector<128x32xf32>, vector<512x32xf32> -> vector<512x32xf32>
    %slice3A_23 = vector.extract_strided_slice %reshape3A {offsets = [0, 2, 0], sizes = [512, 1, 128], strides = [1, 1, 1]} : vector<512x4x128xf32> to vector<512x1x128xf32>
    %squeeze3A_24 = vector.shape_cast %slice3A_23 : vector<512x1x128xf32> to vector<512x128xf32>
    %get3A_25 = arith.constant 0 : index
    %get3A_26 = arith.constant 0 : index
    %get3A_27 = vector.load %arg2[%get3A_25, %get3A_26] : memref<128x32xf32, #tpu.memory_space<vmem>>, vector<128x32xf32>
    %dot_general3A_28 = arith.constant dense<0.000000e+00> : vector<512x32xf32>
    %dot_general3A_29 = tpu.matmul %squeeze3A_24, %get3A_27, %dot_general3A_28 {dimension_numbers = #tpu.dot_dimension_numbers<[1], [0], [0], [1], [0, 0, 1, 1], [], []>, transpose_lhs_hint = false} : vector<512x128xf32>, vector<128x32xf32>, vector<512x32xf32> -> vector<512x32xf32>
    %get3A_30 = arith.constant 0 : index
    %get3A_31 = arith.constant 0 : index
    %get3A_32 = vector.load %arg3[%get3A_30, %get3A_31] : memref<128x32xf32, #tpu.memory_space<vmem>>, vector<128x32xf32>
    %dot_general3A_33 = arith.constant dense<0.000000e+00> : vector<512x32xf32>
    %dot_general3A_34 = tpu.matmul %squeeze3A_24, %get3A_32, %dot_general3A_33 {dimension_numbers = #tpu.dot_dimension_numbers<[1], [0], [0], [1], [0, 0, 1, 1], [], []>, transpose_lhs_hint = false} : vector<512x128xf32>, vector<128x32xf32>, vector<512x32xf32> -> vector<512x32xf32>
    %slice3A_35 = vector.extract_strided_slice %reshape3A {offsets = [0, 3, 0], sizes = [512, 1, 128], strides = [1, 1, 1]} : vector<512x4x128xf32> to vector<512x1x128xf32>
    %squeeze3A_36 = vector.shape_cast %slice3A_35 : vector<512x1x128xf32> to vector<512x128xf32>
    %get3A_37 = arith.constant 0 : index
    %get3A_38 = arith.constant 0 : index
    %get3A_39 = vector.load %arg2[%get3A_37, %get3A_38] : memref<128x32xf32, #tpu.memory_space<vmem>>, vector<128x32xf32>
    %dot_general3A_40 = arith.constant dense<0.000000e+00> : vector<512x32xf32>
    %dot_general3A_41 = tpu.matmul %squeeze3A_36, %get3A_39, %dot_general3A_40 {dimension_numbers = #tpu.dot_dimension_numbers<[1], [0], [0], [1], [0, 0, 1, 1], [], []>, transpose_lhs_hint = false} : vector<512x128xf32>, vector<128x32xf32>, vector<512x32xf32> -> vector<512x32xf32>
    %get3A_42 = arith.constant 0 : index
    %get3A_43 = arith.constant 0 : index
    %get3A_44 = vector.load %arg3[%get3A_42, %get3A_43] : memref<128x32xf32, #tpu.memory_space<vmem>>, vector<128x32xf32>
    %dot_general3A_45 = arith.constant dense<0.000000e+00> : vector<512x32xf32>
    %dot_general3A_46 = tpu.matmul %squeeze3A_36, %get3A_44, %dot_general3A_45 {dimension_numbers = #tpu.dot_dimension_numbers<[1], [0], [0], [1], [0, 0, 1, 1], [], []>, transpose_lhs_hint = false} : vector<512x128xf32>, vector<128x32xf32>, vector<512x32xf32> -> vector<512x32xf32>
    %concatenate3A = tpu.concatenate %dot_general3A_5, %dot_general3A_17, %dot_general3A_29, %dot_general3A_41 in 1 : vector<512x32xf32>, vector<512x32xf32>, vector<512x32xf32>, vector<512x32xf32> -> vector<512x128xf32>
    %concatenate3A_47 = tpu.concatenate %dot_general3A_10, %dot_general3A_22, %dot_general3A_34, %dot_general3A_46 in 1 : vector<512x32xf32>, vector<512x32xf32>, vector<512x32xf32>, vector<512x32xf32> -> vector<512x128xf32>
    %get3A_48 = arith.constant 0 : index
    %get3A_49 = arith.constant 0 : index
    %get3A_50 = vector.load %arg4[%get3A_48, %get3A_49] : memref<1x128xf32, #tpu.memory_space<vmem>>, vector<1x128xf32>
    %add3A = vector.broadcast %get3A_50 : vector<1x128xf32> to vector<512x128xf32>
    %add3A_51 = arith.addf %concatenate3A_47, %add3A : vector<512x128xf32>
    %reshape3A_52 = vector.shape_cast %concatenate3A : vector<512x128xf32> to vector<65536xf32>
    %swap3A = arith.constant 0 : index
    %swap3A_53 = vector.load %arg5[%swap3A] : memref<65536xf32, #tpu.memory_space<vmem>>, vector<65536xf32>
    tpu.vector_store %arg5[%swap3A], %reshape3A_52 {strides = array<i32>} : memref<65536xf32, #tpu.memory_space<vmem>>, vector<65536xf32>,
    %swap3A_54 = arith.constant 0 : index
    %swap3A_55 = arith.constant 0 : index
    %swap3A_56 = vector.load %arg6[%swap3A_54, %swap3A_55] : memref<512x128xf32, #tpu.memory_space<vmem>>, vector<512x128xf32>
    tpu.vector_store %arg6[%swap3A_54, %swap3A_55], %add3A_51 {strides = array<i32>} : memref<512x128xf32, #tpu.memory_space<vmem>>, vector<512x128xf32>,
    return
  }
  func.func @transform_0(%arg0: i32) -> (i32, i32) {
    %c0_i32 = arith.constant 0 : i32
    %c0_i32_0 = arith.constant 0 : i32
    return %arg0, %c0_i32 : i32, i32
  }
  func.func @transform_1(%arg0: i32) -> (i32, i32) {
    %c0_i32 = arith.constant 0 : i32
    %c0_i32_0 = arith.constant 0 : i32
    %c0_i32_1 = arith.constant 0 : i32
    return %c0_i32, %c0_i32_0 : i32, i32
  }
  func.func @transform_2(%arg0: i32) -> (i32, i32) {
    %c0_i32 = arith.constant 0 : i32
    %c0_i32_0 = arith.constant 0 : i32
    %c0_i32_1 = arith.constant 0 : i32
    return %c0_i32, %c0_i32_0 : i32, i32
  }
  func.func @transform_3(%arg0: i32) -> (i32, i32) {
    %c0_i32 = arith.constant 0 : i32
    %c0_i32_0 = arith.constant 0 : i32
    %c0_i32_1 = arith.constant 0 : i32
    return %c0_i32, %c0_i32_0 : i32, i32
  }
  func.func @transform_4(%arg0: i32) -> i32 {
    %c0_i32 = arith.constant 0 : i32
    return %arg0 : i32
  }
  func.func @transform_5(%arg0: i32) -> (i32, i32) {
    %c0_i32 = arith.constant 0 : i32
    %c0_i32_0 = arith.constant 0 : i32
    return %arg0, %c0_i32 : i32, i32
  }
}

module attributes {stable_mosaic.version = 14 : i64} {
  func.func @_mid_body(%arg0: i32, %arg1: memref<65536xf32, #tpu.memory_space<vmem>>, %arg2: memref<65536xf32, #tpu.memory_space<vmem>>, %arg3: memref<512x4xf32, #tpu.memory_space<vmem>>, %arg4: memref<512x4xf32, #tpu.memory_space<vmem>>, %arg5: memref<512x128xf32, #tpu.memory_space<vmem>>, %arg6: memref<128x128xf32, #tpu.memory_space<vmem>>, %arg7: memref<128x128xf32, #tpu.memory_space<vmem>>, %arg8: memref<1x128xf32, #tpu.memory_space<vmem>>, %arg9: memref<4x128xf32, #tpu.memory_space<vmem>>, %arg10: memref<65536xf32, #tpu.memory_space<vmem>>, %arg11: memref<512x128xf32, #tpu.memory_space<vmem>>) attributes {dimension_semantics = [#tpu.dimension_semantics<arbitrary>], iteration_bounds = array<i64: 5>, scalar_prefetch = 0 : i64, scratch_operands = 0 : i64, tpu.core_type = #tpu.core_type<tc>, window_params = [{transform_indices = @transform_0, window_bounds = array<i64: 65536>}, {transform_indices = @transform_1, window_bounds = array<i64: 65536>}, {transform_indices = @transform_2, window_bounds = array<i64: 512, 4>}, {transform_indices = @transform_3, window_bounds = array<i64: 512, 4>}, {transform_indices = @transform_4, window_bounds = array<i64: 512, 128>}, {pipeline_mode = #tpu.pipeline_mode<synchronous>, transform_indices = @transform_5, window_bounds = array<i64: 128, 128>}, {pipeline_mode = #tpu.pipeline_mode<synchronous>, transform_indices = @transform_6, window_bounds = array<i64: 128, 128>}, {pipeline_mode = #tpu.pipeline_mode<synchronous>, transform_indices = @transform_7, window_bounds = array<i64: 1, 128>}, {pipeline_mode = #tpu.pipeline_mode<synchronous>, transform_indices = @transform_8, window_bounds = array<i64: 4, 128>}, {transform_indices = @transform_9, window_bounds = array<i64: 65536>}, {transform_indices = @transform_10, window_bounds = array<i64: 512, 128>}]} {
    %get3A = arith.constant 0 : index
    %get3A_0 = vector.load %arg1[%get3A] : memref<65536xf32, #tpu.memory_space<vmem>>, vector<65536xf32>
    %get3A_1 = arith.constant 0 : index
    %get3A_2 = vector.load %arg2[%get3A_1] : memref<65536xf32, #tpu.memory_space<vmem>>, vector<65536xf32>
    %add3A = arith.addf %get3A_0, %get3A_2 : vector<65536xf32>
    %reshape3A = vector.shape_cast %add3A : vector<65536xf32> to vector<512x128xf32>
    %get3A_3 = arith.constant 0 : index
    %get3A_4 = arith.constant 0 : index
    %get3A_5 = vector.load %arg3[%get3A_3, %get3A_4] : memref<512x4xf32, #tpu.memory_space<vmem>>, vector<512x4xf32>
    %get3A_6 = arith.constant 0 : index
    %get3A_7 = arith.constant 0 : index
    %get3A_8 = vector.load %arg4[%get3A_6, %get3A_7] : memref<512x4xf32, #tpu.memory_space<vmem>>, vector<512x4xf32>
    %get3A_9 = arith.constant 0 : index
    %get3A_10 = arith.constant 0 : index
    %get3A_11 = vector.load %arg9[%get3A_9, %get3A_10] : memref<4x128xf32, #tpu.memory_space<vmem>>, vector<4x128xf32>
    %add3A_12 = arith.addf %get3A_5, %get3A_8 : vector<512x4xf32>
    %max3A = arith.constant 1.000000e+00 : f32
    %max3A_13 = vector.broadcast %max3A : f32 to vector<512x4xf32>
    %max3A_14 = arith.maximumf %add3A_12, %max3A_13 : vector<512x4xf32>
    %div3A = arith.constant 1.000000e+00 : f32
    %div3A_15 = vector.broadcast %div3A : f32 to vector<512x4xf32>
    %div3A_16 = arith.divf %div3A_15, %max3A_14 : vector<512x4xf32>
    %dot_general3A = arith.constant dense<0.000000e+00> : vector<512x128xf32>
    %dot_general3A_17 = tpu.matmul %div3A_16, %get3A_11, %dot_general3A {dimension_numbers = #tpu.dot_dimension_numbers<[1], [0], [0], [1], [0, 0, 1, 1], [], []>, transpose_lhs_hint = false} : vector<512x4xf32>, vector<4x128xf32>, vector<512x128xf32> -> vector<512x128xf32>
    %mul3A = arith.mulf %reshape3A, %dot_general3A_17 : vector<512x128xf32>
    %get3A_18 = arith.constant 0 : index
    %get3A_19 = arith.constant 0 : index
    %get3A_20 = vector.load %arg5[%get3A_18, %get3A_19] : memref<512x128xf32, #tpu.memory_space<vmem>>, vector<512x128xf32>
    %add3A_21 = arith.addf %mul3A, %get3A_20 : vector<512x128xf32>
    %max3A_22 = arith.constant 0.000000e+00 : f32
    %max3A_23 = vector.broadcast %max3A_22 : f32 to vector<512x128xf32>
    %max3A_24 = arith.maximumf %add3A_21, %max3A_23 : vector<512x128xf32>
    %get3A_25 = arith.constant 0 : index
    %get3A_26 = arith.constant 0 : index
    %get3A_27 = vector.load %arg6[%get3A_25, %get3A_26] : memref<128x128xf32, #tpu.memory_space<vmem>>, vector<128x128xf32>
    %dot_general3A_28 = arith.constant dense<0.000000e+00> : vector<512x128xf32>
    %dot_general3A_29 = tpu.matmul %max3A_24, %get3A_27, %dot_general3A_28 {dimension_numbers = #tpu.dot_dimension_numbers<[1], [0], [0], [1], [0, 0, 1, 1], [], []>, transpose_lhs_hint = false} : vector<512x128xf32>, vector<128x128xf32>, vector<512x128xf32> -> vector<512x128xf32>
    %reshape3A_30 = vector.shape_cast %dot_general3A_29 : vector<512x128xf32> to vector<65536xf32>
    %swap3A = arith.constant 0 : index
    %swap3A_31 = vector.load %arg10[%swap3A] : memref<65536xf32, #tpu.memory_space<vmem>>, vector<65536xf32>
    tpu.vector_store %arg10[%swap3A], %reshape3A_30 {strides = array<i32>} : memref<65536xf32, #tpu.memory_space<vmem>>, vector<65536xf32>,
    %get3A_32 = arith.constant 0 : index
    %get3A_33 = arith.constant 0 : index
    %get3A_34 = vector.load %arg7[%get3A_32, %get3A_33] : memref<128x128xf32, #tpu.memory_space<vmem>>, vector<128x128xf32>
    %dot_general3A_35 = arith.constant dense<0.000000e+00> : vector<512x128xf32>
    %dot_general3A_36 = tpu.matmul %max3A_24, %get3A_34, %dot_general3A_35 {dimension_numbers = #tpu.dot_dimension_numbers<[1], [0], [0], [1], [0, 0, 1, 1], [], []>, transpose_lhs_hint = false} : vector<512x128xf32>, vector<128x128xf32>, vector<512x128xf32> -> vector<512x128xf32>
    %get3A_37 = arith.constant 0 : index
    %get3A_38 = arith.constant 0 : index
    %get3A_39 = vector.load %arg8[%get3A_37, %get3A_38] : memref<1x128xf32, #tpu.memory_space<vmem>>, vector<1x128xf32>
    %add3A_40 = vector.broadcast %get3A_39 : vector<1x128xf32> to vector<512x128xf32>
    %add3A_41 = arith.addf %dot_general3A_36, %add3A_40 : vector<512x128xf32>
    %swap3A_42 = arith.constant 0 : index
    %swap3A_43 = arith.constant 0 : index
    %swap3A_44 = vector.load %arg11[%swap3A_42, %swap3A_43] : memref<512x128xf32, #tpu.memory_space<vmem>>, vector<512x128xf32>
    tpu.vector_store %arg11[%swap3A_42, %swap3A_43], %add3A_41 {strides = array<i32>} : memref<512x128xf32, #tpu.memory_space<vmem>>, vector<512x128xf32>,
    return
  }
  func.func @transform_0(%arg0: i32) -> i32 {
    %c0_i32 = arith.constant 0 : i32
    return %arg0 : i32
  }
  func.func @transform_1(%arg0: i32) -> i32 {
    %add3A = arith.constant 5 : i32
    %add3A_0 = arith.addi %arg0, %add3A : i32
    %c0_i32 = arith.constant 0 : i32
    return %add3A_0 : i32
  }
  func.func @transform_2(%arg0: i32) -> (i32, i32) {
    %c0_i32 = arith.constant 0 : i32
    %c0_i32_0 = arith.constant 0 : i32
    return %arg0, %c0_i32 : i32, i32
  }
  func.func @transform_3(%arg0: i32) -> (i32, i32) {
    %c0_i32 = arith.constant 0 : i32
    %c0_i32_0 = arith.constant 0 : i32
    return %arg0, %c0_i32 : i32, i32
  }
  func.func @transform_4(%arg0: i32) -> (i32, i32) {
    %c0_i32 = arith.constant 0 : i32
    %c0_i32_0 = arith.constant 0 : i32
    return %arg0, %c0_i32 : i32, i32
  }
  func.func @transform_5(%arg0: i32) -> (i32, i32) {
    %c0_i32 = arith.constant 0 : i32
    %c0_i32_0 = arith.constant 0 : i32
    %c0_i32_1 = arith.constant 0 : i32
    return %c0_i32, %c0_i32_0 : i32, i32
  }
  func.func @transform_6(%arg0: i32) -> (i32, i32) {
    %c0_i32 = arith.constant 0 : i32
    %c0_i32_0 = arith.constant 0 : i32
    %c0_i32_1 = arith.constant 0 : i32
    return %c0_i32, %c0_i32_0 : i32, i32
  }
  func.func @transform_7(%arg0: i32) -> (i32, i32) {
    %c0_i32 = arith.constant 0 : i32
    %c0_i32_0 = arith.constant 0 : i32
    %c0_i32_1 = arith.constant 0 : i32
    return %c0_i32, %c0_i32_0 : i32, i32
  }
  func.func @transform_8(%arg0: i32) -> (i32, i32) {
    %c0_i32 = arith.constant 0 : i32
    %c0_i32_0 = arith.constant 0 : i32
    %c0_i32_1 = arith.constant 0 : i32
    return %c0_i32, %c0_i32_0 : i32, i32
  }
  func.func @transform_9(%arg0: i32) -> i32 {
    %c0_i32 = arith.constant 0 : i32
    return %arg0 : i32
  }
  func.func @transform_10(%arg0: i32) -> (i32, i32) {
    %c0_i32 = arith.constant 0 : i32
    %c0_i32_0 = arith.constant 0 : i32
    return %arg0, %c0_i32 : i32, i32
  }
}

module attributes {stable_mosaic.version = 14 : i64} {
  func.func @_fin_body(%arg0: i32, %arg1: memref<65536xf32, #tpu.memory_space<vmem>>, %arg2: memref<65536xf32, #tpu.memory_space<vmem>>, %arg3: memref<512x4xf32, #tpu.memory_space<vmem>>, %arg4: memref<512x4xf32, #tpu.memory_space<vmem>>, %arg5: memref<512x128xf32, #tpu.memory_space<vmem>>, %arg6: memref<4x128xf32, #tpu.memory_space<vmem>>, %arg7: memref<65536xf32, #tpu.memory_space<vmem>>) attributes {dimension_semantics = [#tpu.dimension_semantics<arbitrary>], iteration_bounds = array<i64: 5>, scalar_prefetch = 0 : i64, scratch_operands = 0 : i64, tpu.core_type = #tpu.core_type<tc>, window_params = [{transform_indices = @transform_0, window_bounds = array<i64: 65536>}, {transform_indices = @transform_1, window_bounds = array<i64: 65536>}, {transform_indices = @transform_2, window_bounds = array<i64: 512, 4>}, {transform_indices = @transform_3, window_bounds = array<i64: 512, 4>}, {transform_indices = @transform_4, window_bounds = array<i64: 512, 128>}, {pipeline_mode = #tpu.pipeline_mode<synchronous>, transform_indices = @transform_5, window_bounds = array<i64: 4, 128>}, {transform_indices = @transform_6, window_bounds = array<i64: 65536>}]} {
    %get3A = arith.constant 0 : index
    %get3A_0 = vector.load %arg1[%get3A] : memref<65536xf32, #tpu.memory_space<vmem>>, vector<65536xf32>
    %get3A_1 = arith.constant 0 : index
    %get3A_2 = vector.load %arg2[%get3A_1] : memref<65536xf32, #tpu.memory_space<vmem>>, vector<65536xf32>
    %add3A = arith.addf %get3A_0, %get3A_2 : vector<65536xf32>
    %reshape3A = vector.shape_cast %add3A : vector<65536xf32> to vector<512x128xf32>
    %get3A_3 = arith.constant 0 : index
    %get3A_4 = arith.constant 0 : index
    %get3A_5 = vector.load %arg3[%get3A_3, %get3A_4] : memref<512x4xf32, #tpu.memory_space<vmem>>, vector<512x4xf32>
    %get3A_6 = arith.constant 0 : index
    %get3A_7 = arith.constant 0 : index
    %get3A_8 = vector.load %arg4[%get3A_6, %get3A_7] : memref<512x4xf32, #tpu.memory_space<vmem>>, vector<512x4xf32>
    %get3A_9 = arith.constant 0 : index
    %get3A_10 = arith.constant 0 : index
    %get3A_11 = vector.load %arg6[%get3A_9, %get3A_10] : memref<4x128xf32, #tpu.memory_space<vmem>>, vector<4x128xf32>
    %add3A_12 = arith.addf %get3A_5, %get3A_8 : vector<512x4xf32>
    %max3A = arith.constant 1.000000e+00 : f32
    %max3A_13 = vector.broadcast %max3A : f32 to vector<512x4xf32>
    %max3A_14 = arith.maximumf %add3A_12, %max3A_13 : vector<512x4xf32>
    %div3A = arith.constant 1.000000e+00 : f32
    %div3A_15 = vector.broadcast %div3A : f32 to vector<512x4xf32>
    %div3A_16 = arith.divf %div3A_15, %max3A_14 : vector<512x4xf32>
    %dot_general3A = arith.constant dense<0.000000e+00> : vector<512x128xf32>
    %dot_general3A_17 = tpu.matmul %div3A_16, %get3A_11, %dot_general3A {dimension_numbers = #tpu.dot_dimension_numbers<[1], [0], [0], [1], [0, 0, 1, 1], [], []>, transpose_lhs_hint = false} : vector<512x4xf32>, vector<4x128xf32>, vector<512x128xf32> -> vector<512x128xf32>
    %mul3A = arith.mulf %reshape3A, %dot_general3A_17 : vector<512x128xf32>
    %get3A_18 = arith.constant 0 : index
    %get3A_19 = arith.constant 0 : index
    %get3A_20 = vector.load %arg5[%get3A_18, %get3A_19] : memref<512x128xf32, #tpu.memory_space<vmem>>, vector<512x128xf32>
    %add3A_21 = arith.addf %mul3A, %get3A_20 : vector<512x128xf32>
    %reshape3A_22 = vector.shape_cast %add3A_21 : vector<512x128xf32> to vector<65536xf32>
    %swap3A = arith.constant 0 : index
    %swap3A_23 = vector.load %arg7[%swap3A] : memref<65536xf32, #tpu.memory_space<vmem>>, vector<65536xf32>
    tpu.vector_store %arg7[%swap3A], %reshape3A_22 {strides = array<i32>} : memref<65536xf32, #tpu.memory_space<vmem>>, vector<65536xf32>,
    return
  }
  func.func @transform_0(%arg0: i32) -> i32 {
    %c0_i32 = arith.constant 0 : i32
    return %arg0 : i32
  }
  func.func @transform_1(%arg0: i32) -> i32 {
    %add3A = arith.constant 5 : i32
    %add3A_0 = arith.addi %arg0, %add3A : i32
    %c0_i32 = arith.constant 0 : i32
    return %add3A_0 : i32
  }
  func.func @transform_2(%arg0: i32) -> (i32, i32) {
    %c0_i32 = arith.constant 0 : i32
    %c0_i32_0 = arith.constant 0 : i32
    return %arg0, %c0_i32 : i32, i32
  }
  func.func @transform_3(%arg0: i32) -> (i32, i32) {
    %c0_i32 = arith.constant 0 : i32
    %c0_i32_0 = arith.constant 0 : i32
    return %arg0, %c0_i32 : i32, i32
  }
  func.func @transform_4(%arg0: i32) -> (i32, i32) {
    %c0_i32 = arith.constant 0 : i32
    %c0_i32_0 = arith.constant 0 : i32
    return %arg0, %c0_i32 : i32, i32
  }
  func.func @transform_5(%arg0: i32) -> (i32, i32) {
    %c0_i32 = arith.constant 0 : i32
    %c0_i32_0 = arith.constant 0 : i32
    %c0_i32_1 = arith.constant 0 : i32
    return %c0_i32, %c0_i32_0 : i32, i32
  }
  func.func @transform_6(%arg0: i32) -> i32 {
    %c0_i32 = arith.constant 0 : i32
    return %arg0 : i32
  }
}

</mosaic_0001>

<sc_bundles>
// kernel: kernel.10.cloned.1.call-start
scs
__scs_entry_jumppad:
0x0: {  	(pc) =	sbr.rel $0x88, $3  }
0x1: {  	(tag) =	ssettag $0x0;
	lr =	simm.s32 $0x1  }
0x2: {  	[smem:$0x3F99] =	sst lr;
	_ =	strace $0xD0000000  }
0x3: {  	_ = 	snop  }
0x4: {  	_ = 	snop  }
0x5: {  	_ = 	snop  }
0x6: {  	_ = 	snop  }
0x7: {  	_ = 	snop  }
__scs_overlays_trampoline_lowered:
0x8: {  	[smem:$0x3FA8] =	sst s0  }
0x9: {  	[smem:$0x3FA9] =	sst s1  }
0xa: {  	[smem:$0x3FAA] =	sst s2  }
0xb: {  	[smem:$0x3FAB] =	sst s3  }
0xc: {  	[smem:$0x3FAC] =	sst s4  }
0xd: {  	[smem:$0x3FAD] =	sst s5  }
0xe: {  	[smem:$0x3FAE] =	sst s6  }
0xf: {  	[smem:$0x3FAF] =	sst s7  }
0x10: {  	[smem:$0x3FB0] =	sst s8  }
0x11: {  	[smem:$0x3FB1] =	sst s9;
	s0 =	simm.s32 @!p0 $0x0  }
0x12: {  	s1 =	sld [smem:$0x3F97];
	s0 =	simm.s32 @p0 $0x1  }
0x13: {  	[smem:$0x3FB2] =	sst s0;
	s0 =	simm.s32 @!p1 $0x0  }
0x14: {  	s2 =	sld [smem:$0x3F96];
	s0 =	simm.s32 @p1 $0x1  }
0x15: {  	[smem:$0x3FB3] =	sst s0;
	s0 =	simm.s32 @!p2 $0x0  }
0x16: {  	s3 =	sld [smem:$0x3FDB];
	s0 =	simm.s32 @p2 $0x1  }
0x17: {  	s4 =	simm.s32 $0x1BF5;
	[smem:$0x3FB5] =	sst s0  }
0x18: {  	s0 =	sld [smem:$0x3F98];
	_ =	swait.ge [sflag:s4], $0x0  }
0x19: {  	s7 =	sld [smem:$0x3F99]  }
0x1a: {  	s8 =	sadd.s32 $0xFFFFE003, lr  }
0x1b: {  	s9 =	sadd.s32 $0xFFFFFEF7, lr;
	s5 =	simm.s32 $0xFFFFFFFF;
	p2 =	slt.u32 s8, $0xFFFFF086  }
0x1c: {  	p1 =	slt.u32 s9, $0xF7A;
	s5 =	simm.s32 @!p2 $0x0  }
0x1d: {  	s5 =	simm.s32 @p1 $0x1;
	p0 =	seq.s32 s7, s2  }
0x1e: {  	s7 =	smul.u32 @!p0 $0xF7A, s2;
	p2 =	seq.s32 @!p0 s5, $0x0  }
0x1f: {  	s9 =	smul.u32 $0xF7A, s1;
	s8 =	simm.s32 @!p0 $0x1BF5;
	p2 =	por !p2, p0  }
0x20: {  	[sflag:s8] =	ssyncset.s32 @!p0 $0xFFFFF086;
	s6 =	sadd.s32 @!p0 s3, s7;
	s7 =	simm.s32 @!p0 $0x108  }
0x21: {  	s3 =	sadd.s32 s3, s9;
	s6 =	sadd.s32 @!p0 $0x88, s6;
	s7 =	simm.s32 @p2 $0x1082  }
0x22: {  	[simem:s7], [sflag:s8] =	dma.local @!p0 [hbm:s6], $0xF7A  }
0x23: {  	s9 =	sor.u32 $0xD0000000, s2;
	s6 =	simm.s32 $0x108;
	_ =	swait.ge @!p0 [sflag:s8], $0x0  }
0x24: {  	s3 =	sadd.s32 $0x88, s3;
	s6 =	simm.s32 @!p1 $0x1082;
	[sflag:s4] =	ssyncset.s32 $0xFFFFF086  }
0x25: {  	[simem:s6], [sflag:s4] =	dma.local [hbm:s3], $0xF7A  }
0x26: {  	[smem:$0x3F99] =	sst s1;
	(tag) =	ssettag s2;
	_ =	strace s9  }
0x27: {  	s1 =	sld [smem:$0x3FA9]  }
0x28: {  	s2 =	sld [smem:$0x3FAA]  }
0x29: {  	s4 =	sld [smem:$0x3FAC]  }
0x2a: {  	p0 =	seq.s32 s5, $0x0;
	s5 =	sld [smem:$0x3FAD]  }
0x2b: {  	s6 =	sld [smem:$0x3FAE]  }
0x2c: {  	s7 =	sld [smem:$0x3FAF]  }
0x2d: {  	s3 =	simm.s32 $0x108;
	s8 =	sld [smem:$0x3FB0]  }
0x2e: {  	s3 =	simm.s32 @!p0 $0x1082;
	s9 =	sld [smem:$0x3FB1]  }
0x2f: {  	lr =	sadd.s32 s0, s3;
	s0 =	sld [smem:$0x3FA8]  }
0x30: {  	s3 =	sld [smem:$0x3FAB]  }
0x31: {  	[smem:$0x3FB4] =	sst s10  }
0x32: {  	s10 =	sld [smem:$0x3FB2];
	_ =	sdelay $0x3  }
0x33: {  	p0 =	seq.s32 s10, $0x1;
	s10 =	sld [smem:$0x3FB4];
	_ =	sdelay $0x3  }
0x34: {  	[smem:$0x3FB4] =	sst s10  }
0x35: {  	s10 =	sld [smem:$0x3FB3];
	_ =	sdelay $0x3  }
0x36: {  	p1 =	seq.s32 s10, $0x1;
	s10 =	sld [smem:$0x3FB4];
	_ =	sdelay $0x3  }
0x37: {  	[smem:$0x3FB4] =	sst s10  }
0x38: {  	s10 =	sld [smem:$0x3FB5]  }
0x39: {  	_ = 	snop;
	(pc) =	sbr.ind lr, $3  }
0x3a: {  	_ = 	snop  }
0x3b: {  	_ = 	snop  }
0x3c: {  	p2 =	seq.s32 s10, $0x1;
	s10 =	sld [smem:$0x3FB4]  }
0x3d: {  	_ =	shalt  }
0x3e: {  	_ =	shalt  }
0x3f: {  	_ =	shalt  }
0x40: {  	_ =	shalt  }
0x41: {  	_ =	shalt  }
0x42: {  	_ =	shalt  }
0x43: {  	_ =	shalt  }
0x44: {  	_ =	shalt  }
0x45: {  	_ =	shalt  }
0x46: {  	_ =	shalt  }
0x47: {  	_ =	shalt  }
0x48: {  	_ =	shalt  }
0x49: {  	_ =	shalt  }
0x4a: {  	_ =	shalt  }
0x4b: {  	_ =	shalt  }
0x4c: {  	_ =	shalt  }
0x4d: {  	_ =	shalt  }
0x4e: {  	_ =	shalt  }
0x4f: {  	_ =	shalt  }
0x50: {  	_ =	shalt  }
0x51: {  	_ =	shalt  }
0x52: {  	_ =	shalt  }
0x53: {  	_ =	shalt  }
0x54: {  	_ =	shalt  }
0x55: {  	_ =	shalt  }
0x56: {  	_ =	shalt  }
0x57: {  	_ =	shalt  }
0x58: {  	_ =	shalt  }
0x59: {  	_ =	shalt  }
0x5a: {  	_ =	shalt  }
0x5b: {  	_ =	shalt  }
0x5c: {  	_ =	shalt  }
0x5d: {  	_ =	shalt  }
0x5e: {  	_ =	shalt  }
0x5f: {  	_ =	shalt  }
0x60: {  	_ =	shalt  }
0x61: {  	_ =	shalt  }
0x62: {  	_ =	shalt  }
0x63: {  	_ =	shalt  }
0x64: {  	_ =	shalt  }
0x65: {  	_ =	shalt  }
0x66: {  	_ =	shalt  }
0x67: {  	_ =	shalt  }
0x68: {  	_ =	shalt  }
0x69: {  	_ =	shalt  }
0x6a: {  	_ =	shalt  }
0x6b: {  	_ =	shalt  }
0x6c: {  	_ =	shalt  }
0x6d: {  	_ =	shalt  }
0x6e: {  	_ =	shalt  }
0x6f: {  	_ =	shalt  }
0x70: {  	_ =	shalt  }
0x71: {  	_ =	shalt  }
0x72: {  	_ =	shalt  }
0x73: {  	_ =	shalt  }
0x74: {  	_ =	shalt  }
0x75: {  	_ =	shalt  }
0x76: {  	_ =	shalt  }
0x77: {  	_ =	shalt  }
0x78: {  	_ =	shalt  }
0x79: {  	_ =	shalt  }
0x7a: {  	_ =	shalt  }
0x7b: {  	_ =	shalt  }
0x7c: {  	_ =	shalt  }
0x7d: {  	_ =	shalt  }
0x7e: {  	_ =	shalt  }
0x7f: {  	_ =	shalt  }
0x80: {  	_ =	shalt  }
0x81: {  	_ =	shalt  }
0x82: {  	_ =	shalt  }
0x83: {  	_ =	shalt  }
0x84: {  	_ =	shalt  }
0x85: {  	_ =	shalt  }
0x86: {  	_ =	shalt  }
0x87: {  	_ =	shalt  }
.Lfunc_end0:
.L_simem_size_0:
called_computation.1_lowered:
.L_overlay_start_0:
0x88: {  	s2 =	sld [smem:$0x3FD9]  }
0x89: {  	s3 =	sld [smem:$0x3FFE];
	_ =	sdelay $0x1  }
0x8a: {  	s1 =	srdreg.scid  }
0x8b: {  	s0 =	sand.u32 $0x1, s1  }
0x8c: {  	s16 =	sshll.u32 s0, $0xA;
	s2 =	sadd.s32 s3, s2  }
0x8d: {  	s2 =	sadd.s32 s2, s16  }
0x8e: {  	[smem:$0x3FC0] =	sst s2  }
0x8f: {  	_ = 	snop  }
0x90: {  	(tm) =	ssettm $0x1  }
0x91: {  	s17 =	sld [smem:$0x3FFB];
	_ =	sdelay $0x3  }
0x92: {  	_ =	strace s17  }
0x93: {  	s2 =	sld [smem:$0x3FFC];
	_ =	sdelay $0x3  }
0x94: {  	_ =	strace s2  }
0x95: {  	s2 =	sld [smem:$0x3FFD];
	_ =	sdelay $0x3  }
0x96: {  	_ =	strace s2  }
0x97: {  	_ =	strace $0x8FFFFFFF  }
0x98: {  	s18 =	sld [smem:$0x3FDB];
	_ =	sdelay $0x1  }
0x99: {  	s19 =	simm.s32 $_scs_section_size  }
0x9a: {  	s4 =	simm.s32 $_size__tile_overlayer_lowered;
	s5 =	simm.s32 $_tile_overlayer_lowered  }
0x9b: {  	s22 =	simm.s32 $0x1BFF;
	s21 =	sshll.u32 s5, $0x1;
	s2 =	sadd.s32 s19, s18  }
0x9c: {  	s6 =	simm.s32 $0x0;
	s20 =	sshll.u32 s4, $0x1;
	s4 =	sadd.s32 s21, s2  }
0x9d: {  	[timem:s6], [sflag:s22] =	dma.local [hbm:s4], s20  }
0x9e: {  	_ =	swait.ge [sflag:s22], s20  }
0x9f: {  	s3 =	ssub.s32 $0x0, s20;
	[sflag:s22] =	ssyncset.done $0x0  }
0xa0: {  	[sflag:s22] =	ssyncadd.s32 s3;
	_ =	sdelay $0x1  }
0xa1: {  	s23 =	simm.s32 $0x1B8B  }
0xa2: {  	_ =	swait.ge [sflag:s23], $0x1  }
0xa3: {  	[sflag:s23] =	ssyncset.done $0x0  }
0xa4: {  	s25 =	simm.s32 $0x1B8E;
	s24 =	sld [smem:$0x3FFE];
	[sflag:s23] =	ssyncadd.s32 $0xFFFFFFFF  }
0xa5: {  	s26 =	simm.s32 $execute0_lowered;
	[smem:$0x3FD2] =	sst s25  }
0xa6: {  	s4 =	sshll.u32 s26, $0x1;
	_ =	strace $0x80000049;
	[dreg:$0x1] =	wrdreg $0xFFFFFFFF  }
0xa7: {  	s28 =	simm.s32 $_size_execute0_lowered;
	s2 =	sadd.s32 s2, s4;
	[dreg:$0x0] =	wrdreg $0x0  }
0xa8: {  	s4 =	sshll.u32 s28, $0x1;
	[dreg:$0x2] =	wrdreg s2  }
0xa9: {  	[dreg:$0x3] =	wrdreg s4  }
0xaa: {  	[dreg:$0x4] =	wrdreg $0xC0  }
0xab: {  	_ =	task [dreg:s6], $0x5FFFF  }
0xac: {  	[dreg:$0x1] =	wrdreg $0xFFFFFFFF  }
0xad: {  	[dreg:$0x0] =	wrdreg $0x60  }
0xae: {  	[dreg:$0x2] =	wrdreg s24  }
0xaf: {  	[dreg:$0x3] =	wrdreg $0x0  }
0xb0: {  	[dreg:$0x4] =	wrdreg $0x9  }
0xb1: {  	_ =	task.clear_ibuf [dreg:s6], $0x5FFFF;
	_ =	strace $0x90000049  }
0xb2: {  	s29 =	simm.s32 $0x9;
	_ =	strace $0x8000004B  }
0xb3: {  	_ =	swait.ge [sflag:s29], $0x1  }
0xb4: {  	[sflag:s29] =	ssyncadd.s32 $0xFFFFFFFF  }
0xb5: {  	_ =	strace $0x9000004B  }
0xb6: {  	_ =	sfence  }
0xb7: {  	s30 =	sld [smem:$0x0];
	_ =	sdelay $0x2  }
0xb8: {  	s31 =	sshll.u32 s1, $0xD;
	s1 =	sshrl.u32 s1, $0x2  }
0xb9: {  	s3 =	sand.u32 $0x4000, s31;
	s1 =	sadd.s32 s1, s30  }
0xba: {  	s0 =	sor.u32 s3, s0;
	s1 =	sshll.u32 s1, $0x11  }
0xbb: {  	s0 =	sor.u32 s1, s0  }
0xbc: {  	s0 =	sadd.s32 $0x8F2B, s0  }
0xbd: {  	[sflag:s0] =	ssyncadd.remote.s32 $0x1  }
0xbe: {  	_ =	sfence.sel $0xFFFF  }
0xbf: {  	[dreg:$0x0] =	wrdreg $0xFFFFFFFF;
	(pc) =	sbr.abs _section_cstart, $3  }
0xc0: {  	[dreg:$0x1] =	wrdreg $0xFFFFFFFF  }
0xc1: {  	_ =	task.clear_ibuf [dreg:s6], $0x2FFFF;
	_ =	strace $0x9FFFFFFF  }
0xc2: {  	(tm) =	ssettm $0x7FFFFFFF  }
0xc3: {  	_ =	shalt  }
tec
execute0_lowered:
.L_overlay_start_1:
0x0: {  	(tag) =	ssettag $0x1  }
0x1: {  	s0 =	rddreg [dreg:$0x0]  }
0x2: {  	s2 =	rddreg [dreg:$0x1]  }
0x3: {  	s1 =	srdreg.scid;
	s13 =	stileid.u32  }
0x4: {  	s3 =	simm.s32 $0x0;
	s12 =	simm.s32 $0x5000;
	s14 =	simm.s32 $0xA  }
0x5: {  	s15 =	simm.s32 $0x1;
	s16 =	simm.s32 $0x80;
	s17 =	simm.s32 $0x9F00  }
0x6: {  	s19 =	simm.s32 $0xAF00;
	s21 =	simm.s32 $0xBF00;
	s23 =	simm.s32 $0xCF00  }
0x7: {  	s28 =	simm.s32 $0xEF00;
	s29 =	simm.s32 $0x4;
	s30 =	simm.s32 $0x5  }
0x8: {  	s31 =	simm.s32 $0x6;
	s18 =	simm.s32 $0x8;
	s20 =	simm.s32 $0x9  }
0x9: {  	s22 =	simm.s32 $0x3;
	s1 =	sand.u32 $0x1, s1;
	s5 =	smul.u32 $0x5000, s13  }
0xa: {  	[smem:$0x7FF] =	sst s3;
	s7 =	sshll.u32 s13, $0x1;
	s4 =	sadd.s32 $0x15E00, s0  }
0xb: {  	s11 =	sadd.s32 $0x2400, s0;
	s9 =	smul.u32 $0x4E00, s13;
	p0 =	sgt.u32 s13, $0x1  }
0xc: {  	s13 =	simm.s32 $0x7;
	s6 =	smul.u32 $0x50000, s1;
	_ =	strace $0x8000004A  }
0xd: {  	s7 =	sor.u32 s1, s7;
	s24 =	ssub.s32 $0x2, s1;
	s1 =	smul.u32 $0x2700, s1  }
0xe: {  	s8 =	smul.u32 $0x2700, s7;
	s10 =	sshrl.u32 s24, $0x1;
	s7 =	sshll.u32 s7, $0x4  }
0xf: {  	s6 =	sadd.s32 s5, s6;
	s7 =	sadd.s32 s7, s11;
	s1 =	sadd.s32 s1, s9  }
0x10: {  	s6 =	sshrl.u32 s6, $0x3;
	s8 =	sshrl.u32 s8, $0x3;
	s25 =	sadd.s32 $0x9C00, s7  }
0x11: {  	s7 =	sadd.s32 $0x13840, s7;
	s1 =	sadd.s32 $0x4E200, s1;
	s0 =	sadd.s32 s6, s0  }
0x12: {  	s6 =	ssub.s32 s24, s10;
	s8 =	sadd.s32 s11, s8;
	[dreg:$0x4] =	wrdreg s25  }
0x13: {  	s26 =	sshrl.u32 s1, $0x3;
	s25 =	simm.s32 $0xDF00;
	s24 =	simm.s32 $0x0  }
0x14: {  	[dreg:$0x3] =	wrdreg s8;
	s8 =	sadd.s32 s5, s2;
	s9 =	sadd.s32 $0x1FE00, s0  }
0x15: {  	v0 =	vimm.f32 $0.0e+00;
	s10 =	smax.u32 s6, $0x1;
	s11 =	sadd.s32 s26, s11;
	s0 =	simm.s32 $0x2  }
.LBB2_1:
0x16: {  	s1 =	rddreg [dreg:$0x3];
	s26 =	simm.s32 $0x10  }
0x17: {  	[tilespmem:s12], [sflag:$0x1] =	stream.linear.gather [hbm4b:s1+s3], $0x2700, $0x38;
	[tilespmem:$0x14F00] =	vst v63  }
0x18: {  	s6 =	sadd.s32 $0x0, s11;
	s5 =	simm.s32 $0x7800;
	s1 =	simm.s32 $0x7780  }
.LBB2_2:
0x19: {  	[tilespmem:s1], [sflag:$0x1] =	stream.linear.gather [hbm4b:s6+s3], $0x80, $0x38;
	[tilespmem:$0x14F00] =	vst v63  }
0x1a: {  	s6 =	smov.u32 s26;
	s1 =	smov.u32 s5;
	p1 =	sne.s32 s26, $0x4D0  }
.Ltmp0:
0x1b: {  	s26 =	sadd.s32 $0x10, s26;
	(pc) =	sbr.rel @p1 .LBB2_2-.Ltmp0, $2  }
0x1c: {  	_ =	sdelay $0x2  }
0x1d: {  	s5 =	sadd.s32 $0x80, s5;
	s6 =	sadd.s32 s6, s11  }
0x1e: {  	[tilespmem:s1], [sflag:$0x1] =	stream.linear.gather [hbm4b:s6+s3], $0x80, $0x38;
	[tilespmem:$0x14F00] =	vst v63  }
0x1f: {  	s1 =	simm.s32 @!p0 $0x0;
	s5 =	simm.s32 @!p0 $0x7700;
	s6 =	rddreg [dreg:$0x4]  }
0x20: {  	[tilespmem:s5], [sflag:$0x1] =	stream.linear.gather @!p0 [hbm4b:s6+s1], $0x80, $0x38;
	[tilespmem:$0x14F00] =	vst v63  }
0x21: {  	s5 =	simm.s32 @!p0 $0x9E80  }
0x22: {  	[tilespmem:s5], [sflag:$0x1] =	stream.linear.gather @!p0 [hbm4b:s7+s1], $0x80, $0x38;
	[tilespmem:$0x14F00] =	vst v63  }
0x23: {  	s1 =	simm.s32 $0x80;
	s5 =	simm.s32 $0x0  }
.LBB2_4:
0x24: {  	p1 =	sne.s32 s1, $0x13F80;
	[tilespmem:s5+$0xFF00] =	vst v0;
	s6 =	smov.u32 s1;
	s1 =	sadd.s32 $0x80, s1  }
.Ltmp1:
0x25: {  	[tilespmem:s5+$0xFF10] =	vst v0;
	(pc) =	sbr.rel @p1 .LBB2_4-.Ltmp1, $2  }
0x26: {  	_ =	sdelay $0x2  }
0x27: {  	s5 =	sshra.s32 s6, $0x2  }
0x28: {  	[tilespmem:s5+$0xFF00] =	vst v0  }
0x29: {  	[tilespmem:s5+$0xFF10] =	vst v0;
	s1 =	simm.s32 $0xFF00  }
0x2a: {  	[spmem:s8] =	stream.linear.scatter [tilespmem:s1], [sflag:$0xA], $0x5000, $0x38;
	[tilespmem:$0x14F00] =	vst v63  }
0x2b: {  	_ =	swait.ge [sflag:s14], $0x5000  }
0x2c: {  	[sflag:s14] =	ssyncset.done $0x0  }
0x2d: {  	[sflag:s14] =	ssyncadd.s32 $0xFFFFB000  }
0x2e: {  	_ =	swait.ge [sflag:s15], $0x2700  }
0x2f: {  	[sflag:s15] =	ssyncset.done $0x0  }
0x30: {  	[sflag:s15] =	ssyncadd.s32 $0xFFFFD900  }
0x31: {  	_ =	swait.ge [sflag:s15], $0x80  }
0x32: {  	s1 =	simm.s32 $0x4D;
	[sflag:s15] =	ssyncset.done $0x0  }
.LBB2_6:
0x33: {  	p1 =	sne.s32 s1, $0x1;
	s1 =	sadd.s32 $0xFFFFFFFF, s1;
	[sflag:s15] =	ssyncadd.s32 $0xFFFFFF80  }
.Ltmp2:
0x34: {  	(pc) =	sbr.rel @p1 .LBB2_6-.Ltmp2, $3  }
0x35: {  	_ =	sdelay $0x1  }
0x36: {  	_ =	swait.ge [sflag:s15], $0x80  }
0x37: {  	[sflag:s15] =	ssyncset.done $0x0  }
0x38: {  	[sflag:s15] =	ssyncadd.s32 $0xFFFFFF80;
	s1 =	simm.s32 @!p0 $0x1  }
0x39: {  	_ =	swait.ge @!p0 [sflag:s1], $0x80  }
0x3a: {  	[sflag:s1] =	ssyncset.done @!p0 $0x0  }
0x3b: {  	[sflag:s1] =	ssyncadd.s32 @!p0 $0xFFFFFF80  }
0x3c: {  	_ =	swait.ge @!p0 [sflag:s1], $0x80  }
0x3d: {  	[sflag:s1] =	ssyncset.done @!p0 $0x0  }
0x3e: {  	[sflag:s1] =	ssyncadd.s32 @!p0 $0xFFFFFF80  }
0x3f: {  	[bflag:$0x0] =	sbarrier.arrive $0xFFFF  }
0x40: {  	[tilespmem:s17], [sflag:$0x4] =	stream.indirect.gather [hbm4b:s4+s16], $0x20, s12, s16, $0xb8;
	[tilespmem:$0x14F00] =	vst v63  }
0x41: {  	s26 =	simm.s32 $0x5080  }
0x42: {  	[tilespmem:s19], [sflag:$0x5] =	stream.indirect.gather [hbm4b:s4+s16], $0x20, s26, s16, $0xb8;
	[tilespmem:$0x14F00] =	vst v63  }
0x43: {  	s5 =	simm.s32 $0x5100  }
0x44: {  	[tilespmem:s21], [sflag:$0x6] =	stream.indirect.gather [hbm4b:s4+s16], $0x20, s5, s16, $0xb8;
	[tilespmem:$0x14F00] =	vst v63  }
0x45: {  	s6 =	simm.s32 $0x5180  }
0x46: {  	[tilespmem:s23], [sflag:$0x7] =	stream.indirect.gather [hbm4b:s4+s16], $0x20, s6, s16, $0xb8;
	[tilespmem:$0x14F00] =	vst v63  }
0x47: {  	s26 =	simm.s32 $0x5200  }
0x48: {  	[tilespmem:s25], [sflag:$0x8] =	stream.indirect.gather [hbm4b:s4+s16], $0x20, s26, s16, $0xb8;
	[tilespmem:$0x14F00] =	vst v63  }
0x49: {  	s5 =	simm.s32 $0x5280  }
0x4a: {  	[tilespmem:s28], [sflag:$0x9] =	stream.indirect.gather [hbm4b:s4+s16], $0x20, s5, s16, $0xb8;
	[tilespmem:$0x14F00] =	vst v63  }
0x4b: {  	_ =	swait.ge [sflag:s29], $0x1000  }
0x4c: {  	[sflag:s29] =	ssyncset.done $0x0  }
0x4d: {  	s6 =	simm.s32 $0x7780;
	[sflag:s29] =	ssyncadd.s32 $0xFFFFF000  }
0x4e: {  	[spmem:s2] =	stream.indirect.scatter.add.f32 [tilespmem:s17], [sflag:$0x2], $0x20, s6, s16, $0xb8;
	[tilespmem:$0x14F00] =	vst v63  }
0x4f: {  	_ =	swait.ge [sflag:s30], $0x1000  }
0x50: {  	[sflag:s30] =	ssyncset.done $0x0  }
0x51: {  	s26 =	simm.s32 $0x7800;
	[sflag:s30] =	ssyncadd.s32 $0xFFFFF000  }
0x52: {  	[spmem:s2] =	stream.indirect.scatter.add.f32 [tilespmem:s19], [sflag:$0x2], $0x20, s26, s16, $0xb8;
	[tilespmem:$0x14F00] =	vst v63  }
0x53: {  	_ =	swait.ge [sflag:s31], $0x1000  }
0x54: {  	[sflag:s31] =	ssyncset.done $0x0  }
0x55: {  	s5 =	simm.s32 $0x7880;
	[sflag:s31] =	ssyncadd.s32 $0xFFFFF000  }
0x56: {  	[spmem:s2] =	stream.indirect.scatter.add.f32 [tilespmem:s21], [sflag:$0x2], $0x20, s5, s16, $0xb8;
	[tilespmem:$0x14F00] =	vst v63  }
0x57: {  	_ =	swait.ge [sflag:s0], $0x1000  }
0x58: {  	[sflag:s0] =	ssyncset.done $0x0  }
0x59: {  	[sflag:s0] =	ssyncadd.s32 $0xFFFFF000  }
0x5a: {  	_ =	swait.ge [sflag:s0], $0x1000  }
0x5b: {  	[sflag:s0] =	ssyncset.done $0x0  }
0x5c: {  	[sflag:s0] =	ssyncadd.s32 $0xFFFFF000  }
0x5d: {  	_ =	swait.ge [sflag:s0], $0x1000  }
0x5e: {  	[sflag:s0] =	ssyncset.done $0x0  }
0x5f: {  	s6 =	simm.s32 $0x5300;
	[sflag:s0] =	ssyncadd.s32 $0xFFFFF000  }
0x60: {  	[tilespmem:s17], [sflag:$0x4] =	stream.indirect.gather [hbm4b:s4+s16], $0x20, s6, s16, $0xb8;
	[tilespmem:$0x14F00] =	vst v63  }
0x61: {  	s26 =	simm.s32 $0x5380  }
0x62: {  	[tilespmem:s19], [sflag:$0x5] =	stream.indirect.gather [hbm4b:s4+s16], $0x20, s26, s16, $0xb8;
	[tilespmem:$0x14F00] =	vst v63  }
0x63: {  	s5 =	simm.s32 $0x5400  }
0x64: {  	[tilespmem:s21], [sflag:$0x6] =	stream.indirect.gather [hbm4b:s4+s16], $0x20, s5, s16, $0xb8;
	[tilespmem:$0x14F00] =	vst v63  }
0x65: {  	_ =	swait.ge [sflag:s13], $0x1000  }
0x66: {  	[sflag:s13] =	ssyncset.done $0x0  }
0x67: {  	s6 =	simm.s32 $0x7900;
	[sflag:s13] =	ssyncadd.s32 $0xFFFFF000  }
0x68: {  	[spmem:s2] =	stream.indirect.scatter.add.f32 [tilespmem:s23], [sflag:$0x3], $0x20, s6, s16, $0xb8;
	[tilespmem:$0x14F00] =	vst v63  }
0x69: {  	_ =	swait.ge [sflag:s18], $0x1000  }
0x6a: {  	[sflag:s18] =	ssyncset.done $0x0  }
0x6b: {  	s26 =	simm.s32 $0x7980;
	[sflag:s18] =	ssyncadd.s32 $0xFFFFF000  }
0x6c: {  	[spmem:s2] =	stream.indirect.scatter.add.f32 [tilespmem:s25], [sflag:$0x3], $0x20, s26, s16, $0xb8;
	[tilespmem:$0x14F00] =	vst v63  }
0x6d: {  	_ =	swait.ge [sflag:s20], $0x1000  }
0x6e: {  	[sflag:s20] =	ssyncset.done $0x0  }
0x6f: {  	s5 =	simm.s32 $0x7A00;
	[sflag:s20] =	ssyncadd.s32 $0xFFFFF000  }
0x70: {  	[spmem:s2] =	stream.indirect.scatter.add.f32 [tilespmem:s28], [sflag:$0x3], $0x20, s5, s16, $0xb8;
	[tilespmem:$0x14F00] =	vst v63  }
0x71: {  	_ =	swait.ge [sflag:s22], $0x1000  }
0x72: {  	[sflag:s22] =	ssyncset.done $0x0  }
0x73: {  	[sflag:s22] =	ssyncadd.s32 $0xFFFFF000  }
0x74: {  	_ =	swait.ge [sflag:s22], $0x1000  }
0x75: {  	[sflag:s22] =	ssyncset.done $0x0  }
0x76: {  	[sflag:s22] =	ssyncadd.s32 $0xFFFFF000  }
0x77: {  	_ =	swait.ge [sflag:s22], $0x1000  }
0x78: {  	[sflag:s22] =	ssyncset.done $0x0  }
0x79: {  	s6 =	simm.s32 $0x5480;
	[sflag:s22] =	ssyncadd.s32 $0xFFFFF000  }
0x7a: {  	[tilespmem:s23], [sflag:$0x7] =	stream.indirect.gather [hbm4b:s4+s16], $0x20, s6, s16, $0xb8;
	[tilespmem:$0x14F00] =	vst v63  }
0x7b: {  	s26 =	simm.s32 $0x5500  }
0x7c: {  	[tilespmem:s25], [sflag:$0x8] =	stream.indirect.gather [hbm4b:s4+s16], $0x20, s26, s16, $0xb8;
	[tilespmem:$0x14F00] =	vst v63  }
0x7d: {  	s1 =	simm.s32 $0x5580;
	s26 =	simm.s32 $0xC00  }
.LBB2_8:
0x7e: {  	[tilespmem:s28], [sflag:$0x9] =	stream.indirect.gather [hbm4b:s4+s16], $0x20, s1, s16, $0xb8;
	[tilespmem:$0x14F00] =	vst v63  }
0x7f: {  	s1 =	smov.u32 s26  }
0x80: {  	p1 =	sne.s32 s26, $0x8400;
	s26 =	sadd.s32 $0xC00, s26;
	_ =	swait.ge [sflag:s29], $0x1000  }
0x81: {  	s1 =	sshra.s32 s1, $0x2;
	[sflag:s29] =	ssyncset.done $0x0  }
0x82: {  	s5 =	sadd.s32 $0x7780, s1;
	[sflag:s29] =	ssyncadd.s32 $0xFFFFF000  }
0x83: {  	[spmem:s2] =	stream.indirect.scatter.add.f32 [tilespmem:s17], [sflag:$0x2], $0x20, s5, s16, $0xb8;
	[tilespmem:$0x14F00] =	vst v63  }
0x84: {  	_ =	swait.ge [sflag:s30], $0x1000  }
0x85: {  	[sflag:s30] =	ssyncset.done $0x0  }
0x86: {  	s5 =	sadd.s32 $0x7800, s1;
	[sflag:s30] =	ssyncadd.s32 $0xFFFFF000  }
0x87: {  	[spmem:s2] =	stream.indirect.scatter.add.f32 [tilespmem:s19], [sflag:$0x2], $0x20, s5, s16, $0xb8;
	[tilespmem:$0x14F00] =	vst v63  }
0x88: {  	_ =	swait.ge [sflag:s31], $0x1000  }
0x89: {  	[sflag:s31] =	ssyncset.done $0x0  }
0x8a: {  	s5 =	sadd.s32 $0x7880, s1;
	[sflag:s31] =	ssyncadd.s32 $0xFFFFF000  }
0x8b: {  	[spmem:s2] =	stream.indirect.scatter.add.f32 [tilespmem:s21], [sflag:$0x2], $0x20, s5, s16, $0xb8;
	[tilespmem:$0x14F00] =	vst v63  }
0x8c: {  	_ =	swait.ge [sflag:s0], $0x1000  }
0x8d: {  	[sflag:s0] =	ssyncset.done $0x0  }
0x8e: {  	[sflag:s0] =	ssyncadd.s32 $0xFFFFF000  }
0x8f: {  	_ =	swait.ge [sflag:s0], $0x1000  }
0x90: {  	[sflag:s0] =	ssyncset.done $0x0  }
0x91: {  	[sflag:s0] =	ssyncadd.s32 $0xFFFFF000  }
0x92: {  	_ =	swait.ge [sflag:s0], $0x1000  }
0x93: {  	[sflag:s0] =	ssyncset.done $0x0  }
0x94: {  	s5 =	sadd.s32 $0x5300, s1;
	[sflag:s0] =	ssyncadd.s32 $0xFFFFF000  }
0x95: {  	[tilespmem:s17], [sflag:$0x4] =	stream.indirect.gather [hbm4b:s4+s16], $0x20, s5, s16, $0xb8;
	[tilespmem:$0x14F00] =	vst v63  }
0x96: {  	s5 =	sadd.s32 $0x5380, s1  }
0x97: {  	[tilespmem:s19], [sflag:$0x5] =	stream.indirect.gather [hbm4b:s4+s16], $0x20, s5, s16, $0xb8;
	[tilespmem:$0x14F00] =	vst v63  }
0x98: {  	s5 =	sadd.s32 $0x5400, s1  }
0x99: {  	[tilespmem:s21], [sflag:$0x6] =	stream.indirect.gather [hbm4b:s4+s16], $0x20, s5, s16, $0xb8;
	[tilespmem:$0x14F00] =	vst v63  }
0x9a: {  	_ =	swait.ge [sflag:s13], $0x1000  }
0x9b: {  	[sflag:s13] =	ssyncset.done $0x0  }
0x9c: {  	s5 =	sadd.s32 $0x7900, s1;
	[sflag:s13] =	ssyncadd.s32 $0xFFFFF000  }
0x9d: {  	[spmem:s2] =	stream.indirect.scatter.add.f32 [tilespmem:s23], [sflag:$0x3], $0x20, s5, s16, $0xb8;
	[tilespmem:$0x14F00] =	vst v63  }
0x9e: {  	_ =	swait.ge [sflag:s18], $0x1000  }
0x9f: {  	[sflag:s18] =	ssyncset.done $0x0  }
0xa0: {  	s5 =	sadd.s32 $0x7980, s1;
	[sflag:s18] =	ssyncadd.s32 $0xFFFFF000  }
0xa1: {  	[spmem:s2] =	stream.indirect.scatter.add.f32 [tilespmem:s25], [sflag:$0x3], $0x20, s5, s16, $0xb8;
	[tilespmem:$0x14F00] =	vst v63  }
0xa2: {  	_ =	swait.ge [sflag:s20], $0x1000  }
0xa3: {  	[sflag:s20] =	ssyncset.done $0x0  }
0xa4: {  	s5 =	sadd.s32 $0x7A00, s1;
	[sflag:s20] =	ssyncadd.s32 $0xFFFFF000  }
0xa5: {  	[spmem:s2] =	stream.indirect.scatter.add.f32 [tilespmem:s28], [sflag:$0x3], $0x20, s5, s16, $0xb8;
	[tilespmem:$0x14F00] =	vst v63  }
0xa6: {  	_ =	swait.ge [sflag:s22], $0x1000  }
0xa7: {  	[sflag:s22] =	ssyncset.done $0x0  }
0xa8: {  	[sflag:s22] =	ssyncadd.s32 $0xFFFFF000  }
0xa9: {  	_ =	swait.ge [sflag:s22], $0x1000  }
0xaa: {  	[sflag:s22] =	ssyncset.done $0x0  }
0xab: {  	[sflag:s22] =	ssyncadd.s32 $0xFFFFF000  }
0xac: {  	_ =	swait.ge [sflag:s22], $0x1000  }
0xad: {  	[sflag:s22] =	ssyncset.done $0x0  }
.Ltmp3:
0xae: {  	s5 =	sadd.s32 $0x5480, s1;
	[sflag:s22] =	ssyncadd.s32 $0xFFFFF000;
	(pc) =	sbr.rel @p1 .LBB2_8-.Ltmp3, $4  }
0xaf: {  	[tilespmem:s23], [sflag:$0x7] =	stream.indirect.gather [hbm4b:s4+s16], $0x20, s5, s16, $0xb8;
	[tilespmem:$0x14F00] =	vst v63  }
0xb0: {  	s5 =	sadd.s32 $0x5500, s1  }
0xb1: {  	[tilespmem:s25], [sflag:$0x8] =	stream.indirect.gather [hbm4b:s4+s16], $0x20, s5, s16, $0xb8;
	[tilespmem:$0x14F00] =	vst v63  }
0xb2: {  	s1 =	sadd.s32 $0x5580, s1  }
0xb3: {  	[tilespmem:s28], [sflag:$0x9] =	stream.indirect.gather [hbm4b:s4+s16], $0x20, s1, s16, $0xb8;
	[tilespmem:$0x14F00] =	vst v63  }
0xb4: {  	_ =	swait.ge [sflag:s29], $0x1000  }
0xb5: {  	[sflag:s29] =	ssyncset.done $0x0  }
0xb6: {  	s6 =	simm.s32 $0x9B80;
	[sflag:s29] =	ssyncadd.s32 $0xFFFFF000  }
0xb7: {  	[spmem:s2] =	stream.indirect.scatter.add.f32 [tilespmem:s17], [sflag:$0x2], $0x20, s6, s16, $0xb8;
	[tilespmem:$0x14F00] =	vst v63  }
0xb8: {  	_ =	swait.ge [sflag:s30], $0x1000  }
0xb9: {  	[sflag:s30] =	ssyncset.done $0x0  }
0xba: {  	s26 =	simm.s32 $0x9C00;
	[sflag:s30] =	ssyncadd.s32 $0xFFFFF000  }
0xbb: {  	[spmem:s2] =	stream.indirect.scatter.add.f32 [tilespmem:s19], [sflag:$0x2], $0x20, s26, s16, $0xb8;
	[tilespmem:$0x14F00] =	vst v63  }
0xbc: {  	_ =	swait.ge [sflag:s31], $0x1000  }
0xbd: {  	[sflag:s31] =	ssyncset.done $0x0  }
0xbe: {  	s5 =	simm.s32 $0x9C80;
	[sflag:s31] =	ssyncadd.s32 $0xFFFFF000  }
0xbf: {  	[spmem:s2] =	stream.indirect.scatter.add.f32 [tilespmem:s21], [sflag:$0x2], $0x20, s5, s16, $0xb8;
	[tilespmem:$0x14F00] =	vst v63  }
0xc0: {  	_ =	swait.ge [sflag:s0], $0x1000  }
0xc1: {  	[sflag:s0] =	ssyncset.done $0x0  }
0xc2: {  	[sflag:s0] =	ssyncadd.s32 $0xFFFFF000  }
0xc3: {  	_ =	swait.ge [sflag:s0], $0x1000  }
0xc4: {  	[sflag:s0] =	ssyncset.done $0x0  }
0xc5: {  	[sflag:s0] =	ssyncadd.s32 $0xFFFFF000  }
0xc6: {  	_ =	swait.ge [sflag:s0], $0x1000  }
0xc7: {  	[sflag:s0] =	ssyncset.done $0x0  }
0xc8: {  	[sflag:s0] =	ssyncadd.s32 $0xFFFFF000  }
0xc9: {  	_ =	swait.ge [sflag:s13], $0x1000  }
0xca: {  	[sflag:s13] =	ssyncset.done $0x0  }
0xcb: {  	s6 =	simm.s32 $0x9D00;
	[sflag:s13] =	ssyncadd.s32 $0xFFFFF000  }
0xcc: {  	[spmem:s2] =	stream.indirect.scatter.add.f32 [tilespmem:s23], [sflag:$0x3], $0x20, s6, s16, $0xb8;
	[tilespmem:$0x14F00] =	vst v63  }
0xcd: {  	_ =	swait.ge [sflag:s18], $0x1000  }
0xce: {  	[sflag:s18] =	ssyncset.done $0x0  }
0xcf: {  	s26 =	simm.s32 $0x9D80;
	[sflag:s18] =	ssyncadd.s32 $0xFFFFF000  }
0xd0: {  	[spmem:s2] =	stream.indirect.scatter.add.f32 [tilespmem:s25], [sflag:$0x3], $0x20, s26, s16, $0xb8;
	[tilespmem:$0x14F00] =	vst v63  }
0xd1: {  	_ =	swait.ge [sflag:s20], $0x1000  }
0xd2: {  	[sflag:s20] =	ssyncset.done $0x0  }
0xd3: {  	s5 =	simm.s32 $0x9E00;
	[sflag:s20] =	ssyncadd.s32 $0xFFFFF000  }
0xd4: {  	[spmem:s2] =	stream.indirect.scatter.add.f32 [tilespmem:s28], [sflag:$0x3], $0x20, s5, s16, $0xb8;
	[tilespmem:$0x14F00] =	vst v63  }
0xd5: {  	_ =	swait.ge [sflag:s22], $0x1000  }
0xd6: {  	[sflag:s22] =	ssyncset.done $0x0  }
0xd7: {  	[sflag:s22] =	ssyncadd.s32 $0xFFFFF000  }
0xd8: {  	_ =	swait.ge [sflag:s22], $0x1000  }
0xd9: {  	[sflag:s22] =	ssyncset.done $0x0  }
0xda: {  	[sflag:s22] =	ssyncadd.s32 $0xFFFFF000  }
0xdb: {  	_ =	swait.ge [sflag:s22], $0x1000  }
0xdc: {  	s1 =	simm.s32 @!p0 $0x80;
	[sflag:s22] =	ssyncset.done $0x0  }
0xdd: {  	s6 =	simm.s32 @!p0 $0x9F00;
	s5 =	simm.s32 @!p0 $0x7700;
	[sflag:s22] =	ssyncadd.s32 $0xFFFFF000  }
0xde: {  	[tilespmem:s6], [sflag:$0x4] =	stream.indirect.gather @!p0 [hbm4b:s4+s1], $0x20, s5, s1, $0xb8;
	[tilespmem:$0x14F00] =	vst v63  }
0xdf: {  	s5 =	simm.s32 @!p0 $0x4  }
0xe0: {  	_ =	swait.ge @!p0 [sflag:s5], $0x1000  }
0xe1: {  	[sflag:s5] =	ssyncset.done @!p0 $0x0  }
0xe2: {  	[sflag:s5] =	ssyncadd.s32 @!p0 $0xFFFFF000;
	s5 =	simm.s32 @!p0 $0x9E80  }
0xe3: {  	[spmem:s2] =	stream.indirect.scatter.add.f32 @!p0 [tilespmem:s6], [sflag:$0x2], $0x20, s5, s1, $0xb8;
	[tilespmem:$0x14F00] =	vst v63  }
0xe4: {  	s1 =	simm.s32 @!p0 $0x2  }
0xe5: {  	s24 =	sadd.s32 $0x1, s24;
	_ =	swait.ge @!p0 [sflag:s1], $0x1000  }
0xe6: {  	p1 =	sne.s32 s24, s10;
	s6 =	stileid.u32;
	[sflag:s1] =	ssyncset.done @!p0 $0x0  }
0xe7: {  	s26 =	sshrl.u32 s8, $0x3;
	[sflag:s1] =	ssyncadd.s32 @!p0 $0xFFFFF000;
	s1 =	sshll.u32 s6, $0x6  }
.Ltmp4:
0xe8: {  	[bflag:$0x0] =	sbarrier.arrive $0xFFFF;
	s1 =	sor.u32 $0x1C0A, s1;
	(pc) =	sbr.rel @p1 .LBB2_1-.Ltmp4, $4  }
0xe9: {  	[hbm:s9], [sflag:s1] =	dma.local [spmem:s26], $0xA00  }
0xea: {  	_ =	swait.ge [sflag:s14], $0xA00  }
0xeb: {  	[sflag:s14] =	ssyncset.done $0x0  }
0xec: {  	[sflag:s14] =	ssyncadd.s32 $0xFFFFF600  }
0xed: {  	_ =	sfence.sel $0x180000  }
0xee: {  	[bflag:$0x0] =	sbarrier.arrive $0xFFFF  }
0xef: {  	_ =	strace $0x9000004A  }
0xf0: {  	s0 =	stileid.u32;
	[bflag:$0x2] =	sbarrier.arrive $0xFFFF  }
0xf1: {  	p0 =	sne.s32 s0, $0x0;
	s0 =	rddreg [dreg:$0x2]  }
0xf2: {  	s0 =	sadd.s32 @!p0 $0x100000, s0  }
0xf3: {  	[sflag:s0] =	ssyncadd.tile.s32 @!p0 $0x1;
	_ =	shalt  }
.Lfunc_end2:
_tile_overlayer_lowered:
.L_overlay_start_2:
0xf4: {  	(tag) =	ssettag $0x2  }
0xf5: {  	s0 =	rddreg [dreg:$0x0];
	s2 =	stileid.u32  }
0xf6: {  	s1 =	rddreg [dreg:$0x1];
	p0 =	sne.s32 s2, $0x0  }
0xf7: {  	s3 =	rddreg [dreg:$0x2];
	[bflag:$0x3] =	sbarrier.arrive $0xFFFF;
	s2 =	simm.s32 @!p0 $0x1C0A  }
0xf8: {  	[timem:s3], [sflag:s2] =	dma.local @!p0 [hbm:s0], s1  }
0xf9: {  	s0 =	simm.s32 @!p0 $0xA  }
0xfa: {  	_ =	swait.ge @!p0 [sflag:s0], s1  }
0xfb: {  	s1 =	ssub.s32 @!p0 $0x0, s1;
	[sflag:s0] =	ssyncset.done @!p0 $0x0  }
0xfc: {  	[sflag:s0] =	ssyncadd.s32 @!p0 s1  }
0xfd: {  	[bflag:$0x3] =	sbarrier.arrive $0xFFFF  }
0xfe: {  	_ =	shalt  }

// kernel: kernel.7.cloned.1.call-start
scs
__scs_entry_jumppad:
0x0: {  	(pc) =	sbr.rel $0x88, $3  }
0x1: {  	(tag) =	ssettag $0x0;
	lr =	simm.s32 $0x1  }
0x2: {  	[smem:$0x3F99] =	sst lr;
	_ =	strace $0xD0000000  }
0x3: {  	_ = 	snop  }
0x4: {  	_ = 	snop  }
0x5: {  	_ = 	snop  }
0x6: {  	_ = 	snop  }
0x7: {  	_ = 	snop  }
__scs_overlays_trampoline_lowered:
0x8: {  	[smem:$0x3FA8] =	sst s0  }
0x9: {  	[smem:$0x3FA9] =	sst s1  }
0xa: {  	[smem:$0x3FAA] =	sst s2  }
0xb: {  	[smem:$0x3FAB] =	sst s3  }
0xc: {  	[smem:$0x3FAC] =	sst s4  }
0xd: {  	[smem:$0x3FAD] =	sst s5  }
0xe: {  	[smem:$0x3FAE] =	sst s6  }
0xf: {  	[smem:$0x3FAF] =	sst s7  }
0x10: {  	[smem:$0x3FB0] =	sst s8  }
0x11: {  	[smem:$0x3FB1] =	sst s9;
	s0 =	simm.s32 @!p0 $0x0  }
0x12: {  	s1 =	sld [smem:$0x3F97];
	s0 =	simm.s32 @p0 $0x1  }
0x13: {  	[smem:$0x3FB2] =	sst s0;
	s0 =	simm.s32 @!p1 $0x0  }
0x14: {  	s2 =	sld [smem:$0x3F96];
	s0 =	simm.s32 @p1 $0x1  }
0x15: {  	[smem:$0x3FB3] =	sst s0;
	s0 =	simm.s32 @!p2 $0x0  }
0x16: {  	s3 =	sld [smem:$0x3FDB];
	s0 =	simm.s32 @p2 $0x1  }
0x17: {  	s4 =	simm.s32 $0x1BF5;
	[smem:$0x3FB5] =	sst s0  }
0x18: {  	s0 =	sld [smem:$0x3F98];
	_ =	swait.ge [sflag:s4], $0x0  }
0x19: {  	s7 =	sld [smem:$0x3F99]  }
0x1a: {  	s8 =	sadd.s32 $0xFFFFE003, lr  }
0x1b: {  	s9 =	sadd.s32 $0xFFFFFEF7, lr;
	s5 =	simm.s32 $0xFFFFFFFF;
	p2 =	slt.u32 s8, $0xFFFFF086  }
0x1c: {  	p1 =	slt.u32 s9, $0xF7A;
	s5 =	simm.s32 @!p2 $0x0  }
0x1d: {  	s5 =	simm.s32 @p1 $0x1;
	p0 =	seq.s32 s7, s2  }
0x1e: {  	s7 =	smul.u32 @!p0 $0xF7A, s2;
	p2 =	seq.s32 @!p0 s5, $0x0  }
0x1f: {  	s9 =	smul.u32 $0xF7A, s1;
	s8 =	simm.s32 @!p0 $0x1BF5;
	p2 =	por !p2, p0  }
0x20: {  	[sflag:s8] =	ssyncset.s32 @!p0 $0xFFFFF086;
	s6 =	sadd.s32 @!p0 s3, s7;
	s7 =	simm.s32 @!p0 $0x108  }
0x21: {  	s3 =	sadd.s32 s3, s9;
	s6 =	sadd.s32 @!p0 $0x88, s6;
	s7 =	simm.s32 @p2 $0x1082  }
0x22: {  	[simem:s7], [sflag:s8] =	dma.local @!p0 [hbm:s6], $0xF7A  }
0x23: {  	s9 =	sor.u32 $0xD0000000, s2;
	s6 =	simm.s32 $0x108;
	_ =	swait.ge @!p0 [sflag:s8], $0x0  }
0x24: {  	s3 =	sadd.s32 $0x88, s3;
	s6 =	simm.s32 @!p1 $0x1082;
	[sflag:s4] =	ssyncset.s32 $0xFFFFF086  }
0x25: {  	[simem:s6], [sflag:s4] =	dma.local [hbm:s3], $0xF7A  }
0x26: {  	[smem:$0x3F99] =	sst s1;
	(tag) =	ssettag s2;
	_ =	strace s9  }
0x27: {  	s1 =	sld [smem:$0x3FA9]  }
0x28: {  	s2 =	sld [smem:$0x3FAA]  }
0x29: {  	s4 =	sld [smem:$0x3FAC]  }
0x2a: {  	p0 =	seq.s32 s5, $0x0;
	s5 =	sld [smem:$0x3FAD]  }
0x2b: {  	s6 =	sld [smem:$0x3FAE]  }
0x2c: {  	s7 =	sld [smem:$0x3FAF]  }
0x2d: {  	s3 =	simm.s32 $0x108;
	s8 =	sld [smem:$0x3FB0]  }
0x2e: {  	s3 =	simm.s32 @!p0 $0x1082;
	s9 =	sld [smem:$0x3FB1]  }
0x2f: {  	lr =	sadd.s32 s0, s3;
	s0 =	sld [smem:$0x3FA8]  }
0x30: {  	s3 =	sld [smem:$0x3FAB]  }
0x31: {  	[smem:$0x3FB4] =	sst s10  }
0x32: {  	s10 =	sld [smem:$0x3FB2];
	_ =	sdelay $0x3  }
0x33: {  	p0 =	seq.s32 s10, $0x1;
	s10 =	sld [smem:$0x3FB4];
	_ =	sdelay $0x3  }
0x34: {  	[smem:$0x3FB4] =	sst s10  }
0x35: {  	s10 =	sld [smem:$0x3FB3];
	_ =	sdelay $0x3  }
0x36: {  	p1 =	seq.s32 s10, $0x1;
	s10 =	sld [smem:$0x3FB4];
	_ =	sdelay $0x3  }
0x37: {  	[smem:$0x3FB4] =	sst s10  }
0x38: {  	s10 =	sld [smem:$0x3FB5]  }
0x39: {  	_ = 	snop;
	(pc) =	sbr.ind lr, $3  }
0x3a: {  	_ = 	snop  }
0x3b: {  	_ = 	snop  }
0x3c: {  	p2 =	seq.s32 s10, $0x1;
	s10 =	sld [smem:$0x3FB4]  }
0x3d: {  	_ =	shalt  }
0x3e: {  	_ =	shalt  }
0x3f: {  	_ =	shalt  }
0x40: {  	_ =	shalt  }
0x41: {  	_ =	shalt  }
0x42: {  	_ =	shalt  }
0x43: {  	_ =	shalt  }
0x44: {  	_ =	shalt  }
0x45: {  	_ =	shalt  }
0x46: {  	_ =	shalt  }
0x47: {  	_ =	shalt  }
0x48: {  	_ =	shalt  }
0x49: {  	_ =	shalt  }
0x4a: {  	_ =	shalt  }
0x4b: {  	_ =	shalt  }
0x4c: {  	_ =	shalt  }
0x4d: {  	_ =	shalt  }
0x4e: {  	_ =	shalt  }
0x4f: {  	_ =	shalt  }
0x50: {  	_ =	shalt  }
0x51: {  	_ =	shalt  }
0x52: {  	_ =	shalt  }
0x53: {  	_ =	shalt  }
0x54: {  	_ =	shalt  }
0x55: {  	_ =	shalt  }
0x56: {  	_ =	shalt  }
0x57: {  	_ =	shalt  }
0x58: {  	_ =	shalt  }
0x59: {  	_ =	shalt  }
0x5a: {  	_ =	shalt  }
0x5b: {  	_ =	shalt  }
0x5c: {  	_ =	shalt  }
0x5d: {  	_ =	shalt  }
0x5e: {  	_ =	shalt  }
0x5f: {  	_ =	shalt  }
0x60: {  	_ =	shalt  }
0x61: {  	_ =	shalt  }
0x62: {  	_ =	shalt  }
0x63: {  	_ =	shalt  }
0x64: {  	_ =	shalt  }
0x65: {  	_ =	shalt  }
0x66: {  	_ =	shalt  }
0x67: {  	_ =	shalt  }
0x68: {  	_ =	shalt  }
0x69: {  	_ =	shalt  }
0x6a: {  	_ =	shalt  }
0x6b: {  	_ =	shalt  }
0x6c: {  	_ =	shalt  }
0x6d: {  	_ =	shalt  }
0x6e: {  	_ =	shalt  }
0x6f: {  	_ =	shalt  }
0x70: {  	_ =	shalt  }
0x71: {  	_ =	shalt  }
0x72: {  	_ =	shalt  }
0x73: {  	_ =	shalt  }
0x74: {  	_ =	shalt  }
0x75: {  	_ =	shalt  }
0x76: {  	_ =	shalt  }
0x77: {  	_ =	shalt  }
0x78: {  	_ =	shalt  }
0x79: {  	_ =	shalt  }
0x7a: {  	_ =	shalt  }
0x7b: {  	_ =	shalt  }
0x7c: {  	_ =	shalt  }
0x7d: {  	_ =	shalt  }
0x7e: {  	_ =	shalt  }
0x7f: {  	_ =	shalt  }
0x80: {  	_ =	shalt  }
0x81: {  	_ =	shalt  }
0x82: {  	_ =	shalt  }
0x83: {  	_ =	shalt  }
0x84: {  	_ =	shalt  }
0x85: {  	_ =	shalt  }
0x86: {  	_ =	shalt  }
0x87: {  	_ =	shalt  }
.Lfunc_end0:
.L_simem_size_0:
called_computation_lowered:
.L_overlay_start_0:
0x88: {  	s2 =	sld [smem:$0x3FD9]  }
0x89: {  	s3 =	sld [smem:$0x3FFE];
	_ =	sdelay $0x1  }
0x8a: {  	s1 =	srdreg.scid  }
0x8b: {  	s0 =	sand.u32 $0x1, s1  }
0x8c: {  	s17 =	sshll.u32 s0, $0xA;
	s2 =	sadd.s32 s3, s2  }
0x8d: {  	s2 =	sadd.s32 s2, s17  }
0x8e: {  	[smem:$0x3FC0] =	sst s2  }
0x8f: {  	_ = 	snop  }
0x90: {  	s2 =	sld [smem:$0x3FD0];
	(tm) =	ssettm $0x1  }
0x91: {  	s18 =	sld [smem:$0x3FFB];
	_ =	sdelay $0x3  }
0x92: {  	_ =	strace s18  }
0x93: {  	s3 =	sld [smem:$0x3FFC];
	_ =	sdelay $0x3  }
0x94: {  	_ =	strace s3  }
0x95: {  	s3 =	sld [smem:$0x3FFD];
	_ =	sdelay $0x3  }
0x96: {  	_ =	strace s3  }
0x97: {  	_ =	strace $0x8FFFFFFF  }
0x98: {  	s19 =	sld [smem:$0x3FDB];
	_ =	sdelay $0x1  }
0x99: {  	s4 =	simm.s32 $_scs_section_size  }
0x9a: {  	s5 =	simm.s32 $_size__tile_overlayer_lowered;
	s6 =	simm.s32 $_tile_overlayer_lowered  }
0x9b: {  	s22 =	simm.s32 $0x1BFF;
	s21 =	sshll.u32 s6, $0x1;
	s3 =	sadd.s32 s4, s19  }
0x9c: {  	s7 =	simm.s32 $0x0;
	s20 =	sshll.u32 s5, $0x1;
	s5 =	sadd.s32 s21, s3  }
0x9d: {  	[timem:s7], [sflag:s22] =	dma.local [hbm:s5], s20  }
0x9e: {  	_ =	swait.ge [sflag:s22], s20  }
0x9f: {  	s4 =	ssub.s32 $0x0, s20;
	[sflag:s22] =	ssyncset.done $0x0  }
0xa0: {  	[sflag:s22] =	ssyncadd.s32 s4;
	_ =	sdelay $0x1  }
0xa1: {  	s23 =	simm.s32 $0x1B8B  }
0xa2: {  	_ =	swait.ge [sflag:s23], $0x1  }
0xa3: {  	[sflag:s23] =	ssyncset.done $0x0  }
0xa4: {  	s25 =	simm.s32 $0x1B8E;
	s24 =	sld [smem:$0x3FFE];
	[sflag:s23] =	ssyncadd.s32 $0xFFFFFFFF  }
0xa5: {  	s26 =	simm.s32 $execute0_lowered;
	[smem:$0x3FD2] =	sst s25  }
0xa6: {  	s5 =	sshll.u32 s26, $0x1;
	_ =	strace $0x80000046;
	[dreg:$0x1] =	wrdreg $0xFFFFFFFF  }
0xa7: {  	s28 =	simm.s32 $_size_execute0_lowered;
	s3 =	sadd.s32 s3, s5;
	[dreg:$0x0] =	wrdreg $0x0  }
0xa8: {  	s5 =	sshll.u32 s28, $0x1;
	[dreg:$0x2] =	wrdreg s3  }
0xa9: {  	[dreg:$0x3] =	wrdreg s5  }
0xaa: {  	[dreg:$0x4] =	wrdreg $0xC0  }
0xab: {  	_ =	task [dreg:s7], $0x5FFFF  }
0xac: {  	[dreg:$0x1] =	wrdreg $0xFFFFFFFF  }
0xad: {  	[dreg:$0x0] =	wrdreg $0x60  }
0xae: {  	[dreg:$0x2] =	wrdreg s24  }
0xaf: {  	[dreg:$0x3] =	wrdreg s2  }
0xb0: {  	[dreg:$0x4] =	wrdreg $0x0  }
0xb1: {  	[dreg:$0x5] =	wrdreg $0x50000  }
0xb2: {  	[dreg:$0x6] =	wrdreg $0x9  }
0xb3: {  	_ =	task.clear_ibuf [dreg:s7], $0x7FFFF;
	_ =	strace $0x90000046  }
0xb4: {  	s29 =	simm.s32 $0x9;
	_ =	strace $0x80000048  }
0xb5: {  	_ =	swait.ge [sflag:s29], $0x1  }
0xb6: {  	[sflag:s29] =	ssyncadd.s32 $0xFFFFFFFF  }
0xb7: {  	_ =	strace $0x90000048  }
0xb8: {  	_ =	sfence  }
0xb9: {  	s30 =	sld [smem:$0x0];
	_ =	sdelay $0x2  }
0xba: {  	s31 =	sshll.u32 s1, $0xD;
	s1 =	sshrl.u32 s1, $0x2  }
0xbb: {  	s3 =	sand.u32 $0x4000, s31;
	s1 =	sadd.s32 s1, s30  }
0xbc: {  	s0 =	sor.u32 s3, s0;
	s1 =	sshll.u32 s1, $0x11  }
0xbd: {  	s0 =	sor.u32 s1, s0  }
0xbe: {  	s0 =	sadd.s32 $0x8F2B, s0  }
0xbf: {  	[sflag:s0] =	ssyncadd.remote.s32 $0x1  }
0xc0: {  	_ =	sfence.sel $0xFFFF  }
0xc1: {  	[dreg:$0x0] =	wrdreg $0xFFFFFFFF;
	(pc) =	sbr.abs _section_cstart, $3  }
0xc2: {  	[dreg:$0x1] =	wrdreg $0xFFFFFFFF  }
0xc3: {  	_ =	task.clear_ibuf [dreg:s7], $0x2FFFF;
	_ =	strace $0x9FFFFFFF  }
0xc4: {  	(tm) =	ssettm $0x7FFFFFFF  }
0xc5: {  	_ =	shalt  }
tec
execute0_lowered:
.L_overlay_start_1:
0x0: {  	(tag) =	ssettag $0x1  }
0x1: {  	s0 =	rddreg [dreg:$0x0]  }
0x2: {  	s1 =	rddreg [dreg:$0x1]  }
0x3: {  	s2 =	rddreg [dreg:$0x2]  }
0x4: {  	s3 =	rddreg [dreg:$0x3];
	s5 =	srdreg.scid  }
0x5: {  	s16 =	stileid.u32;
	s4 =	simm.s32 $0x0;
	s17 =	simm.s32 $0xA  }
0x6: {  	s28 =	simm.s32 $0xD180;
	s30 =	simm.s32 $0xE180;
	s18 =	simm.s32 $0x15400  }
0x7: {  	s29 =	simm.s32 $0x8;
	s31 =	simm.s32 $0x9;
	s7 =	smul.u32 $0x5000, s16  }
0x8: {  	s6 =	sand.u32 $0x1, s5;
	[smem:$0x7FF] =	sst s4;
	s14 =	smul.u32 $0x280, s16  }
0x9: {  	s5 =	sadd.s32 $0x15E00, s0;
	s11 =	sadd.s32 $0x2400, s0;
	s20 =	smul.u32 $0x4E00, s16  }
0xa: {  	s9 =	sshll.u32 s16, $0x1;
	s8 =	smul.u32 $0x50000, s6;
	_ =	strace $0x80000047  }
0xb: {  	s10 =	ssub.s32 $0x2, s6;
	s9 =	sor.u32 s6, s9;
	s15 =	smul.u32 $0x2700, s6  }
0xc: {  	p0 =	seq.s32 s6, $0x1;
	s6 =	simm.s32 $0x3;
	s12 =	sshrl.u32 s10, $0x1  }
0xd: {  	s13 =	smul.u32 $0x2700, s9;
	s9 =	sshll.u32 s9, $0x4;
	s24 =	sshrl.u32 s14, $0x3  }
0xe: {  	s8 =	sadd.s32 s7, s8;
	s12 =	ssub.s32 s10, s12;
	s9 =	sadd.s32 s9, s11  }
0xf: {  	s7 =	sadd.s32 s7, s2;
	s23 =	sadd.s32 s15, s20;
	s20 =	simm.s32 $0x80  }
0x10: {  	s8 =	sshrl.u32 s8, $0x3;
	s19 =	sshrl.u32 s13, $0x3;
	s21 =	sadd.s32 $0x9C00, s9  }
0x11: {  	s9 =	sadd.s32 $0x13840, s9;
	[dreg:$0x8] =	wrdreg s7;
	s7 =	sadd.s32 $0x4E200, s23  }
0x12: {  	s25 =	smax.u32 s12, $0x1;
	s13 =	simm.s32 $0x5280;
	[dreg:$0x6] =	wrdreg s21  }
0x13: {  	s23 =	simm.s32 $0xB180;
	s8 =	sadd.s32 s8, s0;
	[dreg:$0x7] =	wrdreg s9  }
0x14: {  	s0 =	sadd.s32 $0x1FE00, s0;
	s10 =	sadd.s32 s11, s19;
	[dreg:$0xa] =	wrdreg s25  }
0x15: {  	s26 =	sshrl.u32 s7, $0x3;
	s19 =	simm.s32 $0x1;
	s21 =	simm.s32 $0xA180  }
0x16: {  	s25 =	simm.s32 $0xC180;
	s7 =	simm.s32 $0x0;
	[dreg:$0x5] =	wrdreg s10  }
.Ltmp0:
0x17: {  	s10 =	sadd.s32 s14, s3;
	s22 =	sadd.s32 $0x20400, s8;
	(pc) =	sbr.rel .LBB2_1-.Ltmp0, $4  }
0x18: {  	s1 =	smov.u32 @p0 s0;
	s14 =	sadd.s32 s26, s11;
	p0 =	sgt.u32 s16, $0x1  }
0x19: {  	s0 =	simm.s32 $0xF180;
	s16 =	simm.s32 $0x4;
	s26 =	simm.s32 $0x2  }
0x1a: {  	[dreg:$0x9] =	wrdreg s22;
	s1 =	sadd.s32 s1, s24;
	s22 =	simm.s32 $0x5  }
0x1b: {  	v0 =	vimm.f32 $0.0e+00;
	v1 =	vimm.f32 $1.000000000e+00;
	s24 =	simm.s32 $0x6;
	[dreg:$0xb] =	wrdreg s1;
	s1 =	simm.s32 $0x7  }
.LBB2_10:
0x1c: {  	s8 =	simm.s32 @!p0 $0x80;
	s9 =	simm.s32 @!p0 $0x7980;
	s11 =	simm.s32 @!p0 $0xA180  }
0x1d: {  	[tilespmem:s11], [sflag:$0x4] =	stream.indirect.gather @!p0 [hbm4b:s5+s8], $0x20, s9, s8, $0xb8;
	[tilespmem:$0x15480] =	vst v63  }
0x1e: {  	s9 =	simm.s32 @!p0 $0x4  }
0x1f: {  	_ =	swait.ge @!p0 [sflag:s9], $0x1000  }
0x20: {  	[sflag:s9] =	ssyncset.done @!p0 $0x0  }
0x21: {  	[sflag:s9] =	ssyncadd.s32 @!p0 $0xFFFFF000;
	s9 =	simm.s32 @!p0 $0xA100  }
0x22: {  	[spmem:s2] =	stream.indirect.scatter.add.f32 @!p0 [tilespmem:s11], [sflag:$0x2], $0x20, s9, s8, $0xb8;
	[tilespmem:$0x15480] =	vst v63  }
0x23: {  	s11 =	simm.s32 @!p0 $0x15400  }
0x24: {  	[spmem:s3] =	stream.indirect.scatter.add.f32 @!p0 [tilespmem:s11], [sflag:$0x2], $0x1, s9, s8, $0xb8;
	[tilespmem:$0x15480] =	vst v63  }
0x25: {  	s8 =	simm.s32 @!p0 $0x2  }
0x26: {  	_ =	swait.ge @!p0 [sflag:s8], $0x1000  }
0x27: {  	[sflag:s8] =	ssyncset.done @!p0 $0x0  }
0x28: {  	[sflag:s8] =	ssyncadd.s32 @!p0 $0xFFFFF000  }
0x29: {  	_ =	swait.ge @!p0 [sflag:s8], $0x80  }
0x2a: {  	[sflag:s8] =	ssyncset.done @!p0 $0x0  }
0x2b: {  	[sflag:s8] =	ssyncadd.s32 @!p0 $0xFFFFFF80  }
0x2c: {  	s12 =	stileid.u32;
	[bflag:$0x0] =	sbarrier.arrive $0xFFFF  }
0x2d: {  	s8 =	sshll.u32 s12, $0x6;
	s13 =	rddreg [dreg:$0x8]  }
0x2e: {  	s8 =	sor.u32 $0x1C0A, s8;
	s15 =	rddreg [dreg:$0x9];
	s9 =	sshrl.u32 s13, $0x3  }
0x2f: {  	[hbm:s15], [sflag:s8] =	dma.local [spmem:s9], $0xA00  }
0x30: {  	_ =	swait.ge [sflag:s17], $0xA00  }
0x31: {  	[sflag:s17] =	ssyncset.done $0x0  }
0x32: {  	s12 =	sshrl.u32 s10, $0x3;
	s13 =	rddreg [dreg:$0xb];
	[sflag:s17] =	ssyncadd.s32 $0xFFFFF600  }
0x33: {  	[hbm:s13], [sflag:s8] =	dma.local [spmem:s12], $0x50  }
0x34: {  	_ =	swait.ge [sflag:s17], $0x50  }
0x35: {  	s7 =	sadd.s32 $0x1, s7;
	s15 =	rddreg [dreg:$0xa]  }
0x36: {  	p1 =	sne.s32 s7, s15  }
.Ltmp1:
0x37: {  	_ = 	snop;
	(pc) =	sbr.rel @!p1 .LBB2_11-.Ltmp1, $3  }
0x38: {  	_ =	sdelay $0x1  }
0x39: {  	[sflag:s17] =	ssyncset.done $0x0  }
0x3a: {  	s13 =	simm.s32 $0x5280;
	[sflag:s17] =	ssyncadd.s32 $0xFFFFFFB0  }
.LBB2_1:
0x3b: {  	s8 =	rddreg [dreg:$0x5];
	s11 =	simm.s32 $0x10  }
0x3c: {  	[tilespmem:s13], [sflag:$0x1] =	stream.linear.gather [hbm4b:s8+s4], $0x2700, $0x38;
	[tilespmem:$0x15480] =	vst v63  }
0x3d: {  	s12 =	sadd.s32 $0x0, s14;
	s15 =	simm.s32 $0x7A80;
	s8 =	simm.s32 $0x7A00  }
.LBB2_2:
0x3e: {  	[tilespmem:s8], [sflag:$0x1] =	stream.linear.gather [hbm4b:s12+s4], $0x80, $0x38;
	[tilespmem:$0x15480] =	vst v63  }
0x3f: {  	s12 =	smov.u32 s11;
	s8 =	smov.u32 s15;
	p1 =	sne.s32 s11, $0x4D0  }
.Ltmp2:
0x40: {  	s11 =	sadd.s32 $0x10, s11;
	(pc) =	sbr.rel @p1 .LBB2_2-.Ltmp2, $2  }
0x41: {  	_ =	sdelay $0x2  }
0x42: {  	s15 =	sadd.s32 $0x80, s15;
	s12 =	sadd.s32 s12, s14  }
0x43: {  	[tilespmem:s8], [sflag:$0x1] =	stream.linear.gather [hbm4b:s12+s4], $0x80, $0x38;
	[tilespmem:$0x15480] =	vst v63  }
0x44: {  	s8 =	simm.s32 @!p0 $0x0;
	s11 =	simm.s32 @!p0 $0x7980;
	s9 =	rddreg [dreg:$0x6]  }
0x45: {  	[tilespmem:s11], [sflag:$0x1] =	stream.linear.gather @!p0 [hbm4b:s9+s8], $0x80, $0x38;
	[tilespmem:$0x15480] =	vst v63  }
0x46: {  	s11 =	simm.s32 @!p0 $0xA100;
	s9 =	rddreg [dreg:$0x7]  }
0x47: {  	[tilespmem:s11], [sflag:$0x1] =	stream.linear.gather @!p0 [hbm4b:s9+s8], $0x80, $0x38;
	[tilespmem:$0x15480] =	vst v63  }
0x48: {  	s8 =	simm.s32 $0x80;
	s11 =	simm.s32 $0x0  }
.LBB2_4:
0x49: {  	p1 =	sne.s32 s8, $0x13F80;
	[tilespmem:s11+$0x10180] =	vst v0;
	s12 =	smov.u32 s8;
	s8 =	sadd.s32 $0x80, s8  }
.Ltmp3:
0x4a: {  	[tilespmem:s11+$0x10190] =	vst v0;
	(pc) =	sbr.rel @p1 .LBB2_4-.Ltmp3, $2  }
0x4b: {  	_ =	sdelay $0x2  }
0x4c: {  	s11 =	sshra.s32 s12, $0x2  }
0x4d: {  	[tilespmem:s11+$0x10180] =	vst v0  }
0x4e: {  	[tilespmem:s11+$0x10190] =	vst v0  }
0x4f: {  	[tilespmem:$0x15180] =	vst v0  }
0x50: {  	[tilespmem:$0x15190] =	vst v0  }
0x51: {  	[tilespmem:$0x151A0] =	vst v0  }
0x52: {  	[tilespmem:$0x151B0] =	vst v0  }
0x53: {  	[tilespmem:$0x151C0] =	vst v0  }
0x54: {  	[tilespmem:$0x151D0] =	vst v0  }
0x55: {  	[tilespmem:$0x151E0] =	vst v0  }
0x56: {  	[tilespmem:$0x151F0] =	vst v0  }
0x57: {  	[tilespmem:$0x15200] =	vst v0  }
0x58: {  	[tilespmem:$0x15210] =	vst v0  }
0x59: {  	[tilespmem:$0x15220] =	vst v0  }
0x5a: {  	[tilespmem:$0x15230] =	vst v0  }
0x5b: {  	[tilespmem:$0x15240] =	vst v0  }
0x5c: {  	[tilespmem:$0x15250] =	vst v0  }
0x5d: {  	[tilespmem:$0x15260] =	vst v0  }
0x5e: {  	[tilespmem:$0x15270] =	vst v0  }
0x5f: {  	[tilespmem:$0x15280] =	vst v0  }
0x60: {  	[tilespmem:$0x15290] =	vst v0  }
0x61: {  	[tilespmem:$0x152A0] =	vst v0  }
0x62: {  	[tilespmem:$0x152B0] =	vst v0  }
0x63: {  	[tilespmem:$0x152C0] =	vst v0  }
0x64: {  	[tilespmem:$0x152D0] =	vst v0  }
0x65: {  	[tilespmem:$0x152E0] =	vst v0  }
0x66: {  	[tilespmem:$0x152F0] =	vst v0  }
0x67: {  	[tilespmem:$0x15300] =	vst v0  }
0x68: {  	[tilespmem:$0x15310] =	vst v0  }
0x69: {  	[tilespmem:$0x15320] =	vst v0  }
0x6a: {  	[tilespmem:$0x15330] =	vst v0  }
0x6b: {  	[tilespmem:$0x15340] =	vst v0  }
0x6c: {  	[tilespmem:$0x15350] =	vst v0  }
0x6d: {  	[tilespmem:$0x15360] =	vst v0  }
0x6e: {  	[tilespmem:$0x15370] =	vst v0  }
0x6f: {  	[tilespmem:$0x15380] =	vst v0  }
0x70: {  	[tilespmem:$0x15390] =	vst v0  }
0x71: {  	[tilespmem:$0x153A0] =	vst v0  }
0x72: {  	[tilespmem:$0x153B0] =	vst v0  }
0x73: {  	[tilespmem:$0x153C0] =	vst v0  }
0x74: {  	[tilespmem:$0x153D0] =	vst v0  }
0x75: {  	[tilespmem:$0x153E0] =	vst v0  }
0x76: {  	[tilespmem:$0x153F0] =	vst v0  }
0x77: {  	[tilespmem:$0x15400] =	vst v1  }
0x78: {  	[tilespmem:$0x15410] =	vst v1  }
0x79: {  	[tilespmem:$0x15420] =	vst v1  }
0x7a: {  	[tilespmem:$0x15430] =	vst v1  }
0x7b: {  	[tilespmem:$0x15440] =	vst v1  }
0x7c: {  	[tilespmem:$0x15450] =	vst v1  }
0x7d: {  	[tilespmem:$0x15460] =	vst v1  }
0x7e: {  	s8 =	rddreg [dreg:$0x8];
	s9 =	simm.s32 $0x10180;
	[tilespmem:$0x15470] =	vst v1  }
0x7f: {  	[spmem:s8] =	stream.linear.scatter [tilespmem:s9], [sflag:$0xA], $0x5000, $0x38;
	[tilespmem:$0x15480] =	vst v63  }
0x80: {  	_ =	swait.ge [sflag:s17], $0x5000  }
0x81: {  	[sflag:s17] =	ssyncset.done $0x0  }
0x82: {  	s15 =	simm.s32 $0x15180;
	[sflag:s17] =	ssyncadd.s32 $0xFFFFB000  }
0x83: {  	[spmem:s10] =	stream.linear.scatter [tilespmem:s15], [sflag:$0xA], $0x280, $0x38;
	[tilespmem:$0x15480] =	vst v63  }
0x84: {  	_ =	swait.ge [sflag:s17], $0x280  }
0x85: {  	[sflag:s17] =	ssyncset.done $0x0  }
0x86: {  	[sflag:s17] =	ssyncadd.s32 $0xFFFFFD80  }
0x87: {  	_ =	swait.ge [sflag:s19], $0x2700  }
0x88: {  	[sflag:s19] =	ssyncset.done $0x0  }
0x89: {  	[sflag:s19] =	ssyncadd.s32 $0xFFFFD900  }
0x8a: {  	_ =	swait.ge [sflag:s19], $0x80  }
0x8b: {  	s8 =	simm.s32 $0x4D;
	[sflag:s19] =	ssyncset.done $0x0  }
.LBB2_6:
0x8c: {  	p1 =	sne.s32 s8, $0x1;
	s8 =	sadd.s32 $0xFFFFFFFF, s8;
	[sflag:s19] =	ssyncadd.s32 $0xFFFFFF80  }
.Ltmp4:
0x8d: {  	(pc) =	sbr.rel @p1 .LBB2_6-.Ltmp4, $3  }
0x8e: {  	_ =	sdelay $0x1  }
0x8f: {  	_ =	swait.ge [sflag:s19], $0x80  }
0x90: {  	[sflag:s19] =	ssyncset.done $0x0  }
0x91: {  	[sflag:s19] =	ssyncadd.s32 $0xFFFFFF80;
	s8 =	simm.s32 @!p0 $0x1  }
0x92: {  	_ =	swait.ge @!p0 [sflag:s8], $0x80  }
0x93: {  	[sflag:s8] =	ssyncset.done @!p0 $0x0  }
0x94: {  	[sflag:s8] =	ssyncadd.s32 @!p0 $0xFFFFFF80  }
0x95: {  	_ =	swait.ge @!p0 [sflag:s8], $0x80  }
0x96: {  	[sflag:s8] =	ssyncset.done @!p0 $0x0  }
0x97: {  	[sflag:s8] =	ssyncadd.s32 @!p0 $0xFFFFFF80  }
0x98: {  	[bflag:$0x0] =	sbarrier.arrive $0xFFFF  }
0x99: {  	[tilespmem:s21], [sflag:$0x4] =	stream.indirect.gather [hbm4b:s5+s20], $0x20, s13, s20, $0xb8;
	[tilespmem:$0x15480] =	vst v63  }
0x9a: {  	s9 =	simm.s32 $0x5300  }
0x9b: {  	[tilespmem:s23], [sflag:$0x5] =	stream.indirect.gather [hbm4b:s5+s20], $0x20, s9, s20, $0xb8;
	[tilespmem:$0x15480] =	vst v63  }
0x9c: {  	s11 =	simm.s32 $0x5380  }
0x9d: {  	[tilespmem:s25], [sflag:$0x6] =	stream.indirect.gather [hbm4b:s5+s20], $0x20, s11, s20, $0xb8;
	[tilespmem:$0x15480] =	vst v63  }
0x9e: {  	s12 =	simm.s32 $0x5400  }
0x9f: {  	[tilespmem:s28], [sflag:$0x7] =	stream.indirect.gather [hbm4b:s5+s20], $0x20, s12, s20, $0xb8;
	[tilespmem:$0x15480] =	vst v63  }
0xa0: {  	s13 =	simm.s32 $0x5480  }
0xa1: {  	[tilespmem:s30], [sflag:$0x8] =	stream.indirect.gather [hbm4b:s5+s20], $0x20, s13, s20, $0xb8;
	[tilespmem:$0x15480] =	vst v63  }
0xa2: {  	s15 =	simm.s32 $0x5500;
	s8 =	simm.s32 $0x0  }
0xa3: {  	[tilespmem:s0], [sflag:$0x9] =	stream.indirect.gather [hbm4b:s5+s20], $0x20, s15, s20, $0xb8;
	[tilespmem:$0x15480] =	vst v63  }
.LBB2_8:
0xa4: {  	_ =	swait.ge [sflag:s16], $0x1000  }
0xa5: {  	s11 =	sshra.s32 s8, $0x2;
	[sflag:s16] =	ssyncset.done $0x0  }
0xa6: {  	s12 =	sadd.s32 $0x7A00, s11;
	[sflag:s16] =	ssyncadd.s32 $0xFFFFF000  }
0xa7: {  	[spmem:s2] =	stream.indirect.scatter.add.f32 [tilespmem:s21], [sflag:$0x2], $0x20, s12, s20, $0xb8;
	[tilespmem:$0x15480] =	vst v63  }
0xa8: {  	_ = 	snop  }
0xa9: {  	[spmem:s3] =	stream.indirect.scatter.add.f32 [tilespmem:s18], [sflag:$0x2], $0x1, s12, s20, $0xb8;
	[tilespmem:$0x15480] =	vst v63  }
0xaa: {  	_ =	swait.ge [sflag:s22], $0x1000  }
0xab: {  	[sflag:s22] =	ssyncset.done $0x0  }
0xac: {  	s15 =	sadd.s32 $0x7A80, s11;
	[sflag:s22] =	ssyncadd.s32 $0xFFFFF000  }
0xad: {  	[spmem:s2] =	stream.indirect.scatter.add.f32 [tilespmem:s23], [sflag:$0x2], $0x20, s15, s20, $0xb8;
	[tilespmem:$0x15480] =	vst v63  }
0xae: {  	_ = 	snop  }
0xaf: {  	[spmem:s3] =	stream.indirect.scatter.add.f32 [tilespmem:s18], [sflag:$0x2], $0x1, s15, s20, $0xb8;
	[tilespmem:$0x15480] =	vst v63  }
0xb0: {  	_ =	swait.ge [sflag:s24], $0x1000  }
0xb1: {  	[sflag:s24] =	ssyncset.done $0x0  }
0xb2: {  	s9 =	sadd.s32 $0x7B00, s11;
	[sflag:s24] =	ssyncadd.s32 $0xFFFFF000  }
0xb3: {  	[spmem:s2] =	stream.indirect.scatter.add.f32 [tilespmem:s25], [sflag:$0x2], $0x20, s9, s20, $0xb8;
	[tilespmem:$0x15480] =	vst v63  }
0xb4: {  	_ = 	snop  }
0xb5: {  	[spmem:s3] =	stream.indirect.scatter.add.f32 [tilespmem:s18], [sflag:$0x2], $0x1, s9, s20, $0xb8;
	[tilespmem:$0x15480] =	vst v63  }
0xb6: {  	_ =	swait.ge [sflag:s26], $0x1000  }
0xb7: {  	[sflag:s26] =	ssyncset.done $0x0  }
0xb8: {  	[sflag:s26] =	ssyncadd.s32 $0xFFFFF000  }
0xb9: {  	_ =	swait.ge [sflag:s26], $0x80  }
0xba: {  	[sflag:s26] =	ssyncset.done $0x0  }
0xbb: {  	[sflag:s26] =	ssyncadd.s32 $0xFFFFFF80  }
0xbc: {  	_ =	swait.ge [sflag:s26], $0x1000  }
0xbd: {  	[sflag:s26] =	ssyncset.done $0x0  }
0xbe: {  	[sflag:s26] =	ssyncadd.s32 $0xFFFFF000  }
0xbf: {  	_ =	swait.ge [sflag:s26], $0x80  }
0xc0: {  	[sflag:s26] =	ssyncset.done $0x0  }
0xc1: {  	[sflag:s26] =	ssyncadd.s32 $0xFFFFFF80  }
0xc2: {  	_ =	swait.ge [sflag:s26], $0x1000  }
0xc3: {  	[sflag:s26] =	ssyncset.done $0x0  }
0xc4: {  	[sflag:s26] =	ssyncadd.s32 $0xFFFFF000  }
0xc5: {  	p1 =	seq.s32 s8, $0x9000;
	_ =	swait.ge [sflag:s26], $0x80  }
0xc6: {  	s13 =	simm.s32 @!p1 $0x80;
	s12 =	sshra.s32 @!p1 s8, $0x2;
	[sflag:s26] =	ssyncset.done $0x0  }
0xc7: {  	s15 =	sadd.s32 @!p1 $0x5580, s12;
	s9 =	simm.s32 @!p1 $0xA180;
	[sflag:s26] =	ssyncadd.s32 $0xFFFFFF80  }
0xc8: {  	[tilespmem:s9], [sflag:$0x4] =	stream.indirect.gather @!p1 [hbm4b:s5+s13], $0x20, s15, s13, $0xb8;
	[tilespmem:$0x15480] =	vst v63  }
0xc9: {  	s9 =	sadd.s32 @!p1 $0x5600, s12;
	s15 =	simm.s32 @!p1 $0xB180  }
0xca: {  	[tilespmem:s15], [sflag:$0x5] =	stream.indirect.gather @!p1 [hbm4b:s5+s13], $0x20, s9, s13, $0xb8;
	[tilespmem:$0x15480] =	vst v63  }
0xcb: {  	s9 =	sadd.s32 @!p1 $0x5680, s12;
	s12 =	simm.s32 @!p1 $0xC180  }
0xcc: {  	[tilespmem:s12], [sflag:$0x6] =	stream.indirect.gather @!p1 [hbm4b:s5+s13], $0x20, s9, s13, $0xb8;
	[tilespmem:$0x15480] =	vst v63  }
0xcd: {  	_ =	swait.ge [sflag:s1], $0x1000  }
0xce: {  	[sflag:s1] =	ssyncset.done $0x0  }
0xcf: {  	s12 =	sadd.s32 $0x7B80, s11;
	[sflag:s1] =	ssyncadd.s32 $0xFFFFF000  }
0xd0: {  	[spmem:s2] =	stream.indirect.scatter.add.f32 [tilespmem:s28], [sflag:$0x3], $0x20, s12, s20, $0xb8;
	[tilespmem:$0x15480] =	vst v63  }
0xd1: {  	_ = 	snop  }
0xd2: {  	[spmem:s3] =	stream.indirect.scatter.add.f32 [tilespmem:s18], [sflag:$0x3], $0x1, s12, s20, $0xb8;
	[tilespmem:$0x15480] =	vst v63  }
0xd3: {  	_ =	swait.ge [sflag:s29], $0x1000  }
0xd4: {  	[sflag:s29] =	ssyncset.done $0x0  }
0xd5: {  	s13 =	sadd.s32 $0x7C00, s11;
	[sflag:s29] =	ssyncadd.s32 $0xFFFFF000  }
0xd6: {  	[spmem:s2] =	stream.indirect.scatter.add.f32 [tilespmem:s30], [sflag:$0x3], $0x20, s13, s20, $0xb8;
	[tilespmem:$0x15480] =	vst v63  }
0xd7: {  	_ = 	snop  }
0xd8: {  	[spmem:s3] =	stream.indirect.scatter.add.f32 [tilespmem:s18], [sflag:$0x3], $0x1, s13, s20, $0xb8;
	[tilespmem:$0x15480] =	vst v63  }
0xd9: {  	_ =	swait.ge [sflag:s31], $0x1000  }
0xda: {  	[sflag:s31] =	ssyncset.done $0x0  }
0xdb: {  	s15 =	sadd.s32 $0x7C80, s11;
	[sflag:s31] =	ssyncadd.s32 $0xFFFFF000  }
0xdc: {  	[spmem:s2] =	stream.indirect.scatter.add.f32 [tilespmem:s0], [sflag:$0x3], $0x20, s15, s20, $0xb8;
	[tilespmem:$0x15480] =	vst v63  }
0xdd: {  	_ = 	snop  }
0xde: {  	[spmem:s3] =	stream.indirect.scatter.add.f32 [tilespmem:s18], [sflag:$0x3], $0x1, s15, s20, $0xb8;
	[tilespmem:$0x15480] =	vst v63  }
0xdf: {  	_ =	swait.ge [sflag:s6], $0x1000  }
0xe0: {  	[sflag:s6] =	ssyncset.done $0x0  }
0xe1: {  	[sflag:s6] =	ssyncadd.s32 $0xFFFFF000  }
0xe2: {  	_ =	swait.ge [sflag:s6], $0x80  }
0xe3: {  	[sflag:s6] =	ssyncset.done $0x0  }
0xe4: {  	[sflag:s6] =	ssyncadd.s32 $0xFFFFFF80  }
0xe5: {  	_ =	swait.ge [sflag:s6], $0x1000  }
0xe6: {  	[sflag:s6] =	ssyncset.done $0x0  }
0xe7: {  	[sflag:s6] =	ssyncadd.s32 $0xFFFFF000  }
0xe8: {  	_ =	swait.ge [sflag:s6], $0x80  }
0xe9: {  	[sflag:s6] =	ssyncset.done $0x0  }
0xea: {  	[sflag:s6] =	ssyncadd.s32 $0xFFFFFF80  }
0xeb: {  	_ =	swait.ge [sflag:s6], $0x1000  }
.Ltmp5:
0xec: {  	[sflag:s6] =	ssyncset.done $0x0;
	(pc) =	sbr.rel @p1 .LBB2_10-.Ltmp5, $4  }
0xed: {  	[sflag:s6] =	ssyncadd.s32 $0xFFFFF000  }
0xee: {  	_ =	swait.ge [sflag:s6], $0x80  }
0xef: {  	[sflag:s6] =	ssyncset.done $0x0  }
0xf0: {  	[sflag:s6] =	ssyncadd.s32 $0xFFFFFF80  }
0xf1: {  	s9 =	sadd.s32 $0x5700, s11  }
0xf2: {  	[tilespmem:s28], [sflag:$0x7] =	stream.indirect.gather [hbm4b:s5+s20], $0x20, s9, s20, $0xb8;
	[tilespmem:$0x15480] =	vst v63  }
.Ltmp6:
0xf3: {  	_ = 	snop;
	(pc) =	sbr.rel .LBB2_8-.Ltmp6, $4  }
0xf4: {  	s13 =	sadd.s32 $0x5780, s11  }
0xf5: {  	[tilespmem:s30], [sflag:$0x8] =	stream.indirect.gather [hbm4b:s5+s20], $0x20, s13, s20, $0xb8;
	[tilespmem:$0x15480] =	vst v63  }
0xf6: {  	s15 =	sadd.s32 $0x5800, s11;
	s8 =	sadd.s32 $0xC00, s8  }
0xf7: {  	[tilespmem:s0], [sflag:$0x9] =	stream.indirect.gather [hbm4b:s5+s20], $0x20, s15, s20, $0xb8;
	[tilespmem:$0x15480] =	vst v63  }
.LBB2_11:
0xf8: {  	_ =	sfence.sel $0x180000  }
0xf9: {  	[bflag:$0x0] =	sbarrier.arrive $0xFFFF  }
0xfa: {  	_ =	strace $0x90000047  }
0xfb: {  	s0 =	stileid.u32;
	[bflag:$0x2] =	sbarrier.arrive $0xFFFF  }
0xfc: {  	p0 =	sne.s32 s0, $0x0;
	s0 =	rddreg [dreg:$0x4]  }
0xfd: {  	s0 =	sadd.s32 @!p0 $0x100000, s0  }
0xfe: {  	[sflag:s0] =	ssyncadd.tile.s32 @!p0 $0x1;
	_ =	shalt  }
.Lfunc_end2:
_tile_overlayer_lowered:
.L_overlay_start_2:
0xff: {  	(tag) =	ssettag $0x2  }
0x100: {  	s0 =	rddreg [dreg:$0x0];
	s2 =	stileid.u32  }
0x101: {  	s1 =	rddreg [dreg:$0x1];
	p0 =	sne.s32 s2, $0x0  }
0x102: {  	s3 =	rddreg [dreg:$0x2];
	[bflag:$0x3] =	sbarrier.arrive $0xFFFF;
	s2 =	simm.s32 @!p0 $0x1C0A  }
0x103: {  	[timem:s3], [sflag:s2] =	dma.local @!p0 [hbm:s0], s1  }
0x104: {  	s0 =	simm.s32 @!p0 $0xA  }
0x105: {  	_ =	swait.ge @!p0 [sflag:s0], s1  }
0x106: {  	s1 =	ssub.s32 @!p0 $0x0, s1;
	[sflag:s0] =	ssyncset.done @!p0 $0x0  }
0x107: {  	[sflag:s0] =	ssyncadd.s32 @!p0 s1  }
0x108: {  	[bflag:$0x3] =	sbarrier.arrive $0xFFFF  }
0x109: {  	_ =	shalt  }

</sc_bundles>
